<compile_context>
chip_gen: v7x
topology: tpu7x:2x2x1
jax: 0.10.2.dev20260603
libtpu: 0.0.44.dev20260713+nightly
codegen_flags: <defaults>
</compile_context>

<pallas_src>
import functools

import jax
import jax.numpy as jnp
from jax import lax
from jax.experimental import pallas as pl
from jax.experimental.pallas import tpu as pltpu
from jax.experimental.pallas import tpu_sc as plsc

N = 10000
NP = 10240
E = 160000
EP = 163840
D = 256
H = 512
NSUB = 16
NCORE = 2
EC = EP // (NSUB * NCORE) // 128
ROWS_PER_TILE = NP // NSUB
W = 128
JUNK_ROW = N + 16


def _fill(buf, val):
    def frow(r, _):
        def fcol(q, _):
            buf[r, pl.ds(q * 16, 16)] = jnp.full((16,), val, jnp.float32)
            return 0
        return lax.fori_loop(0, W // 16, fcol, 0)
    lax.fori_loop(0, 128, frow, 0)


def _make_sc_agg(n_tables, count_chunk):
    n_chunks = n_tables + (1 if count_chunk else 0)
    mesh = plsc.VectorSubcoreMesh(core_axis_name="c", subcore_axis_name="s")

    def body(*refs):
        tabs = refs[:n_tables]
        src_hbm = refs[n_tables]
        dst_hbm = refs[n_tables + 1]
        zeros_hbm = refs[n_tables + 2]
        out = refs[n_tables + 3]
        src_v, dst_v, b0, b1, acc, sem0, sem1 = refs[n_tables + 4:]

        c = lax.axis_index("c")
        s = lax.axis_index("s")
        wid = c * NSUB + s
        row0 = s * ROWS_PER_TILE
        slab = pl.ds(row0, ROWS_PER_TILE)

        pltpu.sync_copy(src_hbm.at[wid], src_v)
        pltpu.sync_copy(dst_hbm.at[wid], dst_v)

        if count_chunk:
            _fill(b0, 1.0)

        for k in range(n_chunks):
            pltpu.sync_copy(zeros_hbm.at[slab], acc.at[slab])
            plsc.subcore_barrier()
            if count_chunk and k == 0:
                def cbody(j, _):
                    pltpu.async_copy(b0, acc.at[dst_v.at[j]], sem0, add=True)

                    @pl.when(j >= 2)
                    def _():
                        pltpu.make_async_copy(b0, acc.at[dst_v.at[0]], sem0).wait()
                    return 0
                lax.fori_loop(0, EC, cbody, 0)
                pltpu.make_async_copy(b0, acc.at[dst_v.at[0]], sem0).wait()
                pltpu.make_async_copy(b0, acc.at[dst_v.at[0]], sem0).wait()
            else:
                tab = tabs[k - 1 if count_chunk else k]
                pltpu.async_copy(tab.at[src_v.at[0]], b0, sem0)

                def ebody(jj, _):
                    j0 = 2 * jj
                    pltpu.async_copy(tab.at[src_v.at[j0 + 1]], b1, sem1)
                    pltpu.make_async_copy(tab.at[src_v.at[j0]], b0, sem0).wait()
                    pltpu.sync_copy(b0, acc.at[dst_v.at[j0]], add=True)

                    @pl.when(jj < EC // 2 - 1)
                    def _():
                        pltpu.async_copy(tab.at[src_v.at[j0 + 2]], b0, sem0)
                    pltpu.make_async_copy(tab.at[src_v.at[j0 + 1]], b1, sem1).wait()
                    pltpu.sync_copy(b1, acc.at[dst_v.at[j0 + 1]], add=True)
                    return 0
                lax.fori_loop(0, EC // 2, ebody, 0)
            plsc.subcore_barrier()
            pltpu.sync_copy(acc.at[slab], out.at[c, k, slab])

    return pl.kernel(
        body,
        out_type=jax.ShapeDtypeStruct((NCORE, n_chunks, NP, W), jnp.float32),
        mesh=mesh,
        scratch_types=[
            pltpu.VMEM((EC, 128), jnp.int32),
            pltpu.VMEM((EC, 128), jnp.int32),
            pltpu.VMEM((128, W), jnp.float32),
            pltpu.VMEM((128, W), jnp.float32),
            pltpu.VMEM_SHARED((NP, W), jnp.float32),
            pltpu.SemaphoreType.DMA,
            pltpu.SemaphoreType.DMA,
        ],
    )


_sc_agg1 = _make_sc_agg(2, True)
_sc_agg2 = _make_sc_agg(4, False)


_DOT = functools.partial(jax.lax.dot_general,
                         dimension_numbers=(((1,), (0,)), ((), ())),
                         preferred_element_type=jnp.float32,
                         precision=jax.lax.Precision.HIGHEST)


def _mm1_body(p_ref, x_ref, w_ref, b_ref, h0, h1o, h2o, h3o):
    p = p_ref[...]
    cnt = p[0, 0] + p[1, 0]
    inv = 1.0 / jnp.maximum(cnt, 1.0)
    acc = _DOT((p[0, 1] + p[1, 1]) * inv, w_ref[0:128, :])
    acc += _DOT((p[0, 2] + p[1, 2]) * inv, w_ref[128:256, :])
    acc += _DOT(x_ref[...], w_ref[256:512, :])
    h = jnp.maximum(acc + b_ref[...], 0.0)
    h0[...] = h[:, 0:128]
    h1o[...] = h[:, 128:256]
    h2o[...] = h[:, 256:384]
    h3o[...] = h[:, 384:512]


def _mm2_body(q_ref, pc_ref, h0, h1r, h2r, h3r, w2_ref, b2_ref,
              wf1_ref, bf1_ref, wf2_ref, bf2_ref, out_ref, acc_ref):
    i = pl.program_id(0)
    q = q_ref[...]
    pc = pc_ref[...]
    inv = 1.0 / jnp.maximum(pc[0, 0] + pc[1, 0], 1.0)
    hrefs = (h0, h1r, h2r, h3r)
    acc = jnp.zeros((256, H), jnp.float32)
    for k in range(4):
        acc += _DOT((q[0, k] + q[1, k]) * inv, w2_ref[k * 128:(k + 1) * 128, :])
        acc += _DOT(hrefs[k][...], w2_ref[H + k * 128:H + (k + 1) * 128, :])
    h2 = jnp.maximum(acc + b2_ref[...], 0.0)
    row = i * 256 + lax.broadcasted_iota(jnp.int32, (256, 1), 0)
    h2 = jnp.where(row < N, h2, 0.0)
    part = jnp.sum(h2, axis=0, keepdims=True)

    @pl.when(i == 0)
    def _():
        acc_ref[...] = part

    @pl.when(i > 0)
    def _():
        acc_ref[...] = acc_ref[...] + part

    @pl.when(i == (NP // 256) - 1)
    def _():
        g = acc_ref[...] * (1.0 / N)
        z = jnp.maximum(_DOT(g, wf1_ref[...]) + bf1_ref[...], 0.0)
        o = _DOT(z, wf2_ref[...])
        logit = jnp.sum(o, axis=1, keepdims=True) + bf2_ref[...]
        out_ref[...] = 1.0 / (1.0 + jnp.exp(-logit))


def kernel(x, edge_index, W1l, b1l, W1r, W2l, b2l, W2r, Wf1, bf1, Wf2, bf2):
    f32 = jnp.float32
    src = edge_index[0].astype(jnp.int32)
    dst = edge_index[1].astype(jnp.int32)
    srcp = jnp.concatenate([src, jnp.zeros((EP - E,), jnp.int32)]).reshape(32, EC, 128)
    junk = JUNK_ROW + (jnp.arange(EP - E, dtype=jnp.int32) % (NP - JUNK_ROW))
    dstp = jnp.concatenate([dst, junk]).reshape(32, EC, 128)

    xp = jnp.pad(x.astype(f32), ((0, NP - N), (0, 0)))
    xtA = xp[:, :128]
    xtB = xp[:, 128:]

    zrow_hbm = jnp.zeros((NP, W), f32)
    p1 = _sc_agg1(xtA, xtB, srcp, dstp, zrow_hbm)

    w1cat = jnp.concatenate([W1l.T, W1r.T], axis=0)
    grid = (NP // 256,)
    h_sh = jax.ShapeDtypeStruct((NP, 128), f32)
    h0, h1c, h2c, h3c = pl.pallas_call(
        _mm1_body,
        grid=grid,
        in_specs=[
            pl.BlockSpec((2, 3, 256, 128), lambda i: (0, 0, i, 0)),
            pl.BlockSpec((256, D), lambda i: (i, 0)),
            pl.BlockSpec((2 * D, H), lambda i: (0, 0)),
            pl.BlockSpec((1, H), lambda i: (0, 0)),
        ],
        out_specs=[pl.BlockSpec((256, 128), lambda i: (i, 0))] * 4,
        out_shape=[h_sh, h_sh, h_sh, h_sh],
    )(p1, xp, w1cat, b1l.reshape(1, H))

    p2 = _sc_agg2(h0, h1c, h2c, h3c, srcp, dstp, zrow_hbm)

    w2cat = jnp.concatenate([W2l.T, W2r.T], axis=0)
    wf2p = jnp.concatenate([Wf2.T, jnp.zeros((H // 2, 127), f32)], axis=1)
    out = pl.pallas_call(
        _mm2_body,
        grid=grid,
        in_specs=[
            pl.BlockSpec((2, 4, 256, 128), lambda i: (0, 0, i, 0)),
            pl.BlockSpec((2, 1, 256, 128), lambda i: (0, 0, i, 0)),
            pl.BlockSpec((256, 128), lambda i: (i, 0)),
            pl.BlockSpec((256, 128), lambda i: (i, 0)),
            pl.BlockSpec((256, 128), lambda i: (i, 0)),
            pl.BlockSpec((256, 128), lambda i: (i, 0)),
            pl.BlockSpec((2 * H, H), lambda i: (0, 0)),
            pl.BlockSpec((1, H), lambda i: (0, 0)),
            pl.BlockSpec((H, H // 2), lambda i: (0, 0)),
            pl.BlockSpec((1, H // 2), lambda i: (0, 0)),
            pl.BlockSpec((H // 2, 128), lambda i: (0, 0)),
            pl.BlockSpec((1, 1), lambda i: (0, 0)),
        ],
        out_specs=pl.BlockSpec((1, 1), lambda i: (0, 0)),
        out_shape=jax.ShapeDtypeStruct((1, 1), f32),
        scratch_shapes=[pltpu.VMEM((1, H), f32)],
    )(p2, p1[:, 0:1], h0, h1c, h2c, h3c, w2cat, b2l.reshape(1, H),
      Wf1.T, bf1.reshape(1, H // 2), wf2p, bf2.reshape(1, 1))
    return out.reshape(1)

# --- scband reference (transcript-rebuilt; emitter-appended) ---
"""Pipeline reference for scband-graph-sage-net-82789789598521 (READ-ONLY COPY).

The authoritative reference and input builder live on the scoring server;
editing this copy changes nothing except your own understanding.
"""

import jax, jax.numpy as jnp
import numpy as np

N = 10000
E = 160000
D = 256
H = 512


def setup_inputs(seed: int = 0) -> dict:
    key = jax.random.key(seed)
    ks = [jax.random.fold_in(key, i) for i in range(16)]
    x = jax.random.normal(ks[0], (N, D), dtype=jnp.float32)
    edge_index = jax.random.randint(ks[1], (2, E), 0, N, dtype=jnp.int64)
    # SAGEConv layer 1: lin_l (applied to aggregated neighbors, has bias), lin_r (root, no bias)
    W1l = jax.random.normal(ks[2], (H, D), dtype=jnp.float32) * (1.0 / np.sqrt(D))
    b1l = jnp.zeros((H,), dtype=jnp.float32)
    W1r = jax.random.normal(ks[3], (H, D), dtype=jnp.float32) * (1.0 / np.sqrt(D))
    # SAGEConv layer 2
    W2l = jax.random.normal(ks[4], (H, H), dtype=jnp.float32) * (1.0 / np.sqrt(H))
    b2l = jnp.zeros((H,), dtype=jnp.float32)
    W2r = jax.random.normal(ks[5], (H, H), dtype=jnp.float32) * (1.0 / np.sqrt(H))
    # Readout MLP: Linear(H, H//2) -> ReLU -> Linear(H//2, 1)
    Wf1 = jax.random.normal(ks[6], (H // 2, H), dtype=jnp.float32) * (1.0 / np.sqrt(H))
    bf1 = jnp.zeros((H // 2,), dtype=jnp.float32)
    Wf2 = jax.random.normal(ks[7], (1, H // 2), dtype=jnp.float32) * (1.0 / np.sqrt(H // 2))
    bf2 = jnp.zeros((1,), dtype=jnp.float32)
    return {"x": x, "edge_index": edge_index, "W1l": W1l, "b1l": b1l, "W1r": W1r,
            "W2l": W2l, "b2l": b2l, "W2r": W2r,
            "Wf1": Wf1, "bf1": bf1, "Wf2": Wf2, "bf2": bf2}


def _sage_conv(x, src, dst, Wl, bl, Wr, n_nodes):
    msg = x[src]  # gather source node features along edges
    agg = jax.ops.segment_sum(msg, dst, num_segments=n_nodes)
    cnt = jax.ops.segment_sum(jnp.ones((src.shape[0], 1), dtype=x.dtype), dst, num_segments=n_nodes)
    mean = agg / jnp.maximum(cnt, 1.0)
    return mean @ Wl.T + bl + x @ Wr.T


def reference(x, edge_index, W1l, b1l, W1r, W2l, b2l, W2r, Wf1, bf1, Wf2, bf2):
    src = edge_index[0]
    dst = edge_index[1]
    n_nodes = x.shape[0]
    h = _sage_conv(x, src, dst, W1l, b1l, W1r, n_nodes)
    h = jax.nn.relu(h)
    h = _sage_conv(h, src, dst, W2l, b2l, W2r, n_nodes)
    h = jax.nn.relu(h)
    # batch is None -> all nodes belong to graph 0 -> global mean pool over nodes
    g = jnp.mean(h, axis=0, keepdims=True)  # [1, H]
    z = jax.nn.relu(g @ Wf1.T + bf1)
    out = z @ Wf2.T + bf2  # [1, 1]
    return jax.nn.sigmoid(out).squeeze(-1)  # [1]

if __name__ == "__main__":
    import jax
    _d = setup_inputs()
    print(jax.jit(kernel)(*tuple(_d.values())))

</pallas_src>

<mosaic_0001>
#map = affine_map<(d0, d1) -> (0, 0)>
#map1 = affine_map<(d0, d1) -> (0, 0, 0)>
#map2 = affine_map<(d0, d1) -> (0, 0, 0, 0)>
module attributes {stable_mosaic.version = 14 : i64} {
  func.func @body(%arg0: i32, %arg1: i32, %arg2: memref<10240x128xf32, #tpu.memory_space<hbm>>, %arg3: memref<10240x128xf32, #tpu.memory_space<hbm>>, %arg4: memref<32x40x128xi32, #tpu.memory_space<hbm>>, %arg5: memref<32x40x128xi32, #tpu.memory_space<hbm>>, %arg6: memref<10240x128xf32, #tpu.memory_space<hbm>>, %arg7: memref<2x3x10240x128xf32, #tpu.memory_space<hbm>>, %arg8: memref<40x128xi32, #tpu.memory_space<vmem>>, %arg9: memref<40x128xi32, #tpu.memory_space<vmem>>, %arg10: memref<128x128xf32, #tpu.memory_space<vmem>>, %arg11: memref<128x128xf32, #tpu.memory_space<vmem>>, %arg12: memref<10240x128xf32, #tpu.memory_space<vmem_shared>>, %arg13: memref<!tpu.dma_semaphore, #tpu.memory_space<semaphore_mem>>, %arg14: memref<!tpu.dma_semaphore, #tpu.memory_space<semaphore_mem>>) attributes {dimension_semantics = [#tpu.dimension_semantics<core_parallel>, #tpu.dimension_semantics<subcore_parallel>], iteration_bounds = array<i64: 2, 16>, scalar_prefetch = 0 : i64, scratch_operands = 7 : i64, tpu.core_type = #tpu.core_type<sc_vector_subcore>, window_params = [{transform_indices = #map}, {transform_indices = #map}, {transform_indices = #map1}, {transform_indices = #map1}, {transform_indices = #map}, {transform_indices = #map2}]} {
    %mul3A = arith.constant 16 : i32
    %mul3A_0 = arith.muli %arg0, %mul3A : i32
    %add3A = arith.addi %mul3A_0, %arg1 : i32
    %mul3A_1 = arith.constant 640 : i32
    %mul3A_2 = arith.muli %arg1, %mul3A_1 : i32
    "tpu.region"() ({
      %run_scoped3A_63 = tpu.sem_alloc : memref<!tpu.dma_semaphore, #tpu.memory_space<semaphore_mem>>
      %dma_start3A_64 = arith.constant 0 : i32
      %dma_start3A_65 = arith.constant 0 : i32
      %dma_start3A_66 = tpu.memref_slice %arg4[%add3A, %dma_start3A_64, %dma_start3A_65] : memref<32x40x128xi32, #tpu.memory_space<hbm>> -> memref<1x40x128xi32, #tpu.memory_space<hbm>>
      %dma_start3A_67 = tpu.memref_squeeze %dma_start3A_66 : memref<1x40x128xi32, #tpu.memory_space<hbm>> -> memref<40x128xi32, #tpu.memory_space<hbm>>
      %dma_start3A_68 = arith.constant 0 : i32
      %dma_start3A_69 = arith.constant 0 : i32
      %dma_start3A_70 = tpu.memref_slice %arg4[%add3A, %dma_start3A_68, %dma_start3A_69] : memref<32x40x128xi32, #tpu.memory_space<hbm>> -> memref<1x40x128xi32, #tpu.memory_space<hbm>>
      %dma_start3A_71 = tpu.memref_squeeze %dma_start3A_70 : memref<1x40x128xi32, #tpu.memory_space<hbm>> -> memref<40x128xi32, #tpu.memory_space<hbm>>
      tpu.enqueue_dma source(%dma_start3A_71 : memref<40x128xi32, #tpu.memory_space<hbm>>) target(%arg8 : memref<40x128xi32, #tpu.memory_space<vmem>>) target_semaphore(%run_scoped3A_63 : memref<!tpu.dma_semaphore, #tpu.memory_space<semaphore_mem>>)
      %dma_wait3A_72 = arith.constant 0 : i32
      %dma_wait3A_73 = arith.constant 0 : i32
      %dma_wait3A_74 = tpu.memref_slice %arg4[%add3A, %dma_wait3A_72, %dma_wait3A_73] : memref<32x40x128xi32, #tpu.memory_space<hbm>> -> memref<1x40x128xi32, #tpu.memory_space<hbm>>
      %dma_wait3A_75 = tpu.memref_squeeze %dma_wait3A_74 : memref<1x40x128xi32, #tpu.memory_space<hbm>> -> memref<40x128xi32, #tpu.memory_space<hbm>>
      %dma_wait3A_76 = arith.constant 0 : i32
      %dma_wait3A_77 = arith.constant 0 : i32
      %dma_wait3A_78 = tpu.memref_slice %arg4[%add3A, %dma_wait3A_76, %dma_wait3A_77] : memref<32x40x128xi32, #tpu.memory_space<hbm>> -> memref<1x40x128xi32, #tpu.memory_space<hbm>>
      %dma_wait3A_79 = tpu.memref_squeeze %dma_wait3A_78 : memref<1x40x128xi32, #tpu.memory_space<hbm>> -> memref<40x128xi32, #tpu.memory_space<hbm>>
      tpu.wait_dma2 semaphore(%run_scoped3A_63 : memref<!tpu.dma_semaphore, #tpu.memory_space<semaphore_mem>>) src(%dma_wait3A_79 : memref<40x128xi32, #tpu.memory_space<hbm>>) dst(%arg8 : memref<40x128xi32, #tpu.memory_space<vmem>>)
      tpu.yield
    }) : () -> ()
    "tpu.region"() ({
      %run_scoped3A_63 = tpu.sem_alloc : memref<!tpu.dma_semaphore, #tpu.memory_space<semaphore_mem>>
      %dma_start3A_64 = arith.constant 0 : i32
      %dma_start3A_65 = arith.constant 0 : i32
      %dma_start3A_66 = tpu.memref_slice %arg5[%add3A, %dma_start3A_64, %dma_start3A_65] : memref<32x40x128xi32, #tpu.memory_space<hbm>> -> memref<1x40x128xi32, #tpu.memory_space<hbm>>
      %dma_start3A_67 = tpu.memref_squeeze %dma_start3A_66 : memref<1x40x128xi32, #tpu.memory_space<hbm>> -> memref<40x128xi32, #tpu.memory_space<hbm>>
      %dma_start3A_68 = arith.constant 0 : i32
      %dma_start3A_69 = arith.constant 0 : i32
      %dma_start3A_70 = tpu.memref_slice %arg5[%add3A, %dma_start3A_68, %dma_start3A_69] : memref<32x40x128xi32, #tpu.memory_space<hbm>> -> memref<1x40x128xi32, #tpu.memory_space<hbm>>
      %dma_start3A_71 = tpu.memref_squeeze %dma_start3A_70 : memref<1x40x128xi32, #tpu.memory_space<hbm>> -> memref<40x128xi32, #tpu.memory_space<hbm>>
      tpu.enqueue_dma source(%dma_start3A_71 : memref<40x128xi32, #tpu.memory_space<hbm>>) target(%arg9 : memref<40x128xi32, #tpu.memory_space<vmem>>) target_semaphore(%run_scoped3A_63 : memref<!tpu.dma_semaphore, #tpu.memory_space<semaphore_mem>>)
      %dma_wait3A_72 = arith.constant 0 : i32
      %dma_wait3A_73 = arith.constant 0 : i32
      %dma_wait3A_74 = tpu.memref_slice %arg5[%add3A, %dma_wait3A_72, %dma_wait3A_73] : memref<32x40x128xi32, #tpu.memory_space<hbm>> -> memref<1x40x128xi32, #tpu.memory_space<hbm>>
      %dma_wait3A_75 = tpu.memref_squeeze %dma_wait3A_74 : memref<1x40x128xi32, #tpu.memory_space<hbm>> -> memref<40x128xi32, #tpu.memory_space<hbm>>
      %dma_wait3A_76 = arith.constant 0 : i32
      %dma_wait3A_77 = arith.constant 0 : i32
      %dma_wait3A_78 = tpu.memref_slice %arg5[%add3A, %dma_wait3A_76, %dma_wait3A_77] : memref<32x40x128xi32, #tpu.memory_space<hbm>> -> memref<1x40x128xi32, #tpu.memory_space<hbm>>
      %dma_wait3A_79 = tpu.memref_squeeze %dma_wait3A_78 : memref<1x40x128xi32, #tpu.memory_space<hbm>> -> memref<40x128xi32, #tpu.memory_space<hbm>>
      tpu.wait_dma2 semaphore(%run_scoped3A_63 : memref<!tpu.dma_semaphore, #tpu.memory_space<semaphore_mem>>) src(%dma_wait3A_79 : memref<40x128xi32, #tpu.memory_space<hbm>>) dst(%arg9 : memref<40x128xi32, #tpu.memory_space<vmem>>)
      tpu.yield
    }) : () -> ()
    %scan3A = arith.constant 0 : i32
    %scan3A_3 = arith.constant 0 : i32
    %scan3A_4 = arith.constant 128 : i32
    %scan3A_5 = arith.addi %scan3A_3, %scan3A_4 : i32
    %scan3A_6 = arith.constant 1 : i32
    %scan3A_7 = scf.for %scan3A_63 = %scan3A_3 to %scan3A_5 step %scan3A_6 iter_args(%scan3A_64 = %scan3A) -> (i32)  : i32 {
      %scan3A_65 = arith.constant 0 : i32
      %scan3A_66 = arith.constant 0 : i32
      %scan3A_67 = arith.constant 8 : i32
      %scan3A_68 = arith.addi %scan3A_66, %scan3A_67 : i32
      %scan3A_69 = arith.constant 1 : i32
      %scan3A_70 = scf.for %scan3A_72 = %scan3A_66 to %scan3A_68 step %scan3A_69 iter_args(%scan3A_73 = %scan3A_65) -> (i32)  : i32 {
        %broadcast_in_dim3A = arith.constant 1.000000e+00 : f32
        %broadcast_in_dim3A_74 = vector.broadcast %broadcast_in_dim3A : f32 to vector<16xf32>
        %mul3A_75 = arith.constant 16 : i32
        %mul3A_76 = arith.muli %scan3A_72, %mul3A_75 : i32
        %swap3A = arith.index_cast %scan3A_63 : i32 to index
        %swap3A_77 = arith.index_cast %mul3A_76 : i32 to index
        %swap3A_78 = tpu.vector_load %arg10[%swap3A, %swap3A_77] {strides = array<i32>} : memref<128x128xf32, #tpu.memory_space<vmem>>, vector<1x16xf32>,
        %swap3A_79 = vector.shape_cast %swap3A_78 : vector<1x16xf32> to vector<16xf32>
        %swap3A_80 = vector.shape_cast %broadcast_in_dim3A_74 : vector<16xf32> to vector<1x16xf32>
        tpu.vector_store %arg10[%swap3A, %swap3A_77], %swap3A_80 {strides = array<i32>} : memref<128x128xf32, #tpu.memory_space<vmem>>, vector<1x16xf32>,
        %scan3A_81 = arith.constant 0 : i32
        scf.yield %scan3A_81 : i32
      }
      %scan3A_71 = arith.constant 8 : i32
      scf.yield %scan3A_70 : i32
    }
    %scan3A_8 = arith.constant 128 : i32
    "tpu.region"() ({
      %run_scoped3A_63 = tpu.sem_alloc : memref<!tpu.dma_semaphore, #tpu.memory_space<semaphore_mem>>
      %dma_start3A_64 = arith.constant 0 : i32
      %dma_start3A_65 = tpu.memref_slice %arg12[%mul3A_2, %dma_start3A_64] : memref<10240x128xf32, #tpu.memory_space<vmem_shared>> -> memref<640x128xf32, #tpu.memory_space<vmem_shared>>
      %dma_start3A_66 = arith.constant 0 : i32
      %dma_start3A_67 = tpu.memref_slice %arg6[%mul3A_2, %dma_start3A_66] : memref<10240x128xf32, #tpu.memory_space<hbm>> -> memref<640x128xf32, #tpu.memory_space<hbm>>
      tpu.enqueue_dma source(%dma_start3A_67 : memref<640x128xf32, #tpu.memory_space<hbm>>) target(%dma_start3A_65 : memref<640x128xf32, #tpu.memory_space<vmem_shared>>) target_semaphore(%run_scoped3A_63 : memref<!tpu.dma_semaphore, #tpu.memory_space<semaphore_mem>>)
      %dma_wait3A_68 = arith.constant 0 : i32
      %dma_wait3A_69 = tpu.memref_slice %arg12[%mul3A_2, %dma_wait3A_68] : memref<10240x128xf32, #tpu.memory_space<vmem_shared>> -> memref<640x128xf32, #tpu.memory_space<vmem_shared>>
      %dma_wait3A_70 = arith.constant 0 : i32
      %dma_wait3A_71 = tpu.memref_slice %arg6[%mul3A_2, %dma_wait3A_70] : memref<10240x128xf32, #tpu.memory_space<hbm>> -> memref<640x128xf32, #tpu.memory_space<hbm>>
      tpu.wait_dma2 semaphore(%run_scoped3A_63 : memref<!tpu.dma_semaphore, #tpu.memory_space<semaphore_mem>>) src(%dma_wait3A_71 : memref<640x128xf32, #tpu.memory_space<hbm>>) dst(%dma_wait3A_69 : memref<640x128xf32, #tpu.memory_space<vmem_shared>>)
      tpu.yield
    }) : () -> ()
    %barrier3A = arith.constant 0 : index
    tpu.barrier barrier_id(%barrier3A)
    %scan3A_9 = arith.constant 0 : i32
    %scan3A_10 = arith.constant 0 : i32
    %scan3A_11 = arith.constant 40 : i32
    %scan3A_12 = arith.addi %scan3A_10, %scan3A_11 : i32
    %scan3A_13 = arith.constant 1 : i32
    %scan3A_14 = scf.for %scan3A_63 = %scan3A_10 to %scan3A_12 step %scan3A_13 iter_args(%scan3A_64 = %scan3A_9) -> (i32)  : i32 {
      %dma_start3A_65 = arith.constant 0 : i32
      %dma_start3A_66 = tpu.memref_slice %arg9[%scan3A_63, %dma_start3A_65] : memref<40x128xi32, #tpu.memory_space<vmem>> -> memref<1x128xi32, #tpu.memory_space<vmem>>
      %dma_start3A_67 = tpu.memref_squeeze %dma_start3A_66 : memref<1x128xi32, #tpu.memory_space<vmem>> -> memref<128xi32, #tpu.memory_space<vmem>>
      %dma_start3A_68 = arith.constant 0 : i32
      %dma_start3A_69 = arith.constant 0 : i32
      %dma_start3A_70 = tpu.memref_slice %arg12[%dma_start3A_68, %dma_start3A_69] : memref<10240x128xf32, #tpu.memory_space<vmem_shared>> -> memref<10240x128xf32, #tpu.memory_space<vmem_shared>>
      tpu.enqueue_indirect_dma source(%arg10 : memref<128x128xf32, #tpu.memory_space<vmem>>) target(%dma_start3A_70 : memref<10240x128xf32, #tpu.memory_space<vmem_shared>>) offsets(%dma_start3A_67 : memref<128xi32, #tpu.memory_space<vmem>>) semaphore(%arg13 : memref<!tpu.dma_semaphore, #tpu.memory_space<semaphore_mem>>) {add = true}
      %ge3A = arith.constant 2 : i32
      %ge3A_71 = arith.cmpi sge, %scan3A_63, %ge3A : i32
      %convert_element_type3A = arith.extui %ge3A_71 : i1 to i32
      %cond3A = arith.constant 0 : i32
      %cond3A_72 = arith.cmpi ne, %convert_element_type3A, %cond3A : i32
      scf.if %cond3A_72 {
        %dma_wait3A_74 = arith.constant 0 : i32
        %dma_wait3A_75 = arith.constant 0 : i32
        %dma_wait3A_76 = tpu.memref_slice %arg9[%dma_wait3A_74, %dma_wait3A_75] : memref<40x128xi32, #tpu.memory_space<vmem>> -> memref<1x128xi32, #tpu.memory_space<vmem>>
        %dma_wait3A_77 = tpu.memref_squeeze %dma_wait3A_76 : memref<1x128xi32, #tpu.memory_space<vmem>> -> memref<128xi32, #tpu.memory_space<vmem>>
        %dma_wait3A_78 = arith.constant 0 : i32
        %dma_wait3A_79 = arith.constant 0 : i32
        %dma_wait3A_80 = tpu.memref_slice %arg12[%dma_wait3A_78, %dma_wait3A_79] : memref<10240x128xf32, #tpu.memory_space<vmem_shared>> -> memref<10240x128xf32, #tpu.memory_space<vmem_shared>>
        tpu.wait_indirect_dma semaphore(%arg13 : memref<!tpu.dma_semaphore, #tpu.memory_space<semaphore_mem>>) src(%arg10 : memref<128x128xf32, #tpu.memory_space<vmem>>) dst(%dma_wait3A_80 : memref<10240x128xf32, #tpu.memory_space<vmem_shared>>)
      } else {
      }
      %scan3A_73 = arith.constant 0 : i32
      scf.yield %scan3A_73 : i32
    }
    %scan3A_15 = arith.constant 40 : i32
    %dma_wait3A = arith.constant 0 : i32
    %dma_wait3A_16 = arith.constant 0 : i32
    %dma_wait3A_17 = tpu.memref_slice %arg9[%dma_wait3A, %dma_wait3A_16] : memref<40x128xi32, #tpu.memory_space<vmem>> -> memref<1x128xi32, #tpu.memory_space<vmem>>
    %dma_wait3A_18 = tpu.memref_squeeze %dma_wait3A_17 : memref<1x128xi32, #tpu.memory_space<vmem>> -> memref<128xi32, #tpu.memory_space<vmem>>
    %dma_wait3A_19 = arith.constant 0 : i32
    %dma_wait3A_20 = arith.constant 0 : i32
    %dma_wait3A_21 = tpu.memref_slice %arg12[%dma_wait3A_19, %dma_wait3A_20] : memref<10240x128xf32, #tpu.memory_space<vmem_shared>> -> memref<10240x128xf32, #tpu.memory_space<vmem_shared>>
    tpu.wait_indirect_dma semaphore(%arg13 : memref<!tpu.dma_semaphore, #tpu.memory_space<semaphore_mem>>) src(%arg10 : memref<128x128xf32, #tpu.memory_space<vmem>>) dst(%dma_wait3A_21 : memref<10240x128xf32, #tpu.memory_space<vmem_shared>>)
    %dma_wait3A_22 = arith.constant 0 : i32
    %dma_wait3A_23 = arith.constant 0 : i32
    %dma_wait3A_24 = tpu.memref_slice %arg9[%dma_wait3A_22, %dma_wait3A_23] : memref<40x128xi32, #tpu.memory_space<vmem>> -> memref<1x128xi32, #tpu.memory_space<vmem>>
    %dma_wait3A_25 = tpu.memref_squeeze %dma_wait3A_24 : memref<1x128xi32, #tpu.memory_space<vmem>> -> memref<128xi32, #tpu.memory_space<vmem>>
    %dma_wait3A_26 = arith.constant 0 : i32
    %dma_wait3A_27 = arith.constant 0 : i32
    %dma_wait3A_28 = tpu.memref_slice %arg12[%dma_wait3A_26, %dma_wait3A_27] : memref<10240x128xf32, #tpu.memory_space<vmem_shared>> -> memref<10240x128xf32, #tpu.memory_space<vmem_shared>>
    tpu.wait_indirect_dma semaphore(%arg13 : memref<!tpu.dma_semaphore, #tpu.memory_space<semaphore_mem>>) src(%arg10 : memref<128x128xf32, #tpu.memory_space<vmem>>) dst(%dma_wait3A_28 : memref<10240x128xf32, #tpu.memory_space<vmem_shared>>)
    %barrier3A_29 = arith.constant 0 : index
    tpu.barrier barrier_id(%barrier3A_29)
    %run_scoped3A = arith.constant 0 : i32
    "tpu.region"() ({
      %run_scoped3A_63 = tpu.sem_alloc : memref<!tpu.dma_semaphore, #tpu.memory_space<semaphore_mem>>
      %dma_start3A_64 = arith.constant 0 : i32
      %dma_start3A_65 = tpu.memref_slice %arg7[%arg0, %run_scoped3A, %mul3A_2, %dma_start3A_64] : memref<2x3x10240x128xf32, #tpu.memory_space<hbm>> -> memref<1x1x640x128xf32, #tpu.memory_space<hbm>>
      %dma_start3A_66 = tpu.memref_squeeze %dma_start3A_65 : memref<1x1x640x128xf32, #tpu.memory_space<hbm>> -> memref<640x128xf32, #tpu.memory_space<hbm>>
      %dma_start3A_67 = arith.constant 0 : i32
      %dma_start3A_68 = tpu.memref_slice %arg12[%mul3A_2, %dma_start3A_67] : memref<10240x128xf32, #tpu.memory_space<vmem_shared>> -> memref<640x128xf32, #tpu.memory_space<vmem_shared>>
      tpu.enqueue_dma source(%dma_start3A_68 : memref<640x128xf32, #tpu.memory_space<vmem_shared>>) target(%dma_start3A_66 : memref<640x128xf32, #tpu.memory_space<hbm>>) target_semaphore(%run_scoped3A_63 : memref<!tpu.dma_semaphore, #tpu.memory_space<semaphore_mem>>)
      %dma_wait3A_69 = arith.constant 0 : i32
      %dma_wait3A_70 = tpu.memref_slice %arg7[%arg0, %run_scoped3A, %mul3A_2, %dma_wait3A_69] : memref<2x3x10240x128xf32, #tpu.memory_space<hbm>> -> memref<1x1x640x128xf32, #tpu.memory_space<hbm>>
      %dma_wait3A_71 = tpu.memref_squeeze %dma_wait3A_70 : memref<1x1x640x128xf32, #tpu.memory_space<hbm>> -> memref<640x128xf32, #tpu.memory_space<hbm>>
      %dma_wait3A_72 = arith.constant 0 : i32
      %dma_wait3A_73 = tpu.memref_slice %arg12[%mul3A_2, %dma_wait3A_72] : memref<10240x128xf32, #tpu.memory_space<vmem_shared>> -> memref<640x128xf32, #tpu.memory_space<vmem_shared>>
      tpu.wait_dma2 semaphore(%run_scoped3A_63 : memref<!tpu.dma_semaphore, #tpu.memory_space<semaphore_mem>>) src(%dma_wait3A_73 : memref<640x128xf32, #tpu.memory_space<vmem_shared>>) dst(%dma_wait3A_71 : memref<640x128xf32, #tpu.memory_space<hbm>>)
      tpu.yield
    }) : () -> ()
    "tpu.region"() ({
      %run_scoped3A_63 = tpu.sem_alloc : memref<!tpu.dma_semaphore, #tpu.memory_space<semaphore_mem>>
      %dma_start3A_64 = arith.constant 0 : i32
      %dma_start3A_65 = tpu.memref_slice %arg12[%mul3A_2, %dma_start3A_64] : memref<10240x128xf32, #tpu.memory_space<vmem_shared>> -> memref<640x128xf32, #tpu.memory_space<vmem_shared>>
      %dma_start3A_66 = arith.constant 0 : i32
      %dma_start3A_67 = tpu.memref_slice %arg6[%mul3A_2, %dma_start3A_66] : memref<10240x128xf32, #tpu.memory_space<hbm>> -> memref<640x128xf32, #tpu.memory_space<hbm>>
      tpu.enqueue_dma source(%dma_start3A_67 : memref<640x128xf32, #tpu.memory_space<hbm>>) target(%dma_start3A_65 : memref<640x128xf32, #tpu.memory_space<vmem_shared>>) target_semaphore(%run_scoped3A_63 : memref<!tpu.dma_semaphore, #tpu.memory_space<semaphore_mem>>)
      %dma_wait3A_68 = arith.constant 0 : i32
      %dma_wait3A_69 = tpu.memref_slice %arg12[%mul3A_2, %dma_wait3A_68] : memref<10240x128xf32, #tpu.memory_space<vmem_shared>> -> memref<640x128xf32, #tpu.memory_space<vmem_shared>>
      %dma_wait3A_70 = arith.constant 0 : i32
      %dma_wait3A_71 = tpu.memref_slice %arg6[%mul3A_2, %dma_wait3A_70] : memref<10240x128xf32, #tpu.memory_space<hbm>> -> memref<640x128xf32, #tpu.memory_space<hbm>>
      tpu.wait_dma2 semaphore(%run_scoped3A_63 : memref<!tpu.dma_semaphore, #tpu.memory_space<semaphore_mem>>) src(%dma_wait3A_71 : memref<640x128xf32, #tpu.memory_space<hbm>>) dst(%dma_wait3A_69 : memref<640x128xf32, #tpu.memory_space<vmem_shared>>)
      tpu.yield
    }) : () -> ()
    %barrier3A_30 = arith.constant 0 : index
    tpu.barrier barrier_id(%barrier3A_30)
    %dma_start3A = arith.constant 0 : i32
    %dma_start3A_31 = arith.constant 0 : i32
    %dma_start3A_32 = tpu.memref_slice %arg8[%dma_start3A, %dma_start3A_31] : memref<40x128xi32, #tpu.memory_space<vmem>> -> memref<1x128xi32, #tpu.memory_space<vmem>>
    %dma_start3A_33 = tpu.memref_squeeze %dma_start3A_32 : memref<1x128xi32, #tpu.memory_space<vmem>> -> memref<128xi32, #tpu.memory_space<vmem>>
    %dma_start3A_34 = arith.constant 0 : i32
    %dma_start3A_35 = arith.constant 0 : i32
    %dma_start3A_36 = tpu.memref_slice %arg2[%dma_start3A_34, %dma_start3A_35] : memref<10240x128xf32, #tpu.memory_space<hbm>> -> memref<10240x128xf32, #tpu.memory_space<hbm>>
    tpu.enqueue_indirect_dma source(%dma_start3A_36 : memref<10240x128xf32, #tpu.memory_space<hbm>>) target(%arg10 : memref<128x128xf32, #tpu.memory_space<vmem>>) offsets(%dma_start3A_33 : memref<128xi32, #tpu.memory_space<vmem>>) semaphore(%arg13 : memref<!tpu.dma_semaphore, #tpu.memory_space<semaphore_mem>>)
    %scan3A_37 = arith.constant 0 : i32
    %scan3A_38 = arith.constant 0 : i32
    %scan3A_39 = arith.constant 20 : i32
    %scan3A_40 = arith.addi %scan3A_38, %scan3A_39 : i32
    %scan3A_41 = arith.constant 1 : i32
    %scan3A_42 = scf.for %scan3A_63 = %scan3A_38 to %scan3A_40 step %scan3A_41 iter_args(%scan3A_64 = %scan3A_37) -> (i32)  : i32 {
      %mul3A_65 = arith.constant 2 : i32
      %mul3A_66 = arith.muli %mul3A_65, %scan3A_63 : i32
      %add3A_67 = arith.constant 1 : i32
      %add3A_68 = arith.addi %mul3A_66, %add3A_67 : i32
      %dma_start3A_69 = arith.constant 0 : i32
      %dma_start3A_70 = tpu.memref_slice %arg8[%add3A_68, %dma_start3A_69] : memref<40x128xi32, #tpu.memory_space<vmem>> -> memref<1x128xi32, #tpu.memory_space<vmem>>
      %dma_start3A_71 = tpu.memref_squeeze %dma_start3A_70 : memref<1x128xi32, #tpu.memory_space<vmem>> -> memref<128xi32, #tpu.memory_space<vmem>>
      %dma_start3A_72 = arith.constant 0 : i32
      %dma_start3A_73 = arith.constant 0 : i32
      %dma_start3A_74 = tpu.memref_slice %arg2[%dma_start3A_72, %dma_start3A_73] : memref<10240x128xf32, #tpu.memory_space<hbm>> -> memref<10240x128xf32, #tpu.memory_space<hbm>>
      tpu.enqueue_indirect_dma source(%dma_start3A_74 : memref<10240x128xf32, #tpu.memory_space<hbm>>) target(%arg11 : memref<128x128xf32, #tpu.memory_space<vmem>>) offsets(%dma_start3A_71 : memref<128xi32, #tpu.memory_space<vmem>>) semaphore(%arg14 : memref<!tpu.dma_semaphore, #tpu.memory_space<semaphore_mem>>)
      %dma_wait3A_75 = arith.constant 0 : i32
      %dma_wait3A_76 = tpu.memref_slice %arg8[%mul3A_66, %dma_wait3A_75] : memref<40x128xi32, #tpu.memory_space<vmem>> -> memref<1x128xi32, #tpu.memory_space<vmem>>
      %dma_wait3A_77 = tpu.memref_squeeze %dma_wait3A_76 : memref<1x128xi32, #tpu.memory_space<vmem>> -> memref<128xi32, #tpu.memory_space<vmem>>
      %dma_wait3A_78 = arith.constant 0 : i32
      %dma_wait3A_79 = arith.constant 0 : i32
      %dma_wait3A_80 = tpu.memref_slice %arg2[%dma_wait3A_78, %dma_wait3A_79] : memref<10240x128xf32, #tpu.memory_space<hbm>> -> memref<10240x128xf32, #tpu.memory_space<hbm>>
      tpu.wait_indirect_dma semaphore(%arg13 : memref<!tpu.dma_semaphore, #tpu.memory_space<semaphore_mem>>) src(%dma_wait3A_80 : memref<10240x128xf32, #tpu.memory_space<hbm>>) dst(%arg10 : memref<128x128xf32, #tpu.memory_space<vmem>>)
      "tpu.region"() ({
        %run_scoped3A_94 = tpu.sem_alloc : memref<!tpu.dma_semaphore, #tpu.memory_space<semaphore_mem>>
        %dma_start3A_95 = arith.constant 0 : i32
        %dma_start3A_96 = tpu.memref_slice %arg9[%mul3A_66, %dma_start3A_95] : memref<40x128xi32, #tpu.memory_space<vmem>> -> memref<1x128xi32, #tpu.memory_space<vmem>>
        %dma_start3A_97 = tpu.memref_squeeze %dma_start3A_96 : memref<1x128xi32, #tpu.memory_space<vmem>> -> memref<128xi32, #tpu.memory_space<vmem>>
        %dma_start3A_98 = arith.constant 0 : i32
        %dma_start3A_99 = arith.constant 0 : i32
        %dma_start3A_100 = tpu.memref_slice %arg12[%dma_start3A_98, %dma_start3A_99] : memref<10240x128xf32, #tpu.memory_space<vmem_shared>> -> memref<10240x128xf32, #tpu.memory_space<vmem_shared>>
        tpu.enqueue_indirect_dma source(%arg10 : memref<128x128xf32, #tpu.memory_space<vmem>>) target(%dma_start3A_100 : memref<10240x128xf32, #tpu.memory_space<vmem_shared>>) offsets(%dma_start3A_97 : memref<128xi32, #tpu.memory_space<vmem>>) semaphore(%run_scoped3A_94 : memref<!tpu.dma_semaphore, #tpu.memory_space<semaphore_mem>>) {add = true}
        %dma_wait3A_101 = arith.constant 0 : i32
        %dma_wait3A_102 = tpu.memref_slice %arg9[%mul3A_66, %dma_wait3A_101] : memref<40x128xi32, #tpu.memory_space<vmem>> -> memref<1x128xi32, #tpu.memory_space<vmem>>
        %dma_wait3A_103 = tpu.memref_squeeze %dma_wait3A_102 : memref<1x128xi32, #tpu.memory_space<vmem>> -> memref<128xi32, #tpu.memory_space<vmem>>
        %dma_wait3A_104 = arith.constant 0 : i32
        %dma_wait3A_105 = arith.constant 0 : i32
        %dma_wait3A_106 = tpu.memref_slice %arg12[%dma_wait3A_104, %dma_wait3A_105] : memref<10240x128xf32, #tpu.memory_space<vmem_shared>> -> memref<10240x128xf32, #tpu.memory_space<vmem_shared>>
        tpu.wait_indirect_dma semaphore(%run_scoped3A_94 : memref<!tpu.dma_semaphore, #tpu.memory_space<semaphore_mem>>) src(%arg10 : memref<128x128xf32, #tpu.memory_space<vmem>>) dst(%dma_wait3A_106 : memref<10240x128xf32, #tpu.memory_space<vmem_shared>>)
        tpu.yield
      }) : () -> ()
      %lt3A = arith.constant 19 : i32
      %lt3A_81 = arith.cmpi slt, %scan3A_63, %lt3A : i32
      %convert_element_type3A = arith.extui %lt3A_81 : i1 to i32
      %cond3A = arith.constant 0 : i32
      %cond3A_82 = arith.cmpi ne, %convert_element_type3A, %cond3A : i32
      scf.if %cond3A_82 {
        %add3A_94 = arith.constant 2 : i32
        %add3A_95 = arith.addi %mul3A_66, %add3A_94 : i32
        %dma_start3A_96 = arith.constant 0 : i32
        %dma_start3A_97 = tpu.memref_slice %arg8[%add3A_95, %dma_start3A_96] : memref<40x128xi32, #tpu.memory_space<vmem>> -> memref<1x128xi32, #tpu.memory_space<vmem>>
        %dma_start3A_98 = tpu.memref_squeeze %dma_start3A_97 : memref<1x128xi32, #tpu.memory_space<vmem>> -> memref<128xi32, #tpu.memory_space<vmem>>
        %dma_start3A_99 = arith.constant 0 : i32
        %dma_start3A_100 = arith.constant 0 : i32
        %dma_start3A_101 = tpu.memref_slice %arg2[%dma_start3A_99, %dma_start3A_100] : memref<10240x128xf32, #tpu.memory_space<hbm>> -> memref<10240x128xf32, #tpu.memory_space<hbm>>
        tpu.enqueue_indirect_dma source(%dma_start3A_101 : memref<10240x128xf32, #tpu.memory_space<hbm>>) target(%arg10 : memref<128x128xf32, #tpu.memory_space<vmem>>) offsets(%dma_start3A_98 : memref<128xi32, #tpu.memory_space<vmem>>) semaphore(%arg13 : memref<!tpu.dma_semaphore, #tpu.memory_space<semaphore_mem>>)
      } else {
      }
      %add3A_83 = arith.constant 1 : i32
      %add3A_84 = arith.addi %mul3A_66, %add3A_83 : i32
      %dma_wait3A_85 = arith.constant 0 : i32
      %dma_wait3A_86 = tpu.memref_slice %arg8[%add3A_84, %dma_wait3A_85] : memref<40x128xi32, #tpu.memory_space<vmem>> -> memref<1x128xi32, #tpu.memory_space<vmem>>
      %dma_wait3A_87 = tpu.memref_squeeze %dma_wait3A_86 : memref<1x128xi32, #tpu.memory_space<vmem>> -> memref<128xi32, #tpu.memory_space<vmem>>
      %dma_wait3A_88 = arith.constant 0 : i32
      %dma_wait3A_89 = arith.constant 0 : i32
      %dma_wait3A_90 = tpu.memref_slice %arg2[%dma_wait3A_88, %dma_wait3A_89] : memref<10240x128xf32, #tpu.memory_space<hbm>> -> memref<10240x128xf32, #tpu.memory_space<hbm>>
      tpu.wait_indirect_dma semaphore(%arg14 : memref<!tpu.dma_semaphore, #tpu.memory_space<semaphore_mem>>) src(%dma_wait3A_90 : memref<10240x128xf32, #tpu.memory_space<hbm>>) dst(%arg11 : memref<128x128xf32, #tpu.memory_space<vmem>>)
      %add3A_91 = arith.constant 1 : i32
      %add3A_92 = arith.addi %mul3A_66, %add3A_91 : i32
      "tpu.region"() ({
        %run_scoped3A_94 = tpu.sem_alloc : memref<!tpu.dma_semaphore, #tpu.memory_space<semaphore_mem>>
        %dma_start3A_95 = arith.constant 0 : i32
        %dma_start3A_96 = tpu.memref_slice %arg9[%add3A_92, %dma_start3A_95] : memref<40x128xi32, #tpu.memory_space<vmem>> -> memref<1x128xi32, #tpu.memory_space<vmem>>
        %dma_start3A_97 = tpu.memref_squeeze %dma_start3A_96 : memref<1x128xi32, #tpu.memory_space<vmem>> -> memref<128xi32, #tpu.memory_space<vmem>>
        %dma_start3A_98 = arith.constant 0 : i32
        %dma_start3A_99 = arith.constant 0 : i32
        %dma_start3A_100 = tpu.memref_slice %arg12[%dma_start3A_98, %dma_start3A_99] : memref<10240x128xf32, #tpu.memory_space<vmem_shared>> -> memref<10240x128xf32, #tpu.memory_space<vmem_shared>>
        tpu.enqueue_indirect_dma source(%arg11 : memref<128x128xf32, #tpu.memory_space<vmem>>) target(%dma_start3A_100 : memref<10240x128xf32, #tpu.memory_space<vmem_shared>>) offsets(%dma_start3A_97 : memref<128xi32, #tpu.memory_space<vmem>>) semaphore(%run_scoped3A_94 : memref<!tpu.dma_semaphore, #tpu.memory_space<semaphore_mem>>) {add = true}
        %dma_wait3A_101 = arith.constant 0 : i32
        %dma_wait3A_102 = tpu.memref_slice %arg9[%add3A_92, %dma_wait3A_101] : memref<40x128xi32, #tpu.memory_space<vmem>> -> memref<1x128xi32, #tpu.memory_space<vmem>>
        %dma_wait3A_103 = tpu.memref_squeeze %dma_wait3A_102 : memref<1x128xi32, #tpu.memory_space<vmem>> -> memref<128xi32, #tpu.memory_space<vmem>>
        %dma_wait3A_104 = arith.constant 0 : i32
        %dma_wait3A_105 = arith.constant 0 : i32
        %dma_wait3A_106 = tpu.memref_slice %arg12[%dma_wait3A_104, %dma_wait3A_105] : memref<10240x128xf32, #tpu.memory_space<vmem_shared>> -> memref<10240x128xf32, #tpu.memory_space<vmem_shared>>
        tpu.wait_indirect_dma semaphore(%run_scoped3A_94 : memref<!tpu.dma_semaphore, #tpu.memory_space<semaphore_mem>>) src(%arg11 : memref<128x128xf32, #tpu.memory_space<vmem>>) dst(%dma_wait3A_106 : memref<10240x128xf32, #tpu.memory_space<vmem_shared>>)
        tpu.yield
      }) : () -> ()
      %scan3A_93 = arith.constant 0 : i32
      scf.yield %scan3A_93 : i32
    }
    %scan3A_43 = arith.constant 20 : i32
    %barrier3A_44 = arith.constant 0 : index
    tpu.barrier barrier_id(%barrier3A_44)
    %run_scoped3A_45 = arith.constant 1 : i32
    "tpu.region"() ({
      %run_scoped3A_63 = tpu.sem_alloc : memref<!tpu.dma_semaphore, #tpu.memory_space<semaphore_mem>>
      %dma_start3A_64 = arith.constant 0 : i32
      %dma_start3A_65 = tpu.memref_slice %arg7[%arg0, %run_scoped3A_45, %mul3A_2, %dma_start3A_64] : memref<2x3x10240x128xf32, #tpu.memory_space<hbm>> -> memref<1x1x640x128xf32, #tpu.memory_space<hbm>>
      %dma_start3A_66 = tpu.memref_squeeze %dma_start3A_65 : memref<1x1x640x128xf32, #tpu.memory_space<hbm>> -> memref<640x128xf32, #tpu.memory_space<hbm>>
      %dma_start3A_67 = arith.constant 0 : i32
      %dma_start3A_68 = tpu.memref_slice %arg12[%mul3A_2, %dma_start3A_67] : memref<10240x128xf32, #tpu.memory_space<vmem_shared>> -> memref<640x128xf32, #tpu.memory_space<vmem_shared>>
      tpu.enqueue_dma source(%dma_start3A_68 : memref<640x128xf32, #tpu.memory_space<vmem_shared>>) target(%dma_start3A_66 : memref<640x128xf32, #tpu.memory_space<hbm>>) target_semaphore(%run_scoped3A_63 : memref<!tpu.dma_semaphore, #tpu.memory_space<semaphore_mem>>)
      %dma_wait3A_69 = arith.constant 0 : i32
      %dma_wait3A_70 = tpu.memref_slice %arg7[%arg0, %run_scoped3A_45, %mul3A_2, %dma_wait3A_69] : memref<2x3x10240x128xf32, #tpu.memory_space<hbm>> -> memref<1x1x640x128xf32, #tpu.memory_space<hbm>>
      %dma_wait3A_71 = tpu.memref_squeeze %dma_wait3A_70 : memref<1x1x640x128xf32, #tpu.memory_space<hbm>> -> memref<640x128xf32, #tpu.memory_space<hbm>>
      %dma_wait3A_72 = arith.constant 0 : i32
      %dma_wait3A_73 = tpu.memref_slice %arg12[%mul3A_2, %dma_wait3A_72] : memref<10240x128xf32, #tpu.memory_space<vmem_shared>> -> memref<640x128xf32, #tpu.memory_space<vmem_shared>>
      tpu.wait_dma2 semaphore(%run_scoped3A_63 : memref<!tpu.dma_semaphore, #tpu.memory_space<semaphore_mem>>) src(%dma_wait3A_73 : memref<640x128xf32, #tpu.memory_space<vmem_shared>>) dst(%dma_wait3A_71 : memref<640x128xf32, #tpu.memory_space<hbm>>)
      tpu.yield
    }) : () -> ()
    "tpu.region"() ({
      %run_scoped3A_63 = tpu.sem_alloc : memref<!tpu.dma_semaphore, #tpu.memory_space<semaphore_mem>>
      %dma_start3A_64 = arith.constant 0 : i32
      %dma_start3A_65 = tpu.memref_slice %arg12[%mul3A_2, %dma_start3A_64] : memref<10240x128xf32, #tpu.memory_space<vmem_shared>> -> memref<640x128xf32, #tpu.memory_space<vmem_shared>>
      %dma_start3A_66 = arith.constant 0 : i32
      %dma_start3A_67 = tpu.memref_slice %arg6[%mul3A_2, %dma_start3A_66] : memref<10240x128xf32, #tpu.memory_space<hbm>> -> memref<640x128xf32, #tpu.memory_space<hbm>>
      tpu.enqueue_dma source(%dma_start3A_67 : memref<640x128xf32, #tpu.memory_space<hbm>>) target(%dma_start3A_65 : memref<640x128xf32, #tpu.memory_space<vmem_shared>>) target_semaphore(%run_scoped3A_63 : memref<!tpu.dma_semaphore, #tpu.memory_space<semaphore_mem>>)
      %dma_wait3A_68 = arith.constant 0 : i32
      %dma_wait3A_69 = tpu.memref_slice %arg12[%mul3A_2, %dma_wait3A_68] : memref<10240x128xf32, #tpu.memory_space<vmem_shared>> -> memref<640x128xf32, #tpu.memory_space<vmem_shared>>
      %dma_wait3A_70 = arith.constant 0 : i32
      %dma_wait3A_71 = tpu.memref_slice %arg6[%mul3A_2, %dma_wait3A_70] : memref<10240x128xf32, #tpu.memory_space<hbm>> -> memref<640x128xf32, #tpu.memory_space<hbm>>
      tpu.wait_dma2 semaphore(%run_scoped3A_63 : memref<!tpu.dma_semaphore, #tpu.memory_space<semaphore_mem>>) src(%dma_wait3A_71 : memref<640x128xf32, #tpu.memory_space<hbm>>) dst(%dma_wait3A_69 : memref<640x128xf32, #tpu.memory_space<vmem_shared>>)
      tpu.yield
    }) : () -> ()
    %barrier3A_46 = arith.constant 0 : index
    tpu.barrier barrier_id(%barrier3A_46)
    %dma_start3A_47 = arith.constant 0 : i32
    %dma_start3A_48 = arith.constant 0 : i32
    %dma_start3A_49 = tpu.memref_slice %arg8[%dma_start3A_47, %dma_start3A_48] : memref<40x128xi32, #tpu.memory_space<vmem>> -> memref<1x128xi32, #tpu.memory_space<vmem>>
    %dma_start3A_50 = tpu.memref_squeeze %dma_start3A_49 : memref<1x128xi32, #tpu.memory_space<vmem>> -> memref<128xi32, #tpu.memory_space<vmem>>
    %dma_start3A_51 = arith.constant 0 : i32
    %dma_start3A_52 = arith.constant 0 : i32
    %dma_start3A_53 = tpu.memref_slice %arg3[%dma_start3A_51, %dma_start3A_52] : memref<10240x128xf32, #tpu.memory_space<hbm>> -> memref<10240x128xf32, #tpu.memory_space<hbm>>
    tpu.enqueue_indirect_dma source(%dma_start3A_53 : memref<10240x128xf32, #tpu.memory_space<hbm>>) target(%arg10 : memref<128x128xf32, #tpu.memory_space<vmem>>) offsets(%dma_start3A_50 : memref<128xi32, #tpu.memory_space<vmem>>) semaphore(%arg13 : memref<!tpu.dma_semaphore, #tpu.memory_space<semaphore_mem>>)
    %scan3A_54 = arith.constant 0 : i32
    %scan3A_55 = arith.constant 0 : i32
    %scan3A_56 = arith.constant 20 : i32
    %scan3A_57 = arith.addi %scan3A_55, %scan3A_56 : i32
    %scan3A_58 = arith.constant 1 : i32
    %scan3A_59 = scf.for %scan3A_63 = %scan3A_55 to %scan3A_57 step %scan3A_58 iter_args(%scan3A_64 = %scan3A_54) -> (i32)  : i32 {
      %mul3A_65 = arith.constant 2 : i32
      %mul3A_66 = arith.muli %mul3A_65, %scan3A_63 : i32
      %add3A_67 = arith.constant 1 : i32
      %add3A_68 = arith.addi %mul3A_66, %add3A_67 : i32
      %dma_start3A_69 = arith.constant 0 : i32
      %dma_start3A_70 = tpu.memref_slice %arg8[%add3A_68, %dma_start3A_69] : memref<40x128xi32, #tpu.memory_space<vmem>> -> memref<1x128xi32, #tpu.memory_space<vmem>>
      %dma_start3A_71 = tpu.memref_squeeze %dma_start3A_70 : memref<1x128xi32, #tpu.memory_space<vmem>> -> memref<128xi32, #tpu.memory_space<vmem>>
      %dma_start3A_72 = arith.constant 0 : i32
      %dma_start3A_73 = arith.constant 0 : i32
      %dma_start3A_74 = tpu.memref_slice %arg3[%dma_start3A_72, %dma_start3A_73] : memref<10240x128xf32, #tpu.memory_space<hbm>> -> memref<10240x128xf32, #tpu.memory_space<hbm>>
      tpu.enqueue_indirect_dma source(%dma_start3A_74 : memref<10240x128xf32, #tpu.memory_space<hbm>>) target(%arg11 : memref<128x128xf32, #tpu.memory_space<vmem>>) offsets(%dma_start3A_71 : memref<128xi32, #tpu.memory_space<vmem>>) semaphore(%arg14 : memref<!tpu.dma_semaphore, #tpu.memory_space<semaphore_mem>>)
      %dma_wait3A_75 = arith.constant 0 : i32
      %dma_wait3A_76 = tpu.memref_slice %arg8[%mul3A_66, %dma_wait3A_75] : memref<40x128xi32, #tpu.memory_space<vmem>> -> memref<1x128xi32, #tpu.memory_space<vmem>>
      %dma_wait3A_77 = tpu.memref_squeeze %dma_wait3A_76 : memref<1x128xi32, #tpu.memory_space<vmem>> -> memref<128xi32, #tpu.memory_space<vmem>>
      %dma_wait3A_78 = arith.constant 0 : i32
      %dma_wait3A_79 = arith.constant 0 : i32
      %dma_wait3A_80 = tpu.memref_slice %arg3[%dma_wait3A_78, %dma_wait3A_79] : memref<10240x128xf32, #tpu.memory_space<hbm>> -> memref<10240x128xf32, #tpu.memory_space<hbm>>
      tpu.wait_indirect_dma semaphore(%arg13 : memref<!tpu.dma_semaphore, #tpu.memory_space<semaphore_mem>>) src(%dma_wait3A_80 : memref<10240x128xf32, #tpu.memory_space<hbm>>) dst(%arg10 : memref<128x128xf32, #tpu.memory_space<vmem>>)
      "tpu.region"() ({
        %run_scoped3A_94 = tpu.sem_alloc : memref<!tpu.dma_semaphore, #tpu.memory_space<semaphore_mem>>
        %dma_start3A_95 = arith.constant 0 : i32
        %dma_start3A_96 = tpu.memref_slice %arg9[%mul3A_66, %dma_start3A_95] : memref<40x128xi32, #tpu.memory_space<vmem>> -> memref<1x128xi32, #tpu.memory_space<vmem>>
        %dma_start3A_97 = tpu.memref_squeeze %dma_start3A_96 : memref<1x128xi32, #tpu.memory_space<vmem>> -> memref<128xi32, #tpu.memory_space<vmem>>
        %dma_start3A_98 = arith.constant 0 : i32
        %dma_start3A_99 = arith.constant 0 : i32
        %dma_start3A_100 = tpu.memref_slice %arg12[%dma_start3A_98, %dma_start3A_99] : memref<10240x128xf32, #tpu.memory_space<vmem_shared>> -> memref<10240x128xf32, #tpu.memory_space<vmem_shared>>
        tpu.enqueue_indirect_dma source(%arg10 : memref<128x128xf32, #tpu.memory_space<vmem>>) target(%dma_start3A_100 : memref<10240x128xf32, #tpu.memory_space<vmem_shared>>) offsets(%dma_start3A_97 : memref<128xi32, #tpu.memory_space<vmem>>) semaphore(%run_scoped3A_94 : memref<!tpu.dma_semaphore, #tpu.memory_space<semaphore_mem>>) {add = true}
        %dma_wait3A_101 = arith.constant 0 : i32
        %dma_wait3A_102 = tpu.memref_slice %arg9[%mul3A_66, %dma_wait3A_101] : memref<40x128xi32, #tpu.memory_space<vmem>> -> memref<1x128xi32, #tpu.memory_space<vmem>>
        %dma_wait3A_103 = tpu.memref_squeeze %dma_wait3A_102 : memref<1x128xi32, #tpu.memory_space<vmem>> -> memref<128xi32, #tpu.memory_space<vmem>>
        %dma_wait3A_104 = arith.constant 0 : i32
        %dma_wait3A_105 = arith.constant 0 : i32
        %dma_wait3A_106 = tpu.memref_slice %arg12[%dma_wait3A_104, %dma_wait3A_105] : memref<10240x128xf32, #tpu.memory_space<vmem_shared>> -> memref<10240x128xf32, #tpu.memory_space<vmem_shared>>
        tpu.wait_indirect_dma semaphore(%run_scoped3A_94 : memref<!tpu.dma_semaphore, #tpu.memory_space<semaphore_mem>>) src(%arg10 : memref<128x128xf32, #tpu.memory_space<vmem>>) dst(%dma_wait3A_106 : memref<10240x128xf32, #tpu.memory_space<vmem_shared>>)
        tpu.yield
      }) : () -> ()
      %lt3A = arith.constant 19 : i32
      %lt3A_81 = arith.cmpi slt, %scan3A_63, %lt3A : i32
      %convert_element_type3A = arith.extui %lt3A_81 : i1 to i32
      %cond3A = arith.constant 0 : i32
      %cond3A_82 = arith.cmpi ne, %convert_element_type3A, %cond3A : i32
      scf.if %cond3A_82 {
        %add3A_94 = arith.constant 2 : i32
        %add3A_95 = arith.addi %mul3A_66, %add3A_94 : i32
        %dma_start3A_96 = arith.constant 0 : i32
        %dma_start3A_97 = tpu.memref_slice %arg8[%add3A_95, %dma_start3A_96] : memref<40x128xi32, #tpu.memory_space<vmem>> -> memref<1x128xi32, #tpu.memory_space<vmem>>
        %dma_start3A_98 = tpu.memref_squeeze %dma_start3A_97 : memref<1x128xi32, #tpu.memory_space<vmem>> -> memref<128xi32, #tpu.memory_space<vmem>>
        %dma_start3A_99 = arith.constant 0 : i32
        %dma_start3A_100 = arith.constant 0 : i32
        %dma_start3A_101 = tpu.memref_slice %arg3[%dma_start3A_99, %dma_start3A_100] : memref<10240x128xf32, #tpu.memory_space<hbm>> -> memref<10240x128xf32, #tpu.memory_space<hbm>>
        tpu.enqueue_indirect_dma source(%dma_start3A_101 : memref<10240x128xf32, #tpu.memory_space<hbm>>) target(%arg10 : memref<128x128xf32, #tpu.memory_space<vmem>>) offsets(%dma_start3A_98 : memref<128xi32, #tpu.memory_space<vmem>>) semaphore(%arg13 : memref<!tpu.dma_semaphore, #tpu.memory_space<semaphore_mem>>)
      } else {
      }
      %add3A_83 = arith.constant 1 : i32
      %add3A_84 = arith.addi %mul3A_66, %add3A_83 : i32
      %dma_wait3A_85 = arith.constant 0 : i32
      %dma_wait3A_86 = tpu.memref_slice %arg8[%add3A_84, %dma_wait3A_85] : memref<40x128xi32, #tpu.memory_space<vmem>> -> memref<1x128xi32, #tpu.memory_space<vmem>>
      %dma_wait3A_87 = tpu.memref_squeeze %dma_wait3A_86 : memref<1x128xi32, #tpu.memory_space<vmem>> -> memref<128xi32, #tpu.memory_space<vmem>>
      %dma_wait3A_88 = arith.constant 0 : i32
      %dma_wait3A_89 = arith.constant 0 : i32
      %dma_wait3A_90 = tpu.memref_slice %arg3[%dma_wait3A_88, %dma_wait3A_89] : memref<10240x128xf32, #tpu.memory_space<hbm>> -> memref<10240x128xf32, #tpu.memory_space<hbm>>
      tpu.wait_indirect_dma semaphore(%arg14 : memref<!tpu.dma_semaphore, #tpu.memory_space<semaphore_mem>>) src(%dma_wait3A_90 : memref<10240x128xf32, #tpu.memory_space<hbm>>) dst(%arg11 : memref<128x128xf32, #tpu.memory_space<vmem>>)
      %add3A_91 = arith.constant 1 : i32
      %add3A_92 = arith.addi %mul3A_66, %add3A_91 : i32
      "tpu.region"() ({
        %run_scoped3A_94 = tpu.sem_alloc : memref<!tpu.dma_semaphore, #tpu.memory_space<semaphore_mem>>
        %dma_start3A_95 = arith.constant 0 : i32
        %dma_start3A_96 = tpu.memref_slice %arg9[%add3A_92, %dma_start3A_95] : memref<40x128xi32, #tpu.memory_space<vmem>> -> memref<1x128xi32, #tpu.memory_space<vmem>>
        %dma_start3A_97 = tpu.memref_squeeze %dma_start3A_96 : memref<1x128xi32, #tpu.memory_space<vmem>> -> memref<128xi32, #tpu.memory_space<vmem>>
        %dma_start3A_98 = arith.constant 0 : i32
        %dma_start3A_99 = arith.constant 0 : i32
        %dma_start3A_100 = tpu.memref_slice %arg12[%dma_start3A_98, %dma_start3A_99] : memref<10240x128xf32, #tpu.memory_space<vmem_shared>> -> memref<10240x128xf32, #tpu.memory_space<vmem_shared>>
        tpu.enqueue_indirect_dma source(%arg11 : memref<128x128xf32, #tpu.memory_space<vmem>>) target(%dma_start3A_100 : memref<10240x128xf32, #tpu.memory_space<vmem_shared>>) offsets(%dma_start3A_97 : memref<128xi32, #tpu.memory_space<vmem>>) semaphore(%run_scoped3A_94 : memref<!tpu.dma_semaphore, #tpu.memory_space<semaphore_mem>>) {add = true}
        %dma_wait3A_101 = arith.constant 0 : i32
        %dma_wait3A_102 = tpu.memref_slice %arg9[%add3A_92, %dma_wait3A_101] : memref<40x128xi32, #tpu.memory_space<vmem>> -> memref<1x128xi32, #tpu.memory_space<vmem>>
        %dma_wait3A_103 = tpu.memref_squeeze %dma_wait3A_102 : memref<1x128xi32, #tpu.memory_space<vmem>> -> memref<128xi32, #tpu.memory_space<vmem>>
        %dma_wait3A_104 = arith.constant 0 : i32
        %dma_wait3A_105 = arith.constant 0 : i32
        %dma_wait3A_106 = tpu.memref_slice %arg12[%dma_wait3A_104, %dma_wait3A_105] : memref<10240x128xf32, #tpu.memory_space<vmem_shared>> -> memref<10240x128xf32, #tpu.memory_space<vmem_shared>>
        tpu.wait_indirect_dma semaphore(%run_scoped3A_94 : memref<!tpu.dma_semaphore, #tpu.memory_space<semaphore_mem>>) src(%arg11 : memref<128x128xf32, #tpu.memory_space<vmem>>) dst(%dma_wait3A_106 : memref<10240x128xf32, #tpu.memory_space<vmem_shared>>)
        tpu.yield
      }) : () -> ()
      %scan3A_93 = arith.constant 0 : i32
      scf.yield %scan3A_93 : i32
    }
    %scan3A_60 = arith.constant 20 : i32
    %barrier3A_61 = arith.constant 0 : index
    tpu.barrier barrier_id(%barrier3A_61)
    %run_scoped3A_62 = arith.constant 2 : i32
    "tpu.region"() ({
      %run_scoped3A_63 = tpu.sem_alloc : memref<!tpu.dma_semaphore, #tpu.memory_space<semaphore_mem>>
      %dma_start3A_64 = arith.constant 0 : i32
      %dma_start3A_65 = tpu.memref_slice %arg7[%arg0, %run_scoped3A_62, %mul3A_2, %dma_start3A_64] : memref<2x3x10240x128xf32, #tpu.memory_space<hbm>> -> memref<1x1x640x128xf32, #tpu.memory_space<hbm>>
      %dma_start3A_66 = tpu.memref_squeeze %dma_start3A_65 : memref<1x1x640x128xf32, #tpu.memory_space<hbm>> -> memref<640x128xf32, #tpu.memory_space<hbm>>
      %dma_start3A_67 = arith.constant 0 : i32
      %dma_start3A_68 = tpu.memref_slice %arg12[%mul3A_2, %dma_start3A_67] : memref<10240x128xf32, #tpu.memory_space<vmem_shared>> -> memref<640x128xf32, #tpu.memory_space<vmem_shared>>
      tpu.enqueue_dma source(%dma_start3A_68 : memref<640x128xf32, #tpu.memory_space<vmem_shared>>) target(%dma_start3A_66 : memref<640x128xf32, #tpu.memory_space<hbm>>) target_semaphore(%run_scoped3A_63 : memref<!tpu.dma_semaphore, #tpu.memory_space<semaphore_mem>>)
      %dma_wait3A_69 = arith.constant 0 : i32
      %dma_wait3A_70 = tpu.memref_slice %arg7[%arg0, %run_scoped3A_62, %mul3A_2, %dma_wait3A_69] : memref<2x3x10240x128xf32, #tpu.memory_space<hbm>> -> memref<1x1x640x128xf32, #tpu.memory_space<hbm>>
      %dma_wait3A_71 = tpu.memref_squeeze %dma_wait3A_70 : memref<1x1x640x128xf32, #tpu.memory_space<hbm>> -> memref<640x128xf32, #tpu.memory_space<hbm>>
      %dma_wait3A_72 = arith.constant 0 : i32
      %dma_wait3A_73 = tpu.memref_slice %arg12[%mul3A_2, %dma_wait3A_72] : memref<10240x128xf32, #tpu.memory_space<vmem_shared>> -> memref<640x128xf32, #tpu.memory_space<vmem_shared>>
      tpu.wait_dma2 semaphore(%run_scoped3A_63 : memref<!tpu.dma_semaphore, #tpu.memory_space<semaphore_mem>>) src(%dma_wait3A_73 : memref<640x128xf32, #tpu.memory_space<vmem_shared>>) dst(%dma_wait3A_71 : memref<640x128xf32, #tpu.memory_space<hbm>>)
      tpu.yield
    }) : () -> ()
    return
  }
}

#map = affine_map<(d0, d1) -> (0, 0)>
#map1 = affine_map<(d0, d1) -> (0, 0, 0)>
#map2 = affine_map<(d0, d1) -> (0, 0, 0, 0)>
module attributes {stable_mosaic.version = 14 : i64} {
  func.func @body(%arg0: i32, %arg1: i32, %arg2: memref<10240x128xf32, #tpu.memory_space<hbm>>, %arg3: memref<10240x128xf32, #tpu.memory_space<hbm>>, %arg4: memref<10240x128xf32, #tpu.memory_space<hbm>>, %arg5: memref<10240x128xf32, #tpu.memory_space<hbm>>, %arg6: memref<32x40x128xi32, #tpu.memory_space<hbm>>, %arg7: memref<32x40x128xi32, #tpu.memory_space<hbm>>, %arg8: memref<10240x128xf32, #tpu.memory_space<hbm>>, %arg9: memref<2x4x10240x128xf32, #tpu.memory_space<hbm>>, %arg10: memref<40x128xi32, #tpu.memory_space<vmem>>, %arg11: memref<40x128xi32, #tpu.memory_space<vmem>>, %arg12: memref<128x128xf32, #tpu.memory_space<vmem>>, %arg13: memref<128x128xf32, #tpu.memory_space<vmem>>, %arg14: memref<10240x128xf32, #tpu.memory_space<vmem_shared>>, %arg15: memref<!tpu.dma_semaphore, #tpu.memory_space<semaphore_mem>>, %arg16: memref<!tpu.dma_semaphore, #tpu.memory_space<semaphore_mem>>) attributes {dimension_semantics = [#tpu.dimension_semantics<core_parallel>, #tpu.dimension_semantics<subcore_parallel>], iteration_bounds = array<i64: 2, 16>, scalar_prefetch = 0 : i64, scratch_operands = 7 : i64, tpu.core_type = #tpu.core_type<sc_vector_subcore>, window_params = [{transform_indices = #map}, {transform_indices = #map}, {transform_indices = #map}, {transform_indices = #map}, {transform_indices = #map1}, {transform_indices = #map1}, {transform_indices = #map}, {transform_indices = #map2}]} {
    %mul3A = arith.constant 16 : i32
    %mul3A_0 = arith.muli %arg0, %mul3A : i32
    %add3A = arith.addi %mul3A_0, %arg1 : i32
    %mul3A_1 = arith.constant 640 : i32
    %mul3A_2 = arith.muli %arg1, %mul3A_1 : i32
    "tpu.region"() ({
      %run_scoped3A_67 = tpu.sem_alloc : memref<!tpu.dma_semaphore, #tpu.memory_space<semaphore_mem>>
      %dma_start3A_68 = arith.constant 0 : i32
      %dma_start3A_69 = arith.constant 0 : i32
      %dma_start3A_70 = tpu.memref_slice %arg6[%add3A, %dma_start3A_68, %dma_start3A_69] : memref<32x40x128xi32, #tpu.memory_space<hbm>> -> memref<1x40x128xi32, #tpu.memory_space<hbm>>
      %dma_start3A_71 = tpu.memref_squeeze %dma_start3A_70 : memref<1x40x128xi32, #tpu.memory_space<hbm>> -> memref<40x128xi32, #tpu.memory_space<hbm>>
      %dma_start3A_72 = arith.constant 0 : i32
      %dma_start3A_73 = arith.constant 0 : i32
      %dma_start3A_74 = tpu.memref_slice %arg6[%add3A, %dma_start3A_72, %dma_start3A_73] : memref<32x40x128xi32, #tpu.memory_space<hbm>> -> memref<1x40x128xi32, #tpu.memory_space<hbm>>
      %dma_start3A_75 = tpu.memref_squeeze %dma_start3A_74 : memref<1x40x128xi32, #tpu.memory_space<hbm>> -> memref<40x128xi32, #tpu.memory_space<hbm>>
      tpu.enqueue_dma source(%dma_start3A_75 : memref<40x128xi32, #tpu.memory_space<hbm>>) target(%arg10 : memref<40x128xi32, #tpu.memory_space<vmem>>) target_semaphore(%run_scoped3A_67 : memref<!tpu.dma_semaphore, #tpu.memory_space<semaphore_mem>>)
      %dma_wait3A = arith.constant 0 : i32
      %dma_wait3A_76 = arith.constant 0 : i32
      %dma_wait3A_77 = tpu.memref_slice %arg6[%add3A, %dma_wait3A, %dma_wait3A_76] : memref<32x40x128xi32, #tpu.memory_space<hbm>> -> memref<1x40x128xi32, #tpu.memory_space<hbm>>
      %dma_wait3A_78 = tpu.memref_squeeze %dma_wait3A_77 : memref<1x40x128xi32, #tpu.memory_space<hbm>> -> memref<40x128xi32, #tpu.memory_space<hbm>>
      %dma_wait3A_79 = arith.constant 0 : i32
      %dma_wait3A_80 = arith.constant 0 : i32
      %dma_wait3A_81 = tpu.memref_slice %arg6[%add3A, %dma_wait3A_79, %dma_wait3A_80] : memref<32x40x128xi32, #tpu.memory_space<hbm>> -> memref<1x40x128xi32, #tpu.memory_space<hbm>>
      %dma_wait3A_82 = tpu.memref_squeeze %dma_wait3A_81 : memref<1x40x128xi32, #tpu.memory_space<hbm>> -> memref<40x128xi32, #tpu.memory_space<hbm>>
      tpu.wait_dma2 semaphore(%run_scoped3A_67 : memref<!tpu.dma_semaphore, #tpu.memory_space<semaphore_mem>>) src(%dma_wait3A_82 : memref<40x128xi32, #tpu.memory_space<hbm>>) dst(%arg10 : memref<40x128xi32, #tpu.memory_space<vmem>>)
      tpu.yield
    }) : () -> ()
    "tpu.region"() ({
      %run_scoped3A_67 = tpu.sem_alloc : memref<!tpu.dma_semaphore, #tpu.memory_space<semaphore_mem>>
      %dma_start3A_68 = arith.constant 0 : i32
      %dma_start3A_69 = arith.constant 0 : i32
      %dma_start3A_70 = tpu.memref_slice %arg7[%add3A, %dma_start3A_68, %dma_start3A_69] : memref<32x40x128xi32, #tpu.memory_space<hbm>> -> memref<1x40x128xi32, #tpu.memory_space<hbm>>
      %dma_start3A_71 = tpu.memref_squeeze %dma_start3A_70 : memref<1x40x128xi32, #tpu.memory_space<hbm>> -> memref<40x128xi32, #tpu.memory_space<hbm>>
      %dma_start3A_72 = arith.constant 0 : i32
      %dma_start3A_73 = arith.constant 0 : i32
      %dma_start3A_74 = tpu.memref_slice %arg7[%add3A, %dma_start3A_72, %dma_start3A_73] : memref<32x40x128xi32, #tpu.memory_space<hbm>> -> memref<1x40x128xi32, #tpu.memory_space<hbm>>
      %dma_start3A_75 = tpu.memref_squeeze %dma_start3A_74 : memref<1x40x128xi32, #tpu.memory_space<hbm>> -> memref<40x128xi32, #tpu.memory_space<hbm>>
      tpu.enqueue_dma source(%dma_start3A_75 : memref<40x128xi32, #tpu.memory_space<hbm>>) target(%arg11 : memref<40x128xi32, #tpu.memory_space<vmem>>) target_semaphore(%run_scoped3A_67 : memref<!tpu.dma_semaphore, #tpu.memory_space<semaphore_mem>>)
      %dma_wait3A = arith.constant 0 : i32
      %dma_wait3A_76 = arith.constant 0 : i32
      %dma_wait3A_77 = tpu.memref_slice %arg7[%add3A, %dma_wait3A, %dma_wait3A_76] : memref<32x40x128xi32, #tpu.memory_space<hbm>> -> memref<1x40x128xi32, #tpu.memory_space<hbm>>
      %dma_wait3A_78 = tpu.memref_squeeze %dma_wait3A_77 : memref<1x40x128xi32, #tpu.memory_space<hbm>> -> memref<40x128xi32, #tpu.memory_space<hbm>>
      %dma_wait3A_79 = arith.constant 0 : i32
      %dma_wait3A_80 = arith.constant 0 : i32
      %dma_wait3A_81 = tpu.memref_slice %arg7[%add3A, %dma_wait3A_79, %dma_wait3A_80] : memref<32x40x128xi32, #tpu.memory_space<hbm>> -> memref<1x40x128xi32, #tpu.memory_space<hbm>>
      %dma_wait3A_82 = tpu.memref_squeeze %dma_wait3A_81 : memref<1x40x128xi32, #tpu.memory_space<hbm>> -> memref<40x128xi32, #tpu.memory_space<hbm>>
      tpu.wait_dma2 semaphore(%run_scoped3A_67 : memref<!tpu.dma_semaphore, #tpu.memory_space<semaphore_mem>>) src(%dma_wait3A_82 : memref<40x128xi32, #tpu.memory_space<hbm>>) dst(%arg11 : memref<40x128xi32, #tpu.memory_space<vmem>>)
      tpu.yield
    }) : () -> ()
    "tpu.region"() ({
      %run_scoped3A_67 = tpu.sem_alloc : memref<!tpu.dma_semaphore, #tpu.memory_space<semaphore_mem>>
      %dma_start3A_68 = arith.constant 0 : i32
      %dma_start3A_69 = tpu.memref_slice %arg14[%mul3A_2, %dma_start3A_68] : memref<10240x128xf32, #tpu.memory_space<vmem_shared>> -> memref<640x128xf32, #tpu.memory_space<vmem_shared>>
      %dma_start3A_70 = arith.constant 0 : i32
      %dma_start3A_71 = tpu.memref_slice %arg8[%mul3A_2, %dma_start3A_70] : memref<10240x128xf32, #tpu.memory_space<hbm>> -> memref<640x128xf32, #tpu.memory_space<hbm>>
      tpu.enqueue_dma source(%dma_start3A_71 : memref<640x128xf32, #tpu.memory_space<hbm>>) target(%dma_start3A_69 : memref<640x128xf32, #tpu.memory_space<vmem_shared>>) target_semaphore(%run_scoped3A_67 : memref<!tpu.dma_semaphore, #tpu.memory_space<semaphore_mem>>)
      %dma_wait3A = arith.constant 0 : i32
      %dma_wait3A_72 = tpu.memref_slice %arg14[%mul3A_2, %dma_wait3A] : memref<10240x128xf32, #tpu.memory_space<vmem_shared>> -> memref<640x128xf32, #tpu.memory_space<vmem_shared>>
      %dma_wait3A_73 = arith.constant 0 : i32
      %dma_wait3A_74 = tpu.memref_slice %arg8[%mul3A_2, %dma_wait3A_73] : memref<10240x128xf32, #tpu.memory_space<hbm>> -> memref<640x128xf32, #tpu.memory_space<hbm>>
      tpu.wait_dma2 semaphore(%run_scoped3A_67 : memref<!tpu.dma_semaphore, #tpu.memory_space<semaphore_mem>>) src(%dma_wait3A_74 : memref<640x128xf32, #tpu.memory_space<hbm>>) dst(%dma_wait3A_72 : memref<640x128xf32, #tpu.memory_space<vmem_shared>>)
      tpu.yield
    }) : () -> ()
    %barrier3A = arith.constant 0 : index
    tpu.barrier barrier_id(%barrier3A)
    %dma_start3A = arith.constant 0 : i32
    %dma_start3A_3 = arith.constant 0 : i32
    %dma_start3A_4 = tpu.memref_slice %arg10[%dma_start3A, %dma_start3A_3] : memref<40x128xi32, #tpu.memory_space<vmem>> -> memref<1x128xi32, #tpu.memory_space<vmem>>
    %dma_start3A_5 = tpu.memref_squeeze %dma_start3A_4 : memref<1x128xi32, #tpu.memory_space<vmem>> -> memref<128xi32, #tpu.memory_space<vmem>>
    %dma_start3A_6 = arith.constant 0 : i32
    %dma_start3A_7 = arith.constant 0 : i32
    %dma_start3A_8 = tpu.memref_slice %arg2[%dma_start3A_6, %dma_start3A_7] : memref<10240x128xf32, #tpu.memory_space<hbm>> -> memref<10240x128xf32, #tpu.memory_space<hbm>>
    tpu.enqueue_indirect_dma source(%dma_start3A_8 : memref<10240x128xf32, #tpu.memory_space<hbm>>) target(%arg12 : memref<128x128xf32, #tpu.memory_space<vmem>>) offsets(%dma_start3A_5 : memref<128xi32, #tpu.memory_space<vmem>>) semaphore(%arg15 : memref<!tpu.dma_semaphore, #tpu.memory_space<semaphore_mem>>)
    %scan3A = arith.constant 0 : i32
    %scan3A_9 = arith.constant 0 : i32
    %scan3A_10 = arith.constant 20 : i32
    %scan3A_11 = arith.addi %scan3A_9, %scan3A_10 : i32
    %scan3A_12 = arith.constant 1 : i32
    %scan3A_13 = scf.for %scan3A_67 = %scan3A_9 to %scan3A_11 step %scan3A_12 iter_args(%scan3A_68 = %scan3A) -> (i32)  : i32 {
      %mul3A_69 = arith.constant 2 : i32
      %mul3A_70 = arith.muli %mul3A_69, %scan3A_67 : i32
      %add3A_71 = arith.constant 1 : i32
      %add3A_72 = arith.addi %mul3A_70, %add3A_71 : i32
      %dma_start3A_73 = arith.constant 0 : i32
      %dma_start3A_74 = tpu.memref_slice %arg10[%add3A_72, %dma_start3A_73] : memref<40x128xi32, #tpu.memory_space<vmem>> -> memref<1x128xi32, #tpu.memory_space<vmem>>
      %dma_start3A_75 = tpu.memref_squeeze %dma_start3A_74 : memref<1x128xi32, #tpu.memory_space<vmem>> -> memref<128xi32, #tpu.memory_space<vmem>>
      %dma_start3A_76 = arith.constant 0 : i32
      %dma_start3A_77 = arith.constant 0 : i32
      %dma_start3A_78 = tpu.memref_slice %arg2[%dma_start3A_76, %dma_start3A_77] : memref<10240x128xf32, #tpu.memory_space<hbm>> -> memref<10240x128xf32, #tpu.memory_space<hbm>>
      tpu.enqueue_indirect_dma source(%dma_start3A_78 : memref<10240x128xf32, #tpu.memory_space<hbm>>) target(%arg13 : memref<128x128xf32, #tpu.memory_space<vmem>>) offsets(%dma_start3A_75 : memref<128xi32, #tpu.memory_space<vmem>>) semaphore(%arg16 : memref<!tpu.dma_semaphore, #tpu.memory_space<semaphore_mem>>)
      %dma_wait3A = arith.constant 0 : i32
      %dma_wait3A_79 = tpu.memref_slice %arg10[%mul3A_70, %dma_wait3A] : memref<40x128xi32, #tpu.memory_space<vmem>> -> memref<1x128xi32, #tpu.memory_space<vmem>>
      %dma_wait3A_80 = tpu.memref_squeeze %dma_wait3A_79 : memref<1x128xi32, #tpu.memory_space<vmem>> -> memref<128xi32, #tpu.memory_space<vmem>>
      %dma_wait3A_81 = arith.constant 0 : i32
      %dma_wait3A_82 = arith.constant 0 : i32
      %dma_wait3A_83 = tpu.memref_slice %arg2[%dma_wait3A_81, %dma_wait3A_82] : memref<10240x128xf32, #tpu.memory_space<hbm>> -> memref<10240x128xf32, #tpu.memory_space<hbm>>
      tpu.wait_indirect_dma semaphore(%arg15 : memref<!tpu.dma_semaphore, #tpu.memory_space<semaphore_mem>>) src(%dma_wait3A_83 : memref<10240x128xf32, #tpu.memory_space<hbm>>) dst(%arg12 : memref<128x128xf32, #tpu.memory_space<vmem>>)
      "tpu.region"() ({
        %run_scoped3A_97 = tpu.sem_alloc : memref<!tpu.dma_semaphore, #tpu.memory_space<semaphore_mem>>
        %dma_start3A_98 = arith.constant 0 : i32
        %dma_start3A_99 = tpu.memref_slice %arg11[%mul3A_70, %dma_start3A_98] : memref<40x128xi32, #tpu.memory_space<vmem>> -> memref<1x128xi32, #tpu.memory_space<vmem>>
        %dma_start3A_100 = tpu.memref_squeeze %dma_start3A_99 : memref<1x128xi32, #tpu.memory_space<vmem>> -> memref<128xi32, #tpu.memory_space<vmem>>
        %dma_start3A_101 = arith.constant 0 : i32
        %dma_start3A_102 = arith.constant 0 : i32
        %dma_start3A_103 = tpu.memref_slice %arg14[%dma_start3A_101, %dma_start3A_102] : memref<10240x128xf32, #tpu.memory_space<vmem_shared>> -> memref<10240x128xf32, #tpu.memory_space<vmem_shared>>
        tpu.enqueue_indirect_dma source(%arg12 : memref<128x128xf32, #tpu.memory_space<vmem>>) target(%dma_start3A_103 : memref<10240x128xf32, #tpu.memory_space<vmem_shared>>) offsets(%dma_start3A_100 : memref<128xi32, #tpu.memory_space<vmem>>) semaphore(%run_scoped3A_97 : memref<!tpu.dma_semaphore, #tpu.memory_space<semaphore_mem>>) {add = true}
        %dma_wait3A_104 = arith.constant 0 : i32
        %dma_wait3A_105 = tpu.memref_slice %arg11[%mul3A_70, %dma_wait3A_104] : memref<40x128xi32, #tpu.memory_space<vmem>> -> memref<1x128xi32, #tpu.memory_space<vmem>>
        %dma_wait3A_106 = tpu.memref_squeeze %dma_wait3A_105 : memref<1x128xi32, #tpu.memory_space<vmem>> -> memref<128xi32, #tpu.memory_space<vmem>>
        %dma_wait3A_107 = arith.constant 0 : i32
        %dma_wait3A_108 = arith.constant 0 : i32
        %dma_wait3A_109 = tpu.memref_slice %arg14[%dma_wait3A_107, %dma_wait3A_108] : memref<10240x128xf32, #tpu.memory_space<vmem_shared>> -> memref<10240x128xf32, #tpu.memory_space<vmem_shared>>
        tpu.wait_indirect_dma semaphore(%run_scoped3A_97 : memref<!tpu.dma_semaphore, #tpu.memory_space<semaphore_mem>>) src(%arg12 : memref<128x128xf32, #tpu.memory_space<vmem>>) dst(%dma_wait3A_109 : memref<10240x128xf32, #tpu.memory_space<vmem_shared>>)
        tpu.yield
      }) : () -> ()
      %lt3A = arith.constant 19 : i32
      %lt3A_84 = arith.cmpi slt, %scan3A_67, %lt3A : i32
      %convert_element_type3A = arith.extui %lt3A_84 : i1 to i32
      %cond3A = arith.constant 0 : i32
      %cond3A_85 = arith.cmpi ne, %convert_element_type3A, %cond3A : i32
      scf.if %cond3A_85 {
        %add3A_97 = arith.constant 2 : i32
        %add3A_98 = arith.addi %mul3A_70, %add3A_97 : i32
        %dma_start3A_99 = arith.constant 0 : i32
        %dma_start3A_100 = tpu.memref_slice %arg10[%add3A_98, %dma_start3A_99] : memref<40x128xi32, #tpu.memory_space<vmem>> -> memref<1x128xi32, #tpu.memory_space<vmem>>
        %dma_start3A_101 = tpu.memref_squeeze %dma_start3A_100 : memref<1x128xi32, #tpu.memory_space<vmem>> -> memref<128xi32, #tpu.memory_space<vmem>>
        %dma_start3A_102 = arith.constant 0 : i32
        %dma_start3A_103 = arith.constant 0 : i32
        %dma_start3A_104 = tpu.memref_slice %arg2[%dma_start3A_102, %dma_start3A_103] : memref<10240x128xf32, #tpu.memory_space<hbm>> -> memref<10240x128xf32, #tpu.memory_space<hbm>>
        tpu.enqueue_indirect_dma source(%dma_start3A_104 : memref<10240x128xf32, #tpu.memory_space<hbm>>) target(%arg12 : memref<128x128xf32, #tpu.memory_space<vmem>>) offsets(%dma_start3A_101 : memref<128xi32, #tpu.memory_space<vmem>>) semaphore(%arg15 : memref<!tpu.dma_semaphore, #tpu.memory_space<semaphore_mem>>)
      } else {
      }
      %add3A_86 = arith.constant 1 : i32
      %add3A_87 = arith.addi %mul3A_70, %add3A_86 : i32
      %dma_wait3A_88 = arith.constant 0 : i32
      %dma_wait3A_89 = tpu.memref_slice %arg10[%add3A_87, %dma_wait3A_88] : memref<40x128xi32, #tpu.memory_space<vmem>> -> memref<1x128xi32, #tpu.memory_space<vmem>>
      %dma_wait3A_90 = tpu.memref_squeeze %dma_wait3A_89 : memref<1x128xi32, #tpu.memory_space<vmem>> -> memref<128xi32, #tpu.memory_space<vmem>>
      %dma_wait3A_91 = arith.constant 0 : i32
      %dma_wait3A_92 = arith.constant 0 : i32
      %dma_wait3A_93 = tpu.memref_slice %arg2[%dma_wait3A_91, %dma_wait3A_92] : memref<10240x128xf32, #tpu.memory_space<hbm>> -> memref<10240x128xf32, #tpu.memory_space<hbm>>
      tpu.wait_indirect_dma semaphore(%arg16 : memref<!tpu.dma_semaphore, #tpu.memory_space<semaphore_mem>>) src(%dma_wait3A_93 : memref<10240x128xf32, #tpu.memory_space<hbm>>) dst(%arg13 : memref<128x128xf32, #tpu.memory_space<vmem>>)
      %add3A_94 = arith.constant 1 : i32
      %add3A_95 = arith.addi %mul3A_70, %add3A_94 : i32
      "tpu.region"() ({
        %run_scoped3A_97 = tpu.sem_alloc : memref<!tpu.dma_semaphore, #tpu.memory_space<semaphore_mem>>
        %dma_start3A_98 = arith.constant 0 : i32
        %dma_start3A_99 = tpu.memref_slice %arg11[%add3A_95, %dma_start3A_98] : memref<40x128xi32, #tpu.memory_space<vmem>> -> memref<1x128xi32, #tpu.memory_space<vmem>>
        %dma_start3A_100 = tpu.memref_squeeze %dma_start3A_99 : memref<1x128xi32, #tpu.memory_space<vmem>> -> memref<128xi32, #tpu.memory_space<vmem>>
        %dma_start3A_101 = arith.constant 0 : i32
        %dma_start3A_102 = arith.constant 0 : i32
        %dma_start3A_103 = tpu.memref_slice %arg14[%dma_start3A_101, %dma_start3A_102] : memref<10240x128xf32, #tpu.memory_space<vmem_shared>> -> memref<10240x128xf32, #tpu.memory_space<vmem_shared>>
        tpu.enqueue_indirect_dma source(%arg13 : memref<128x128xf32, #tpu.memory_space<vmem>>) target(%dma_start3A_103 : memref<10240x128xf32, #tpu.memory_space<vmem_shared>>) offsets(%dma_start3A_100 : memref<128xi32, #tpu.memory_space<vmem>>) semaphore(%run_scoped3A_97 : memref<!tpu.dma_semaphore, #tpu.memory_space<semaphore_mem>>) {add = true}
        %dma_wait3A_104 = arith.constant 0 : i32
        %dma_wait3A_105 = tpu.memref_slice %arg11[%add3A_95, %dma_wait3A_104] : memref<40x128xi32, #tpu.memory_space<vmem>> -> memref<1x128xi32, #tpu.memory_space<vmem>>
        %dma_wait3A_106 = tpu.memref_squeeze %dma_wait3A_105 : memref<1x128xi32, #tpu.memory_space<vmem>> -> memref<128xi32, #tpu.memory_space<vmem>>
        %dma_wait3A_107 = arith.constant 0 : i32
        %dma_wait3A_108 = arith.constant 0 : i32
        %dma_wait3A_109 = tpu.memref_slice %arg14[%dma_wait3A_107, %dma_wait3A_108] : memref<10240x128xf32, #tpu.memory_space<vmem_shared>> -> memref<10240x128xf32, #tpu.memory_space<vmem_shared>>
        tpu.wait_indirect_dma semaphore(%run_scoped3A_97 : memref<!tpu.dma_semaphore, #tpu.memory_space<semaphore_mem>>) src(%arg13 : memref<128x128xf32, #tpu.memory_space<vmem>>) dst(%dma_wait3A_109 : memref<10240x128xf32, #tpu.memory_space<vmem_shared>>)
        tpu.yield
      }) : () -> ()
      %scan3A_96 = arith.constant 0 : i32
      scf.yield %scan3A_96 : i32
    }
    %scan3A_14 = arith.constant 20 : i32
    %barrier3A_15 = arith.constant 0 : index
    tpu.barrier barrier_id(%barrier3A_15)
    %run_scoped3A = arith.constant 0 : i32
    "tpu.region"() ({
      %run_scoped3A_67 = tpu.sem_alloc : memref<!tpu.dma_semaphore, #tpu.memory_space<semaphore_mem>>
      %dma_start3A_68 = arith.constant 0 : i32
      %dma_start3A_69 = tpu.memref_slice %arg9[%arg0, %run_scoped3A, %mul3A_2, %dma_start3A_68] : memref<2x4x10240x128xf32, #tpu.memory_space<hbm>> -> memref<1x1x640x128xf32, #tpu.memory_space<hbm>>
      %dma_start3A_70 = tpu.memref_squeeze %dma_start3A_69 : memref<1x1x640x128xf32, #tpu.memory_space<hbm>> -> memref<640x128xf32, #tpu.memory_space<hbm>>
      %dma_start3A_71 = arith.constant 0 : i32
      %dma_start3A_72 = tpu.memref_slice %arg14[%mul3A_2, %dma_start3A_71] : memref<10240x128xf32, #tpu.memory_space<vmem_shared>> -> memref<640x128xf32, #tpu.memory_space<vmem_shared>>
      tpu.enqueue_dma source(%dma_start3A_72 : memref<640x128xf32, #tpu.memory_space<vmem_shared>>) target(%dma_start3A_70 : memref<640x128xf32, #tpu.memory_space<hbm>>) target_semaphore(%run_scoped3A_67 : memref<!tpu.dma_semaphore, #tpu.memory_space<semaphore_mem>>)
      %dma_wait3A = arith.constant 0 : i32
      %dma_wait3A_73 = tpu.memref_slice %arg9[%arg0, %run_scoped3A, %mul3A_2, %dma_wait3A] : memref<2x4x10240x128xf32, #tpu.memory_space<hbm>> -> memref<1x1x640x128xf32, #tpu.memory_space<hbm>>
      %dma_wait3A_74 = tpu.memref_squeeze %dma_wait3A_73 : memref<1x1x640x128xf32, #tpu.memory_space<hbm>> -> memref<640x128xf32, #tpu.memory_space<hbm>>
      %dma_wait3A_75 = arith.constant 0 : i32
      %dma_wait3A_76 = tpu.memref_slice %arg14[%mul3A_2, %dma_wait3A_75] : memref<10240x128xf32, #tpu.memory_space<vmem_shared>> -> memref<640x128xf32, #tpu.memory_space<vmem_shared>>
      tpu.wait_dma2 semaphore(%run_scoped3A_67 : memref<!tpu.dma_semaphore, #tpu.memory_space<semaphore_mem>>) src(%dma_wait3A_76 : memref<640x128xf32, #tpu.memory_space<vmem_shared>>) dst(%dma_wait3A_74 : memref<640x128xf32, #tpu.memory_space<hbm>>)
      tpu.yield
    }) : () -> ()
    "tpu.region"() ({
      %run_scoped3A_67 = tpu.sem_alloc : memref<!tpu.dma_semaphore, #tpu.memory_space<semaphore_mem>>
      %dma_start3A_68 = arith.constant 0 : i32
      %dma_start3A_69 = tpu.memref_slice %arg14[%mul3A_2, %dma_start3A_68] : memref<10240x128xf32, #tpu.memory_space<vmem_shared>> -> memref<640x128xf32, #tpu.memory_space<vmem_shared>>
      %dma_start3A_70 = arith.constant 0 : i32
      %dma_start3A_71 = tpu.memref_slice %arg8[%mul3A_2, %dma_start3A_70] : memref<10240x128xf32, #tpu.memory_space<hbm>> -> memref<640x128xf32, #tpu.memory_space<hbm>>
      tpu.enqueue_dma source(%dma_start3A_71 : memref<640x128xf32, #tpu.memory_space<hbm>>) target(%dma_start3A_69 : memref<640x128xf32, #tpu.memory_space<vmem_shared>>) target_semaphore(%run_scoped3A_67 : memref<!tpu.dma_semaphore, #tpu.memory_space<semaphore_mem>>)
      %dma_wait3A = arith.constant 0 : i32
      %dma_wait3A_72 = tpu.memref_slice %arg14[%mul3A_2, %dma_wait3A] : memref<10240x128xf32, #tpu.memory_space<vmem_shared>> -> memref<640x128xf32, #tpu.memory_space<vmem_shared>>
      %dma_wait3A_73 = arith.constant 0 : i32
      %dma_wait3A_74 = tpu.memref_slice %arg8[%mul3A_2, %dma_wait3A_73] : memref<10240x128xf32, #tpu.memory_space<hbm>> -> memref<640x128xf32, #tpu.memory_space<hbm>>
      tpu.wait_dma2 semaphore(%run_scoped3A_67 : memref<!tpu.dma_semaphore, #tpu.memory_space<semaphore_mem>>) src(%dma_wait3A_74 : memref<640x128xf32, #tpu.memory_space<hbm>>) dst(%dma_wait3A_72 : memref<640x128xf32, #tpu.memory_space<vmem_shared>>)
      tpu.yield
    }) : () -> ()
    %barrier3A_16 = arith.constant 0 : index
    tpu.barrier barrier_id(%barrier3A_16)
    %dma_start3A_17 = arith.constant 0 : i32
    %dma_start3A_18 = arith.constant 0 : i32
    %dma_start3A_19 = tpu.memref_slice %arg10[%dma_start3A_17, %dma_start3A_18] : memref<40x128xi32, #tpu.memory_space<vmem>> -> memref<1x128xi32, #tpu.memory_space<vmem>>
    %dma_start3A_20 = tpu.memref_squeeze %dma_start3A_19 : memref<1x128xi32, #tpu.memory_space<vmem>> -> memref<128xi32, #tpu.memory_space<vmem>>
    %dma_start3A_21 = arith.constant 0 : i32
    %dma_start3A_22 = arith.constant 0 : i32
    %dma_start3A_23 = tpu.memref_slice %arg3[%dma_start3A_21, %dma_start3A_22] : memref<10240x128xf32, #tpu.memory_space<hbm>> -> memref<10240x128xf32, #tpu.memory_space<hbm>>
    tpu.enqueue_indirect_dma source(%dma_start3A_23 : memref<10240x128xf32, #tpu.memory_space<hbm>>) target(%arg12 : memref<128x128xf32, #tpu.memory_space<vmem>>) offsets(%dma_start3A_20 : memref<128xi32, #tpu.memory_space<vmem>>) semaphore(%arg15 : memref<!tpu.dma_semaphore, #tpu.memory_space<semaphore_mem>>)
    %scan3A_24 = arith.constant 0 : i32
    %scan3A_25 = arith.constant 0 : i32
    %scan3A_26 = arith.constant 20 : i32
    %scan3A_27 = arith.addi %scan3A_25, %scan3A_26 : i32
    %scan3A_28 = arith.constant 1 : i32
    %scan3A_29 = scf.for %scan3A_67 = %scan3A_25 to %scan3A_27 step %scan3A_28 iter_args(%scan3A_68 = %scan3A_24) -> (i32)  : i32 {
      %mul3A_69 = arith.constant 2 : i32
      %mul3A_70 = arith.muli %mul3A_69, %scan3A_67 : i32
      %add3A_71 = arith.constant 1 : i32
      %add3A_72 = arith.addi %mul3A_70, %add3A_71 : i32
      %dma_start3A_73 = arith.constant 0 : i32
      %dma_start3A_74 = tpu.memref_slice %arg10[%add3A_72, %dma_start3A_73] : memref<40x128xi32, #tpu.memory_space<vmem>> -> memref<1x128xi32, #tpu.memory_space<vmem>>
      %dma_start3A_75 = tpu.memref_squeeze %dma_start3A_74 : memref<1x128xi32, #tpu.memory_space<vmem>> -> memref<128xi32, #tpu.memory_space<vmem>>
      %dma_start3A_76 = arith.constant 0 : i32
      %dma_start3A_77 = arith.constant 0 : i32
      %dma_start3A_78 = tpu.memref_slice %arg3[%dma_start3A_76, %dma_start3A_77] : memref<10240x128xf32, #tpu.memory_space<hbm>> -> memref<10240x128xf32, #tpu.memory_space<hbm>>
      tpu.enqueue_indirect_dma source(%dma_start3A_78 : memref<10240x128xf32, #tpu.memory_space<hbm>>) target(%arg13 : memref<128x128xf32, #tpu.memory_space<vmem>>) offsets(%dma_start3A_75 : memref<128xi32, #tpu.memory_space<vmem>>) semaphore(%arg16 : memref<!tpu.dma_semaphore, #tpu.memory_space<semaphore_mem>>)
      %dma_wait3A = arith.constant 0 : i32
      %dma_wait3A_79 = tpu.memref_slice %arg10[%mul3A_70, %dma_wait3A] : memref<40x128xi32, #tpu.memory_space<vmem>> -> memref<1x128xi32, #tpu.memory_space<vmem>>
      %dma_wait3A_80 = tpu.memref_squeeze %dma_wait3A_79 : memref<1x128xi32, #tpu.memory_space<vmem>> -> memref<128xi32, #tpu.memory_space<vmem>>
      %dma_wait3A_81 = arith.constant 0 : i32
      %dma_wait3A_82 = arith.constant 0 : i32
      %dma_wait3A_83 = tpu.memref_slice %arg3[%dma_wait3A_81, %dma_wait3A_82] : memref<10240x128xf32, #tpu.memory_space<hbm>> -> memref<10240x128xf32, #tpu.memory_space<hbm>>
      tpu.wait_indirect_dma semaphore(%arg15 : memref<!tpu.dma_semaphore, #tpu.memory_space<semaphore_mem>>) src(%dma_wait3A_83 : memref<10240x128xf32, #tpu.memory_space<hbm>>) dst(%arg12 : memref<128x128xf32, #tpu.memory_space<vmem>>)
      "tpu.region"() ({
        %run_scoped3A_97 = tpu.sem_alloc : memref<!tpu.dma_semaphore, #tpu.memory_space<semaphore_mem>>
        %dma_start3A_98 = arith.constant 0 : i32
        %dma_start3A_99 = tpu.memref_slice %arg11[%mul3A_70, %dma_start3A_98] : memref<40x128xi32, #tpu.memory_space<vmem>> -> memref<1x128xi32, #tpu.memory_space<vmem>>
        %dma_start3A_100 = tpu.memref_squeeze %dma_start3A_99 : memref<1x128xi32, #tpu.memory_space<vmem>> -> memref<128xi32, #tpu.memory_space<vmem>>
        %dma_start3A_101 = arith.constant 0 : i32
        %dma_start3A_102 = arith.constant 0 : i32
        %dma_start3A_103 = tpu.memref_slice %arg14[%dma_start3A_101, %dma_start3A_102] : memref<10240x128xf32, #tpu.memory_space<vmem_shared>> -> memref<10240x128xf32, #tpu.memory_space<vmem_shared>>
        tpu.enqueue_indirect_dma source(%arg12 : memref<128x128xf32, #tpu.memory_space<vmem>>) target(%dma_start3A_103 : memref<10240x128xf32, #tpu.memory_space<vmem_shared>>) offsets(%dma_start3A_100 : memref<128xi32, #tpu.memory_space<vmem>>) semaphore(%run_scoped3A_97 : memref<!tpu.dma_semaphore, #tpu.memory_space<semaphore_mem>>) {add = true}
        %dma_wait3A_104 = arith.constant 0 : i32
        %dma_wait3A_105 = tpu.memref_slice %arg11[%mul3A_70, %dma_wait3A_104] : memref<40x128xi32, #tpu.memory_space<vmem>> -> memref<1x128xi32, #tpu.memory_space<vmem>>
        %dma_wait3A_106 = tpu.memref_squeeze %dma_wait3A_105 : memref<1x128xi32, #tpu.memory_space<vmem>> -> memref<128xi32, #tpu.memory_space<vmem>>
        %dma_wait3A_107 = arith.constant 0 : i32
        %dma_wait3A_108 = arith.constant 0 : i32
        %dma_wait3A_109 = tpu.memref_slice %arg14[%dma_wait3A_107, %dma_wait3A_108] : memref<10240x128xf32, #tpu.memory_space<vmem_shared>> -> memref<10240x128xf32, #tpu.memory_space<vmem_shared>>
        tpu.wait_indirect_dma semaphore(%run_scoped3A_97 : memref<!tpu.dma_semaphore, #tpu.memory_space<semaphore_mem>>) src(%arg12 : memref<128x128xf32, #tpu.memory_space<vmem>>) dst(%dma_wait3A_109 : memref<10240x128xf32, #tpu.memory_space<vmem_shared>>)
        tpu.yield
      }) : () -> ()
      %lt3A = arith.constant 19 : i32
      %lt3A_84 = arith.cmpi slt, %scan3A_67, %lt3A : i32
      %convert_element_type3A = arith.extui %lt3A_84 : i1 to i32
      %cond3A = arith.constant 0 : i32
      %cond3A_85 = arith.cmpi ne, %convert_element_type3A, %cond3A : i32
      scf.if %cond3A_85 {
        %add3A_97 = arith.constant 2 : i32
        %add3A_98 = arith.addi %mul3A_70, %add3A_97 : i32
        %dma_start3A_99 = arith.constant 0 : i32
        %dma_start3A_100 = tpu.memref_slice %arg10[%add3A_98, %dma_start3A_99] : memref<40x128xi32, #tpu.memory_space<vmem>> -> memref<1x128xi32, #tpu.memory_space<vmem>>
        %dma_start3A_101 = tpu.memref_squeeze %dma_start3A_100 : memref<1x128xi32, #tpu.memory_space<vmem>> -> memref<128xi32, #tpu.memory_space<vmem>>
        %dma_start3A_102 = arith.constant 0 : i32
        %dma_start3A_103 = arith.constant 0 : i32
        %dma_start3A_104 = tpu.memref_slice %arg3[%dma_start3A_102, %dma_start3A_103] : memref<10240x128xf32, #tpu.memory_space<hbm>> -> memref<10240x128xf32, #tpu.memory_space<hbm>>
        tpu.enqueue_indirect_dma source(%dma_start3A_104 : memref<10240x128xf32, #tpu.memory_space<hbm>>) target(%arg12 : memref<128x128xf32, #tpu.memory_space<vmem>>) offsets(%dma_start3A_101 : memref<128xi32, #tpu.memory_space<vmem>>) semaphore(%arg15 : memref<!tpu.dma_semaphore, #tpu.memory_space<semaphore_mem>>)
      } else {
      }
      %add3A_86 = arith.constant 1 : i32
      %add3A_87 = arith.addi %mul3A_70, %add3A_86 : i32
      %dma_wait3A_88 = arith.constant 0 : i32
      %dma_wait3A_89 = tpu.memref_slice %arg10[%add3A_87, %dma_wait3A_88] : memref<40x128xi32, #tpu.memory_space<vmem>> -> memref<1x128xi32, #tpu.memory_space<vmem>>
      %dma_wait3A_90 = tpu.memref_squeeze %dma_wait3A_89 : memref<1x128xi32, #tpu.memory_space<vmem>> -> memref<128xi32, #tpu.memory_space<vmem>>
      %dma_wait3A_91 = arith.constant 0 : i32
      %dma_wait3A_92 = arith.constant 0 : i32
      %dma_wait3A_93 = tpu.memref_slice %arg3[%dma_wait3A_91, %dma_wait3A_92] : memref<10240x128xf32, #tpu.memory_space<hbm>> -> memref<10240x128xf32, #tpu.memory_space<hbm>>
      tpu.wait_indirect_dma semaphore(%arg16 : memref<!tpu.dma_semaphore, #tpu.memory_space<semaphore_mem>>) src(%dma_wait3A_93 : memref<10240x128xf32, #tpu.memory_space<hbm>>) dst(%arg13 : memref<128x128xf32, #tpu.memory_space<vmem>>)
      %add3A_94 = arith.constant 1 : i32
      %add3A_95 = arith.addi %mul3A_70, %add3A_94 : i32
      "tpu.region"() ({
        %run_scoped3A_97 = tpu.sem_alloc : memref<!tpu.dma_semaphore, #tpu.memory_space<semaphore_mem>>
        %dma_start3A_98 = arith.constant 0 : i32
        %dma_start3A_99 = tpu.memref_slice %arg11[%add3A_95, %dma_start3A_98] : memref<40x128xi32, #tpu.memory_space<vmem>> -> memref<1x128xi32, #tpu.memory_space<vmem>>
        %dma_start3A_100 = tpu.memref_squeeze %dma_start3A_99 : memref<1x128xi32, #tpu.memory_space<vmem>> -> memref<128xi32, #tpu.memory_space<vmem>>
        %dma_start3A_101 = arith.constant 0 : i32
        %dma_start3A_102 = arith.constant 0 : i32
        %dma_start3A_103 = tpu.memref_slice %arg14[%dma_start3A_101, %dma_start3A_102] : memref<10240x128xf32, #tpu.memory_space<vmem_shared>> -> memref<10240x128xf32, #tpu.memory_space<vmem_shared>>
        tpu.enqueue_indirect_dma source(%arg13 : memref<128x128xf32, #tpu.memory_space<vmem>>) target(%dma_start3A_103 : memref<10240x128xf32, #tpu.memory_space<vmem_shared>>) offsets(%dma_start3A_100 : memref<128xi32, #tpu.memory_space<vmem>>) semaphore(%run_scoped3A_97 : memref<!tpu.dma_semaphore, #tpu.memory_space<semaphore_mem>>) {add = true}
        %dma_wait3A_104 = arith.constant 0 : i32
        %dma_wait3A_105 = tpu.memref_slice %arg11[%add3A_95, %dma_wait3A_104] : memref<40x128xi32, #tpu.memory_space<vmem>> -> memref<1x128xi32, #tpu.memory_space<vmem>>
        %dma_wait3A_106 = tpu.memref_squeeze %dma_wait3A_105 : memref<1x128xi32, #tpu.memory_space<vmem>> -> memref<128xi32, #tpu.memory_space<vmem>>
        %dma_wait3A_107 = arith.constant 0 : i32
        %dma_wait3A_108 = arith.constant 0 : i32
        %dma_wait3A_109 = tpu.memref_slice %arg14[%dma_wait3A_107, %dma_wait3A_108] : memref<10240x128xf32, #tpu.memory_space<vmem_shared>> -> memref<10240x128xf32, #tpu.memory_space<vmem_shared>>
        tpu.wait_indirect_dma semaphore(%run_scoped3A_97 : memref<!tpu.dma_semaphore, #tpu.memory_space<semaphore_mem>>) src(%arg13 : memref<128x128xf32, #tpu.memory_space<vmem>>) dst(%dma_wait3A_109 : memref<10240x128xf32, #tpu.memory_space<vmem_shared>>)
        tpu.yield
      }) : () -> ()
      %scan3A_96 = arith.constant 0 : i32
      scf.yield %scan3A_96 : i32
    }
    %scan3A_30 = arith.constant 20 : i32
    %barrier3A_31 = arith.constant 0 : index
    tpu.barrier barrier_id(%barrier3A_31)
    %run_scoped3A_32 = arith.constant 1 : i32
    "tpu.region"() ({
      %run_scoped3A_67 = tpu.sem_alloc : memref<!tpu.dma_semaphore, #tpu.memory_space<semaphore_mem>>
      %dma_start3A_68 = arith.constant 0 : i32
      %dma_start3A_69 = tpu.memref_slice %arg9[%arg0, %run_scoped3A_32, %mul3A_2, %dma_start3A_68] : memref<2x4x10240x128xf32, #tpu.memory_space<hbm>> -> memref<1x1x640x128xf32, #tpu.memory_space<hbm>>
      %dma_start3A_70 = tpu.memref_squeeze %dma_start3A_69 : memref<1x1x640x128xf32, #tpu.memory_space<hbm>> -> memref<640x128xf32, #tpu.memory_space<hbm>>
      %dma_start3A_71 = arith.constant 0 : i32
      %dma_start3A_72 = tpu.memref_slice %arg14[%mul3A_2, %dma_start3A_71] : memref<10240x128xf32, #tpu.memory_space<vmem_shared>> -> memref<640x128xf32, #tpu.memory_space<vmem_shared>>
      tpu.enqueue_dma source(%dma_start3A_72 : memref<640x128xf32, #tpu.memory_space<vmem_shared>>) target(%dma_start3A_70 : memref<640x128xf32, #tpu.memory_space<hbm>>) target_semaphore(%run_scoped3A_67 : memref<!tpu.dma_semaphore, #tpu.memory_space<semaphore_mem>>)
      %dma_wait3A = arith.constant 0 : i32
      %dma_wait3A_73 = tpu.memref_slice %arg9[%arg0, %run_scoped3A_32, %mul3A_2, %dma_wait3A] : memref<2x4x10240x128xf32, #tpu.memory_space<hbm>> -> memref<1x1x640x128xf32, #tpu.memory_space<hbm>>
      %dma_wait3A_74 = tpu.memref_squeeze %dma_wait3A_73 : memref<1x1x640x128xf32, #tpu.memory_space<hbm>> -> memref<640x128xf32, #tpu.memory_space<hbm>>
      %dma_wait3A_75 = arith.constant 0 : i32
      %dma_wait3A_76 = tpu.memref_slice %arg14[%mul3A_2, %dma_wait3A_75] : memref<10240x128xf32, #tpu.memory_space<vmem_shared>> -> memref<640x128xf32, #tpu.memory_space<vmem_shared>>
      tpu.wait_dma2 semaphore(%run_scoped3A_67 : memref<!tpu.dma_semaphore, #tpu.memory_space<semaphore_mem>>) src(%dma_wait3A_76 : memref<640x128xf32, #tpu.memory_space<vmem_shared>>) dst(%dma_wait3A_74 : memref<640x128xf32, #tpu.memory_space<hbm>>)
      tpu.yield
    }) : () -> ()
    "tpu.region"() ({
      %run_scoped3A_67 = tpu.sem_alloc : memref<!tpu.dma_semaphore, #tpu.memory_space<semaphore_mem>>
      %dma_start3A_68 = arith.constant 0 : i32
      %dma_start3A_69 = tpu.memref_slice %arg14[%mul3A_2, %dma_start3A_68] : memref<10240x128xf32, #tpu.memory_space<vmem_shared>> -> memref<640x128xf32, #tpu.memory_space<vmem_shared>>
      %dma_start3A_70 = arith.constant 0 : i32
      %dma_start3A_71 = tpu.memref_slice %arg8[%mul3A_2, %dma_start3A_70] : memref<10240x128xf32, #tpu.memory_space<hbm>> -> memref<640x128xf32, #tpu.memory_space<hbm>>
      tpu.enqueue_dma source(%dma_start3A_71 : memref<640x128xf32, #tpu.memory_space<hbm>>) target(%dma_start3A_69 : memref<640x128xf32, #tpu.memory_space<vmem_shared>>) target_semaphore(%run_scoped3A_67 : memref<!tpu.dma_semaphore, #tpu.memory_space<semaphore_mem>>)
      %dma_wait3A = arith.constant 0 : i32
      %dma_wait3A_72 = tpu.memref_slice %arg14[%mul3A_2, %dma_wait3A] : memref<10240x128xf32, #tpu.memory_space<vmem_shared>> -> memref<640x128xf32, #tpu.memory_space<vmem_shared>>
      %dma_wait3A_73 = arith.constant 0 : i32
      %dma_wait3A_74 = tpu.memref_slice %arg8[%mul3A_2, %dma_wait3A_73] : memref<10240x128xf32, #tpu.memory_space<hbm>> -> memref<640x128xf32, #tpu.memory_space<hbm>>
      tpu.wait_dma2 semaphore(%run_scoped3A_67 : memref<!tpu.dma_semaphore, #tpu.memory_space<semaphore_mem>>) src(%dma_wait3A_74 : memref<640x128xf32, #tpu.memory_space<hbm>>) dst(%dma_wait3A_72 : memref<640x128xf32, #tpu.memory_space<vmem_shared>>)
      tpu.yield
    }) : () -> ()
    %barrier3A_33 = arith.constant 0 : index
    tpu.barrier barrier_id(%barrier3A_33)
    %dma_start3A_34 = arith.constant 0 : i32
    %dma_start3A_35 = arith.constant 0 : i32
    %dma_start3A_36 = tpu.memref_slice %arg10[%dma_start3A_34, %dma_start3A_35] : memref<40x128xi32, #tpu.memory_space<vmem>> -> memref<1x128xi32, #tpu.memory_space<vmem>>
    %dma_start3A_37 = tpu.memref_squeeze %dma_start3A_36 : memref<1x128xi32, #tpu.memory_space<vmem>> -> memref<128xi32, #tpu.memory_space<vmem>>
    %dma_start3A_38 = arith.constant 0 : i32
    %dma_start3A_39 = arith.constant 0 : i32
    %dma_start3A_40 = tpu.memref_slice %arg4[%dma_start3A_38, %dma_start3A_39] : memref<10240x128xf32, #tpu.memory_space<hbm>> -> memref<10240x128xf32, #tpu.memory_space<hbm>>
    tpu.enqueue_indirect_dma source(%dma_start3A_40 : memref<10240x128xf32, #tpu.memory_space<hbm>>) target(%arg12 : memref<128x128xf32, #tpu.memory_space<vmem>>) offsets(%dma_start3A_37 : memref<128xi32, #tpu.memory_space<vmem>>) semaphore(%arg15 : memref<!tpu.dma_semaphore, #tpu.memory_space<semaphore_mem>>)
    %scan3A_41 = arith.constant 0 : i32
    %scan3A_42 = arith.constant 0 : i32
    %scan3A_43 = arith.constant 20 : i32
    %scan3A_44 = arith.addi %scan3A_42, %scan3A_43 : i32
    %scan3A_45 = arith.constant 1 : i32
    %scan3A_46 = scf.for %scan3A_67 = %scan3A_42 to %scan3A_44 step %scan3A_45 iter_args(%scan3A_68 = %scan3A_41) -> (i32)  : i32 {
      %mul3A_69 = arith.constant 2 : i32
      %mul3A_70 = arith.muli %mul3A_69, %scan3A_67 : i32
      %add3A_71 = arith.constant 1 : i32
      %add3A_72 = arith.addi %mul3A_70, %add3A_71 : i32
      %dma_start3A_73 = arith.constant 0 : i32
      %dma_start3A_74 = tpu.memref_slice %arg10[%add3A_72, %dma_start3A_73] : memref<40x128xi32, #tpu.memory_space<vmem>> -> memref<1x128xi32, #tpu.memory_space<vmem>>
      %dma_start3A_75 = tpu.memref_squeeze %dma_start3A_74 : memref<1x128xi32, #tpu.memory_space<vmem>> -> memref<128xi32, #tpu.memory_space<vmem>>
      %dma_start3A_76 = arith.constant 0 : i32
      %dma_start3A_77 = arith.constant 0 : i32
      %dma_start3A_78 = tpu.memref_slice %arg4[%dma_start3A_76, %dma_start3A_77] : memref<10240x128xf32, #tpu.memory_space<hbm>> -> memref<10240x128xf32, #tpu.memory_space<hbm>>
      tpu.enqueue_indirect_dma source(%dma_start3A_78 : memref<10240x128xf32, #tpu.memory_space<hbm>>) target(%arg13 : memref<128x128xf32, #tpu.memory_space<vmem>>) offsets(%dma_start3A_75 : memref<128xi32, #tpu.memory_space<vmem>>) semaphore(%arg16 : memref<!tpu.dma_semaphore, #tpu.memory_space<semaphore_mem>>)
      %dma_wait3A = arith.constant 0 : i32
      %dma_wait3A_79 = tpu.memref_slice %arg10[%mul3A_70, %dma_wait3A] : memref<40x128xi32, #tpu.memory_space<vmem>> -> memref<1x128xi32, #tpu.memory_space<vmem>>
      %dma_wait3A_80 = tpu.memref_squeeze %dma_wait3A_79 : memref<1x128xi32, #tpu.memory_space<vmem>> -> memref<128xi32, #tpu.memory_space<vmem>>
      %dma_wait3A_81 = arith.constant 0 : i32
      %dma_wait3A_82 = arith.constant 0 : i32
      %dma_wait3A_83 = tpu.memref_slice %arg4[%dma_wait3A_81, %dma_wait3A_82] : memref<10240x128xf32, #tpu.memory_space<hbm>> -> memref<10240x128xf32, #tpu.memory_space<hbm>>
      tpu.wait_indirect_dma semaphore(%arg15 : memref<!tpu.dma_semaphore, #tpu.memory_space<semaphore_mem>>) src(%dma_wait3A_83 : memref<10240x128xf32, #tpu.memory_space<hbm>>) dst(%arg12 : memref<128x128xf32, #tpu.memory_space<vmem>>)
      "tpu.region"() ({
        %run_scoped3A_97 = tpu.sem_alloc : memref<!tpu.dma_semaphore, #tpu.memory_space<semaphore_mem>>
        %dma_start3A_98 = arith.constant 0 : i32
        %dma_start3A_99 = tpu.memref_slice %arg11[%mul3A_70, %dma_start3A_98] : memref<40x128xi32, #tpu.memory_space<vmem>> -> memref<1x128xi32, #tpu.memory_space<vmem>>
        %dma_start3A_100 = tpu.memref_squeeze %dma_start3A_99 : memref<1x128xi32, #tpu.memory_space<vmem>> -> memref<128xi32, #tpu.memory_space<vmem>>
        %dma_start3A_101 = arith.constant 0 : i32
        %dma_start3A_102 = arith.constant 0 : i32
        %dma_start3A_103 = tpu.memref_slice %arg14[%dma_start3A_101, %dma_start3A_102] : memref<10240x128xf32, #tpu.memory_space<vmem_shared>> -> memref<10240x128xf32, #tpu.memory_space<vmem_shared>>
        tpu.enqueue_indirect_dma source(%arg12 : memref<128x128xf32, #tpu.memory_space<vmem>>) target(%dma_start3A_103 : memref<10240x128xf32, #tpu.memory_space<vmem_shared>>) offsets(%dma_start3A_100 : memref<128xi32, #tpu.memory_space<vmem>>) semaphore(%run_scoped3A_97 : memref<!tpu.dma_semaphore, #tpu.memory_space<semaphore_mem>>) {add = true}
        %dma_wait3A_104 = arith.constant 0 : i32
        %dma_wait3A_105 = tpu.memref_slice %arg11[%mul3A_70, %dma_wait3A_104] : memref<40x128xi32, #tpu.memory_space<vmem>> -> memref<1x128xi32, #tpu.memory_space<vmem>>
        %dma_wait3A_106 = tpu.memref_squeeze %dma_wait3A_105 : memref<1x128xi32, #tpu.memory_space<vmem>> -> memref<128xi32, #tpu.memory_space<vmem>>
        %dma_wait3A_107 = arith.constant 0 : i32
        %dma_wait3A_108 = arith.constant 0 : i32
        %dma_wait3A_109 = tpu.memref_slice %arg14[%dma_wait3A_107, %dma_wait3A_108] : memref<10240x128xf32, #tpu.memory_space<vmem_shared>> -> memref<10240x128xf32, #tpu.memory_space<vmem_shared>>
        tpu.wait_indirect_dma semaphore(%run_scoped3A_97 : memref<!tpu.dma_semaphore, #tpu.memory_space<semaphore_mem>>) src(%arg12 : memref<128x128xf32, #tpu.memory_space<vmem>>) dst(%dma_wait3A_109 : memref<10240x128xf32, #tpu.memory_space<vmem_shared>>)
        tpu.yield
      }) : () -> ()
      %lt3A = arith.constant 19 : i32
      %lt3A_84 = arith.cmpi slt, %scan3A_67, %lt3A : i32
      %convert_element_type3A = arith.extui %lt3A_84 : i1 to i32
      %cond3A = arith.constant 0 : i32
      %cond3A_85 = arith.cmpi ne, %convert_element_type3A, %cond3A : i32
      scf.if %cond3A_85 {
        %add3A_97 = arith.constant 2 : i32
        %add3A_98 = arith.addi %mul3A_70, %add3A_97 : i32
        %dma_start3A_99 = arith.constant 0 : i32
        %dma_start3A_100 = tpu.memref_slice %arg10[%add3A_98, %dma_start3A_99] : memref<40x128xi32, #tpu.memory_space<vmem>> -> memref<1x128xi32, #tpu.memory_space<vmem>>
        %dma_start3A_101 = tpu.memref_squeeze %dma_start3A_100 : memref<1x128xi32, #tpu.memory_space<vmem>> -> memref<128xi32, #tpu.memory_space<vmem>>
        %dma_start3A_102 = arith.constant 0 : i32
        %dma_start3A_103 = arith.constant 0 : i32
        %dma_start3A_104 = tpu.memref_slice %arg4[%dma_start3A_102, %dma_start3A_103] : memref<10240x128xf32, #tpu.memory_space<hbm>> -> memref<10240x128xf32, #tpu.memory_space<hbm>>
        tpu.enqueue_indirect_dma source(%dma_start3A_104 : memref<10240x128xf32, #tpu.memory_space<hbm>>) target(%arg12 : memref<128x128xf32, #tpu.memory_space<vmem>>) offsets(%dma_start3A_101 : memref<128xi32, #tpu.memory_space<vmem>>) semaphore(%arg15 : memref<!tpu.dma_semaphore, #tpu.memory_space<semaphore_mem>>)
      } else {
      }
      %add3A_86 = arith.constant 1 : i32
      %add3A_87 = arith.addi %mul3A_70, %add3A_86 : i32
      %dma_wait3A_88 = arith.constant 0 : i32
      %dma_wait3A_89 = tpu.memref_slice %arg10[%add3A_87, %dma_wait3A_88] : memref<40x128xi32, #tpu.memory_space<vmem>> -> memref<1x128xi32, #tpu.memory_space<vmem>>
      %dma_wait3A_90 = tpu.memref_squeeze %dma_wait3A_89 : memref<1x128xi32, #tpu.memory_space<vmem>> -> memref<128xi32, #tpu.memory_space<vmem>>
      %dma_wait3A_91 = arith.constant 0 : i32
      %dma_wait3A_92 = arith.constant 0 : i32
      %dma_wait3A_93 = tpu.memref_slice %arg4[%dma_wait3A_91, %dma_wait3A_92] : memref<10240x128xf32, #tpu.memory_space<hbm>> -> memref<10240x128xf32, #tpu.memory_space<hbm>>
      tpu.wait_indirect_dma semaphore(%arg16 : memref<!tpu.dma_semaphore, #tpu.memory_space<semaphore_mem>>) src(%dma_wait3A_93 : memref<10240x128xf32, #tpu.memory_space<hbm>>) dst(%arg13 : memref<128x128xf32, #tpu.memory_space<vmem>>)
      %add3A_94 = arith.constant 1 : i32
      %add3A_95 = arith.addi %mul3A_70, %add3A_94 : i32
      "tpu.region"() ({
        %run_scoped3A_97 = tpu.sem_alloc : memref<!tpu.dma_semaphore, #tpu.memory_space<semaphore_mem>>
        %dma_start3A_98 = arith.constant 0 : i32
        %dma_start3A_99 = tpu.memref_slice %arg11[%add3A_95, %dma_start3A_98] : memref<40x128xi32, #tpu.memory_space<vmem>> -> memref<1x128xi32, #tpu.memory_space<vmem>>
        %dma_start3A_100 = tpu.memref_squeeze %dma_start3A_99 : memref<1x128xi32, #tpu.memory_space<vmem>> -> memref<128xi32, #tpu.memory_space<vmem>>
        %dma_start3A_101 = arith.constant 0 : i32
        %dma_start3A_102 = arith.constant 0 : i32
        %dma_start3A_103 = tpu.memref_slice %arg14[%dma_start3A_101, %dma_start3A_102] : memref<10240x128xf32, #tpu.memory_space<vmem_shared>> -> memref<10240x128xf32, #tpu.memory_space<vmem_shared>>
        tpu.enqueue_indirect_dma source(%arg13 : memref<128x128xf32, #tpu.memory_space<vmem>>) target(%dma_start3A_103 : memref<10240x128xf32, #tpu.memory_space<vmem_shared>>) offsets(%dma_start3A_100 : memref<128xi32, #tpu.memory_space<vmem>>) semaphore(%run_scoped3A_97 : memref<!tpu.dma_semaphore, #tpu.memory_space<semaphore_mem>>) {add = true}
        %dma_wait3A_104 = arith.constant 0 : i32
        %dma_wait3A_105 = tpu.memref_slice %arg11[%add3A_95, %dma_wait3A_104] : memref<40x128xi32, #tpu.memory_space<vmem>> -> memref<1x128xi32, #tpu.memory_space<vmem>>
        %dma_wait3A_106 = tpu.memref_squeeze %dma_wait3A_105 : memref<1x128xi32, #tpu.memory_space<vmem>> -> memref<128xi32, #tpu.memory_space<vmem>>
        %dma_wait3A_107 = arith.constant 0 : i32
        %dma_wait3A_108 = arith.constant 0 : i32
        %dma_wait3A_109 = tpu.memref_slice %arg14[%dma_wait3A_107, %dma_wait3A_108] : memref<10240x128xf32, #tpu.memory_space<vmem_shared>> -> memref<10240x128xf32, #tpu.memory_space<vmem_shared>>
        tpu.wait_indirect_dma semaphore(%run_scoped3A_97 : memref<!tpu.dma_semaphore, #tpu.memory_space<semaphore_mem>>) src(%arg13 : memref<128x128xf32, #tpu.memory_space<vmem>>) dst(%dma_wait3A_109 : memref<10240x128xf32, #tpu.memory_space<vmem_shared>>)
        tpu.yield
      }) : () -> ()
      %scan3A_96 = arith.constant 0 : i32
      scf.yield %scan3A_96 : i32
    }
    %scan3A_47 = arith.constant 20 : i32
    %barrier3A_48 = arith.constant 0 : index
    tpu.barrier barrier_id(%barrier3A_48)
    %run_scoped3A_49 = arith.constant 2 : i32
    "tpu.region"() ({
      %run_scoped3A_67 = tpu.sem_alloc : memref<!tpu.dma_semaphore, #tpu.memory_space<semaphore_mem>>
      %dma_start3A_68 = arith.constant 0 : i32
      %dma_start3A_69 = tpu.memref_slice %arg9[%arg0, %run_scoped3A_49, %mul3A_2, %dma_start3A_68] : memref<2x4x10240x128xf32, #tpu.memory_space<hbm>> -> memref<1x1x640x128xf32, #tpu.memory_space<hbm>>
      %dma_start3A_70 = tpu.memref_squeeze %dma_start3A_69 : memref<1x1x640x128xf32, #tpu.memory_space<hbm>> -> memref<640x128xf32, #tpu.memory_space<hbm>>
      %dma_start3A_71 = arith.constant 0 : i32
      %dma_start3A_72 = tpu.memref_slice %arg14[%mul3A_2, %dma_start3A_71] : memref<10240x128xf32, #tpu.memory_space<vmem_shared>> -> memref<640x128xf32, #tpu.memory_space<vmem_shared>>
      tpu.enqueue_dma source(%dma_start3A_72 : memref<640x128xf32, #tpu.memory_space<vmem_shared>>) target(%dma_start3A_70 : memref<640x128xf32, #tpu.memory_space<hbm>>) target_semaphore(%run_scoped3A_67 : memref<!tpu.dma_semaphore, #tpu.memory_space<semaphore_mem>>)
      %dma_wait3A = arith.constant 0 : i32
      %dma_wait3A_73 = tpu.memref_slice %arg9[%arg0, %run_scoped3A_49, %mul3A_2, %dma_wait3A] : memref<2x4x10240x128xf32, #tpu.memory_space<hbm>> -> memref<1x1x640x128xf32, #tpu.memory_space<hbm>>
      %dma_wait3A_74 = tpu.memref_squeeze %dma_wait3A_73 : memref<1x1x640x128xf32, #tpu.memory_space<hbm>> -> memref<640x128xf32, #tpu.memory_space<hbm>>
      %dma_wait3A_75 = arith.constant 0 : i32
      %dma_wait3A_76 = tpu.memref_slice %arg14[%mul3A_2, %dma_wait3A_75] : memref<10240x128xf32, #tpu.memory_space<vmem_shared>> -> memref<640x128xf32, #tpu.memory_space<vmem_shared>>
      tpu.wait_dma2 semaphore(%run_scoped3A_67 : memref<!tpu.dma_semaphore, #tpu.memory_space<semaphore_mem>>) src(%dma_wait3A_76 : memref<640x128xf32, #tpu.memory_space<vmem_shared>>) dst(%dma_wait3A_74 : memref<640x128xf32, #tpu.memory_space<hbm>>)
      tpu.yield
    }) : () -> ()
    "tpu.region"() ({
      %run_scoped3A_67 = tpu.sem_alloc : memref<!tpu.dma_semaphore, #tpu.memory_space<semaphore_mem>>
      %dma_start3A_68 = arith.constant 0 : i32
      %dma_start3A_69 = tpu.memref_slice %arg14[%mul3A_2, %dma_start3A_68] : memref<10240x128xf32, #tpu.memory_space<vmem_shared>> -> memref<640x128xf32, #tpu.memory_space<vmem_shared>>
      %dma_start3A_70 = arith.constant 0 : i32
      %dma_start3A_71 = tpu.memref_slice %arg8[%mul3A_2, %dma_start3A_70] : memref<10240x128xf32, #tpu.memory_space<hbm>> -> memref<640x128xf32, #tpu.memory_space<hbm>>
      tpu.enqueue_dma source(%dma_start3A_71 : memref<640x128xf32, #tpu.memory_space<hbm>>) target(%dma_start3A_69 : memref<640x128xf32, #tpu.memory_space<vmem_shared>>) target_semaphore(%run_scoped3A_67 : memref<!tpu.dma_semaphore, #tpu.memory_space<semaphore_mem>>)
      %dma_wait3A = arith.constant 0 : i32
      %dma_wait3A_72 = tpu.memref_slice %arg14[%mul3A_2, %dma_wait3A] : memref<10240x128xf32, #tpu.memory_space<vmem_shared>> -> memref<640x128xf32, #tpu.memory_space<vmem_shared>>
      %dma_wait3A_73 = arith.constant 0 : i32
      %dma_wait3A_74 = tpu.memref_slice %arg8[%mul3A_2, %dma_wait3A_73] : memref<10240x128xf32, #tpu.memory_space<hbm>> -> memref<640x128xf32, #tpu.memory_space<hbm>>
      tpu.wait_dma2 semaphore(%run_scoped3A_67 : memref<!tpu.dma_semaphore, #tpu.memory_space<semaphore_mem>>) src(%dma_wait3A_74 : memref<640x128xf32, #tpu.memory_space<hbm>>) dst(%dma_wait3A_72 : memref<640x128xf32, #tpu.memory_space<vmem_shared>>)
      tpu.yield
    }) : () -> ()
    %barrier3A_50 = arith.constant 0 : index
    tpu.barrier barrier_id(%barrier3A_50)
    %dma_start3A_51 = arith.constant 0 : i32
    %dma_start3A_52 = arith.constant 0 : i32
    %dma_start3A_53 = tpu.memref_slice %arg10[%dma_start3A_51, %dma_start3A_52] : memref<40x128xi32, #tpu.memory_space<vmem>> -> memref<1x128xi32, #tpu.memory_space<vmem>>
    %dma_start3A_54 = tpu.memref_squeeze %dma_start3A_53 : memref<1x128xi32, #tpu.memory_space<vmem>> -> memref<128xi32, #tpu.memory_space<vmem>>
    %dma_start3A_55 = arith.constant 0 : i32
    %dma_start3A_56 = arith.constant 0 : i32
    %dma_start3A_57 = tpu.memref_slice %arg5[%dma_start3A_55, %dma_start3A_56] : memref<10240x128xf32, #tpu.memory_space<hbm>> -> memref<10240x128xf32, #tpu.memory_space<hbm>>
    tpu.enqueue_indirect_dma source(%dma_start3A_57 : memref<10240x128xf32, #tpu.memory_space<hbm>>) target(%arg12 : memref<128x128xf32, #tpu.memory_space<vmem>>) offsets(%dma_start3A_54 : memref<128xi32, #tpu.memory_space<vmem>>) semaphore(%arg15 : memref<!tpu.dma_semaphore, #tpu.memory_space<semaphore_mem>>)
    %scan3A_58 = arith.constant 0 : i32
    %scan3A_59 = arith.constant 0 : i32
    %scan3A_60 = arith.constant 20 : i32
    %scan3A_61 = arith.addi %scan3A_59, %scan3A_60 : i32
    %scan3A_62 = arith.constant 1 : i32
    %scan3A_63 = scf.for %scan3A_67 = %scan3A_59 to %scan3A_61 step %scan3A_62 iter_args(%scan3A_68 = %scan3A_58) -> (i32)  : i32 {
      %mul3A_69 = arith.constant 2 : i32
      %mul3A_70 = arith.muli %mul3A_69, %scan3A_67 : i32
      %add3A_71 = arith.constant 1 : i32
      %add3A_72 = arith.addi %mul3A_70, %add3A_71 : i32
      %dma_start3A_73 = arith.constant 0 : i32
      %dma_start3A_74 = tpu.memref_slice %arg10[%add3A_72, %dma_start3A_73] : memref<40x128xi32, #tpu.memory_space<vmem>> -> memref<1x128xi32, #tpu.memory_space<vmem>>
      %dma_start3A_75 = tpu.memref_squeeze %dma_start3A_74 : memref<1x128xi32, #tpu.memory_space<vmem>> -> memref<128xi32, #tpu.memory_space<vmem>>
      %dma_start3A_76 = arith.constant 0 : i32
      %dma_start3A_77 = arith.constant 0 : i32
      %dma_start3A_78 = tpu.memref_slice %arg5[%dma_start3A_76, %dma_start3A_77] : memref<10240x128xf32, #tpu.memory_space<hbm>> -> memref<10240x128xf32, #tpu.memory_space<hbm>>
      tpu.enqueue_indirect_dma source(%dma_start3A_78 : memref<10240x128xf32, #tpu.memory_space<hbm>>) target(%arg13 : memref<128x128xf32, #tpu.memory_space<vmem>>) offsets(%dma_start3A_75 : memref<128xi32, #tpu.memory_space<vmem>>) semaphore(%arg16 : memref<!tpu.dma_semaphore, #tpu.memory_space<semaphore_mem>>)
      %dma_wait3A = arith.constant 0 : i32
      %dma_wait3A_79 = tpu.memref_slice %arg10[%mul3A_70, %dma_wait3A] : memref<40x128xi32, #tpu.memory_space<vmem>> -> memref<1x128xi32, #tpu.memory_space<vmem>>
      %dma_wait3A_80 = tpu.memref_squeeze %dma_wait3A_79 : memref<1x128xi32, #tpu.memory_space<vmem>> -> memref<128xi32, #tpu.memory_space<vmem>>
      %dma_wait3A_81 = arith.constant 0 : i32
      %dma_wait3A_82 = arith.constant 0 : i32
      %dma_wait3A_83 = tpu.memref_slice %arg5[%dma_wait3A_81, %dma_wait3A_82] : memref<10240x128xf32, #tpu.memory_space<hbm>> -> memref<10240x128xf32, #tpu.memory_space<hbm>>
      tpu.wait_indirect_dma semaphore(%arg15 : memref<!tpu.dma_semaphore, #tpu.memory_space<semaphore_mem>>) src(%dma_wait3A_83 : memref<10240x128xf32, #tpu.memory_space<hbm>>) dst(%arg12 : memref<128x128xf32, #tpu.memory_space<vmem>>)
      "tpu.region"() ({
        %run_scoped3A_97 = tpu.sem_alloc : memref<!tpu.dma_semaphore, #tpu.memory_space<semaphore_mem>>
        %dma_start3A_98 = arith.constant 0 : i32
        %dma_start3A_99 = tpu.memref_slice %arg11[%mul3A_70, %dma_start3A_98] : memref<40x128xi32, #tpu.memory_space<vmem>> -> memref<1x128xi32, #tpu.memory_space<vmem>>
        %dma_start3A_100 = tpu.memref_squeeze %dma_start3A_99 : memref<1x128xi32, #tpu.memory_space<vmem>> -> memref<128xi32, #tpu.memory_space<vmem>>
        %dma_start3A_101 = arith.constant 0 : i32
        %dma_start3A_102 = arith.constant 0 : i32
        %dma_start3A_103 = tpu.memref_slice %arg14[%dma_start3A_101, %dma_start3A_102] : memref<10240x128xf32, #tpu.memory_space<vmem_shared>> -> memref<10240x128xf32, #tpu.memory_space<vmem_shared>>
        tpu.enqueue_indirect_dma source(%arg12 : memref<128x128xf32, #tpu.memory_space<vmem>>) target(%dma_start3A_103 : memref<10240x128xf32, #tpu.memory_space<vmem_shared>>) offsets(%dma_start3A_100 : memref<128xi32, #tpu.memory_space<vmem>>) semaphore(%run_scoped3A_97 : memref<!tpu.dma_semaphore, #tpu.memory_space<semaphore_mem>>) {add = true}
        %dma_wait3A_104 = arith.constant 0 : i32
        %dma_wait3A_105 = tpu.memref_slice %arg11[%mul3A_70, %dma_wait3A_104] : memref<40x128xi32, #tpu.memory_space<vmem>> -> memref<1x128xi32, #tpu.memory_space<vmem>>
        %dma_wait3A_106 = tpu.memref_squeeze %dma_wait3A_105 : memref<1x128xi32, #tpu.memory_space<vmem>> -> memref<128xi32, #tpu.memory_space<vmem>>
        %dma_wait3A_107 = arith.constant 0 : i32
        %dma_wait3A_108 = arith.constant 0 : i32
        %dma_wait3A_109 = tpu.memref_slice %arg14[%dma_wait3A_107, %dma_wait3A_108] : memref<10240x128xf32, #tpu.memory_space<vmem_shared>> -> memref<10240x128xf32, #tpu.memory_space<vmem_shared>>
        tpu.wait_indirect_dma semaphore(%run_scoped3A_97 : memref<!tpu.dma_semaphore, #tpu.memory_space<semaphore_mem>>) src(%arg12 : memref<128x128xf32, #tpu.memory_space<vmem>>) dst(%dma_wait3A_109 : memref<10240x128xf32, #tpu.memory_space<vmem_shared>>)
        tpu.yield
      }) : () -> ()
      %lt3A = arith.constant 19 : i32
      %lt3A_84 = arith.cmpi slt, %scan3A_67, %lt3A : i32
      %convert_element_type3A = arith.extui %lt3A_84 : i1 to i32
      %cond3A = arith.constant 0 : i32
      %cond3A_85 = arith.cmpi ne, %convert_element_type3A, %cond3A : i32
      scf.if %cond3A_85 {
        %add3A_97 = arith.constant 2 : i32
        %add3A_98 = arith.addi %mul3A_70, %add3A_97 : i32
        %dma_start3A_99 = arith.constant 0 : i32
        %dma_start3A_100 = tpu.memref_slice %arg10[%add3A_98, %dma_start3A_99] : memref<40x128xi32, #tpu.memory_space<vmem>> -> memref<1x128xi32, #tpu.memory_space<vmem>>
        %dma_start3A_101 = tpu.memref_squeeze %dma_start3A_100 : memref<1x128xi32, #tpu.memory_space<vmem>> -> memref<128xi32, #tpu.memory_space<vmem>>
        %dma_start3A_102 = arith.constant 0 : i32
        %dma_start3A_103 = arith.constant 0 : i32
        %dma_start3A_104 = tpu.memref_slice %arg5[%dma_start3A_102, %dma_start3A_103] : memref<10240x128xf32, #tpu.memory_space<hbm>> -> memref<10240x128xf32, #tpu.memory_space<hbm>>
        tpu.enqueue_indirect_dma source(%dma_start3A_104 : memref<10240x128xf32, #tpu.memory_space<hbm>>) target(%arg12 : memref<128x128xf32, #tpu.memory_space<vmem>>) offsets(%dma_start3A_101 : memref<128xi32, #tpu.memory_space<vmem>>) semaphore(%arg15 : memref<!tpu.dma_semaphore, #tpu.memory_space<semaphore_mem>>)
      } else {
      }
      %add3A_86 = arith.constant 1 : i32
      %add3A_87 = arith.addi %mul3A_70, %add3A_86 : i32
      %dma_wait3A_88 = arith.constant 0 : i32
      %dma_wait3A_89 = tpu.memref_slice %arg10[%add3A_87, %dma_wait3A_88] : memref<40x128xi32, #tpu.memory_space<vmem>> -> memref<1x128xi32, #tpu.memory_space<vmem>>
      %dma_wait3A_90 = tpu.memref_squeeze %dma_wait3A_89 : memref<1x128xi32, #tpu.memory_space<vmem>> -> memref<128xi32, #tpu.memory_space<vmem>>
      %dma_wait3A_91 = arith.constant 0 : i32
      %dma_wait3A_92 = arith.constant 0 : i32
      %dma_wait3A_93 = tpu.memref_slice %arg5[%dma_wait3A_91, %dma_wait3A_92] : memref<10240x128xf32, #tpu.memory_space<hbm>> -> memref<10240x128xf32, #tpu.memory_space<hbm>>
      tpu.wait_indirect_dma semaphore(%arg16 : memref<!tpu.dma_semaphore, #tpu.memory_space<semaphore_mem>>) src(%dma_wait3A_93 : memref<10240x128xf32, #tpu.memory_space<hbm>>) dst(%arg13 : memref<128x128xf32, #tpu.memory_space<vmem>>)
      %add3A_94 = arith.constant 1 : i32
      %add3A_95 = arith.addi %mul3A_70, %add3A_94 : i32
      "tpu.region"() ({
        %run_scoped3A_97 = tpu.sem_alloc : memref<!tpu.dma_semaphore, #tpu.memory_space<semaphore_mem>>
        %dma_start3A_98 = arith.constant 0 : i32
        %dma_start3A_99 = tpu.memref_slice %arg11[%add3A_95, %dma_start3A_98] : memref<40x128xi32, #tpu.memory_space<vmem>> -> memref<1x128xi32, #tpu.memory_space<vmem>>
        %dma_start3A_100 = tpu.memref_squeeze %dma_start3A_99 : memref<1x128xi32, #tpu.memory_space<vmem>> -> memref<128xi32, #tpu.memory_space<vmem>>
        %dma_start3A_101 = arith.constant 0 : i32
        %dma_start3A_102 = arith.constant 0 : i32
        %dma_start3A_103 = tpu.memref_slice %arg14[%dma_start3A_101, %dma_start3A_102] : memref<10240x128xf32, #tpu.memory_space<vmem_shared>> -> memref<10240x128xf32, #tpu.memory_space<vmem_shared>>
        tpu.enqueue_indirect_dma source(%arg13 : memref<128x128xf32, #tpu.memory_space<vmem>>) target(%dma_start3A_103 : memref<10240x128xf32, #tpu.memory_space<vmem_shared>>) offsets(%dma_start3A_100 : memref<128xi32, #tpu.memory_space<vmem>>) semaphore(%run_scoped3A_97 : memref<!tpu.dma_semaphore, #tpu.memory_space<semaphore_mem>>) {add = true}
        %dma_wait3A_104 = arith.constant 0 : i32
        %dma_wait3A_105 = tpu.memref_slice %arg11[%add3A_95, %dma_wait3A_104] : memref<40x128xi32, #tpu.memory_space<vmem>> -> memref<1x128xi32, #tpu.memory_space<vmem>>
        %dma_wait3A_106 = tpu.memref_squeeze %dma_wait3A_105 : memref<1x128xi32, #tpu.memory_space<vmem>> -> memref<128xi32, #tpu.memory_space<vmem>>
        %dma_wait3A_107 = arith.constant 0 : i32
        %dma_wait3A_108 = arith.constant 0 : i32
        %dma_wait3A_109 = tpu.memref_slice %arg14[%dma_wait3A_107, %dma_wait3A_108] : memref<10240x128xf32, #tpu.memory_space<vmem_shared>> -> memref<10240x128xf32, #tpu.memory_space<vmem_shared>>
        tpu.wait_indirect_dma semaphore(%run_scoped3A_97 : memref<!tpu.dma_semaphore, #tpu.memory_space<semaphore_mem>>) src(%arg13 : memref<128x128xf32, #tpu.memory_space<vmem>>) dst(%dma_wait3A_109 : memref<10240x128xf32, #tpu.memory_space<vmem_shared>>)
        tpu.yield
      }) : () -> ()
      %scan3A_96 = arith.constant 0 : i32
      scf.yield %scan3A_96 : i32
    }
    %scan3A_64 = arith.constant 20 : i32
    %barrier3A_65 = arith.constant 0 : index
    tpu.barrier barrier_id(%barrier3A_65)
    %run_scoped3A_66 = arith.constant 3 : i32
    "tpu.region"() ({
      %run_scoped3A_67 = tpu.sem_alloc : memref<!tpu.dma_semaphore, #tpu.memory_space<semaphore_mem>>
      %dma_start3A_68 = arith.constant 0 : i32
      %dma_start3A_69 = tpu.memref_slice %arg9[%arg0, %run_scoped3A_66, %mul3A_2, %dma_start3A_68] : memref<2x4x10240x128xf32, #tpu.memory_space<hbm>> -> memref<1x1x640x128xf32, #tpu.memory_space<hbm>>
      %dma_start3A_70 = tpu.memref_squeeze %dma_start3A_69 : memref<1x1x640x128xf32, #tpu.memory_space<hbm>> -> memref<640x128xf32, #tpu.memory_space<hbm>>
      %dma_start3A_71 = arith.constant 0 : i32
      %dma_start3A_72 = tpu.memref_slice %arg14[%mul3A_2, %dma_start3A_71] : memref<10240x128xf32, #tpu.memory_space<vmem_shared>> -> memref<640x128xf32, #tpu.memory_space<vmem_shared>>
      tpu.enqueue_dma source(%dma_start3A_72 : memref<640x128xf32, #tpu.memory_space<vmem_shared>>) target(%dma_start3A_70 : memref<640x128xf32, #tpu.memory_space<hbm>>) target_semaphore(%run_scoped3A_67 : memref<!tpu.dma_semaphore, #tpu.memory_space<semaphore_mem>>)
      %dma_wait3A = arith.constant 0 : i32
      %dma_wait3A_73 = tpu.memref_slice %arg9[%arg0, %run_scoped3A_66, %mul3A_2, %dma_wait3A] : memref<2x4x10240x128xf32, #tpu.memory_space<hbm>> -> memref<1x1x640x128xf32, #tpu.memory_space<hbm>>
      %dma_wait3A_74 = tpu.memref_squeeze %dma_wait3A_73 : memref<1x1x640x128xf32, #tpu.memory_space<hbm>> -> memref<640x128xf32, #tpu.memory_space<hbm>>
      %dma_wait3A_75 = arith.constant 0 : i32
      %dma_wait3A_76 = tpu.memref_slice %arg14[%mul3A_2, %dma_wait3A_75] : memref<10240x128xf32, #tpu.memory_space<vmem_shared>> -> memref<640x128xf32, #tpu.memory_space<vmem_shared>>
      tpu.wait_dma2 semaphore(%run_scoped3A_67 : memref<!tpu.dma_semaphore, #tpu.memory_space<semaphore_mem>>) src(%dma_wait3A_76 : memref<640x128xf32, #tpu.memory_space<vmem_shared>>) dst(%dma_wait3A_74 : memref<640x128xf32, #tpu.memory_space<hbm>>)
      tpu.yield
    }) : () -> ()
    return
  }
}

module attributes {stable_mosaic.version = 14 : i64} {
  func.func @_mm1_body(%arg0: i32, %arg1: memref<2x3x256x128xf32, #tpu.memory_space<vmem>>, %arg2: memref<256x256xf32, #tpu.memory_space<vmem>>, %arg3: memref<512x512xf32, #tpu.memory_space<vmem>>, %arg4: memref<1x512xf32, #tpu.memory_space<vmem>>, %arg5: memref<256x128xf32, #tpu.memory_space<vmem>>, %arg6: memref<256x128xf32, #tpu.memory_space<vmem>>, %arg7: memref<256x128xf32, #tpu.memory_space<vmem>>, %arg8: memref<256x128xf32, #tpu.memory_space<vmem>>) attributes {dimension_semantics = [#tpu.dimension_semantics<arbitrary>], iteration_bounds = array<i64: 40>, scalar_prefetch = 0 : i64, scratch_operands = 0 : i64, tpu.core_type = #tpu.core_type<tc>, window_params = [{transform_indices = @transform_0, window_bounds = array<i64: 2, 3, 256, 128>}, {transform_indices = @transform_1, window_bounds = array<i64: 256, 256>}, {pipeline_mode = #tpu.pipeline_mode<synchronous>, transform_indices = @transform_2, window_bounds = array<i64: 512, 512>}, {pipeline_mode = #tpu.pipeline_mode<synchronous>, transform_indices = @transform_3, window_bounds = array<i64: 1, 512>}, {transform_indices = @transform_4, window_bounds = array<i64: 256, 128>}, {transform_indices = @transform_5, window_bounds = array<i64: 256, 128>}, {transform_indices = @transform_6, window_bounds = array<i64: 256, 128>}, {transform_indices = @transform_7, window_bounds = array<i64: 256, 128>}]} {
    %get3A = arith.constant 0 : index
    %get3A_0 = arith.constant 0 : index
    %get3A_1 = arith.constant 0 : index
    %get3A_2 = arith.constant 0 : index
    %get3A_3 = vector.load %arg1[%get3A, %get3A_0, %get3A_1, %get3A_2] : memref<2x3x256x128xf32, #tpu.memory_space<vmem>>, vector<2x3x256x128xf32>
    %slice3A = vector.extract_strided_slice %get3A_3 {offsets = [0, 0, 0, 0], sizes = [1, 1, 256, 128], strides = [1, 1, 1, 1]} : vector<2x3x256x128xf32> to vector<1x1x256x128xf32>
    %squeeze3A = vector.shape_cast %slice3A : vector<1x1x256x128xf32> to vector<256x128xf32>
    %slice3A_4 = vector.extract_strided_slice %get3A_3 {offsets = [1, 0, 0, 0], sizes = [1, 1, 256, 128], strides = [1, 1, 1, 1]} : vector<2x3x256x128xf32> to vector<1x1x256x128xf32>
    %squeeze3A_5 = vector.shape_cast %slice3A_4 : vector<1x1x256x128xf32> to vector<256x128xf32>
    %add3A = arith.addf %squeeze3A, %squeeze3A_5 : vector<256x128xf32>
    %max3A = arith.constant 1.000000e+00 : f32
    %max3A_6 = vector.broadcast %max3A : f32 to vector<256x128xf32>
    %max3A_7 = arith.maximumf %add3A, %max3A_6 : vector<256x128xf32>
    %div3A = arith.constant 1.000000e+00 : f32
    %div3A_8 = vector.broadcast %div3A : f32 to vector<256x128xf32>
    %div3A_9 = arith.divf %div3A_8, %max3A_7 : vector<256x128xf32>
    %slice3A_10 = vector.extract_strided_slice %get3A_3 {offsets = [0, 1, 0, 0], sizes = [1, 1, 256, 128], strides = [1, 1, 1, 1]} : vector<2x3x256x128xf32> to vector<1x1x256x128xf32>
    %squeeze3A_11 = vector.shape_cast %slice3A_10 : vector<1x1x256x128xf32> to vector<256x128xf32>
    %slice3A_12 = vector.extract_strided_slice %get3A_3 {offsets = [1, 1, 0, 0], sizes = [1, 1, 256, 128], strides = [1, 1, 1, 1]} : vector<2x3x256x128xf32> to vector<1x1x256x128xf32>
    %squeeze3A_13 = vector.shape_cast %slice3A_12 : vector<1x1x256x128xf32> to vector<256x128xf32>
    %add3A_14 = arith.addf %squeeze3A_11, %squeeze3A_13 : vector<256x128xf32>
    %mul3A = arith.mulf %add3A_14, %div3A_9 : vector<256x128xf32>
    %get3A_15 = arith.constant 0 : index
    %get3A_16 = arith.constant 0 : index
    %get3A_17 = vector.load %arg3[%get3A_15, %get3A_16] : memref<512x512xf32, #tpu.memory_space<vmem>>, vector<128x512xf32>
    %dot_general3A = arith.constant dense<0.000000e+00> : vector<256x512xf32>
    %dot_general3A_18 = tpu.matmul %mul3A, %get3A_17, %dot_general3A {dimension_numbers = #tpu.dot_dimension_numbers<[1], [0], [0], [1], [0, 0, 1, 1], [], []>, precision = #tpu.contract_precision<fp32>, transpose_lhs_hint = false} : vector<256x128xf32>, vector<128x512xf32>, vector<256x512xf32> -> vector<256x512xf32>
    %slice3A_19 = vector.extract_strided_slice %get3A_3 {offsets = [0, 2, 0, 0], sizes = [1, 1, 256, 128], strides = [1, 1, 1, 1]} : vector<2x3x256x128xf32> to vector<1x1x256x128xf32>
    %squeeze3A_20 = vector.shape_cast %slice3A_19 : vector<1x1x256x128xf32> to vector<256x128xf32>
    %slice3A_21 = vector.extract_strided_slice %get3A_3 {offsets = [1, 2, 0, 0], sizes = [1, 1, 256, 128], strides = [1, 1, 1, 1]} : vector<2x3x256x128xf32> to vector<1x1x256x128xf32>
    %squeeze3A_22 = vector.shape_cast %slice3A_21 : vector<1x1x256x128xf32> to vector<256x128xf32>
    %add3A_23 = arith.addf %squeeze3A_20, %squeeze3A_22 : vector<256x128xf32>
    %mul3A_24 = arith.mulf %add3A_23, %div3A_9 : vector<256x128xf32>
    %get3A_25 = arith.constant 128 : index
    %get3A_26 = arith.constant 0 : index
    %get3A_27 = vector.load %arg3[%get3A_25, %get3A_26] : memref<512x512xf32, #tpu.memory_space<vmem>>, vector<128x512xf32>
    %dot_general3A_28 = arith.constant dense<0.000000e+00> : vector<256x512xf32>
    %dot_general3A_29 = tpu.matmul %mul3A_24, %get3A_27, %dot_general3A_28 {dimension_numbers = #tpu.dot_dimension_numbers<[1], [0], [0], [1], [0, 0, 1, 1], [], []>, precision = #tpu.contract_precision<fp32>, transpose_lhs_hint = false} : vector<256x128xf32>, vector<128x512xf32>, vector<256x512xf32> -> vector<256x512xf32>
    %add3A_30 = arith.addf %dot_general3A_18, %dot_general3A_29 : vector<256x512xf32>
    %get3A_31 = arith.constant 0 : index
    %get3A_32 = arith.constant 0 : index
    %get3A_33 = vector.load %arg2[%get3A_31, %get3A_32] : memref<256x256xf32, #tpu.memory_space<vmem>>, vector<256x256xf32>
    %get3A_34 = arith.constant 256 : index
    %get3A_35 = arith.constant 0 : index
    %get3A_36 = vector.load %arg3[%get3A_34, %get3A_35] : memref<512x512xf32, #tpu.memory_space<vmem>>, vector<256x512xf32>
    %dot_general3A_37 = arith.constant dense<0.000000e+00> : vector<256x512xf32>
    %dot_general3A_38 = tpu.matmul %get3A_33, %get3A_36, %dot_general3A_37 {dimension_numbers = #tpu.dot_dimension_numbers<[1], [0], [0], [1], [0, 0, 1, 1], [], []>, precision = #tpu.contract_precision<fp32>, transpose_lhs_hint = false} : vector<256x256xf32>, vector<256x512xf32>, vector<256x512xf32> -> vector<256x512xf32>
    %add3A_39 = arith.addf %add3A_30, %dot_general3A_38 : vector<256x512xf32>
    %get3A_40 = arith.constant 0 : index
    %get3A_41 = arith.constant 0 : index
    %get3A_42 = vector.load %arg4[%get3A_40, %get3A_41] : memref<1x512xf32, #tpu.memory_space<vmem>>, vector<1x512xf32>
    %add3A_43 = vector.broadcast %get3A_42 : vector<1x512xf32> to vector<256x512xf32>
    %add3A_44 = arith.addf %add3A_39, %add3A_43 : vector<256x512xf32>
    %max3A_45 = arith.constant 0.000000e+00 : f32
    %max3A_46 = vector.broadcast %max3A_45 : f32 to vector<256x512xf32>
    %max3A_47 = arith.maximumf %add3A_44, %max3A_46 : vector<256x512xf32>
    %slice3A_48 = vector.extract_strided_slice %max3A_47 {offsets = [0, 0], sizes = [256, 128], strides = [1, 1]} : vector<256x512xf32> to vector<256x128xf32>
    %swap3A = arith.constant 0 : index
    %swap3A_49 = arith.constant 0 : index
    %swap3A_50 = vector.load %arg5[%swap3A, %swap3A_49] : memref<256x128xf32, #tpu.memory_space<vmem>>, vector<256x128xf32>
    tpu.vector_store %arg5[%swap3A, %swap3A_49], %slice3A_48 {strides = array<i32>} : memref<256x128xf32, #tpu.memory_space<vmem>>, vector<256x128xf32>,
    %slice3A_51 = vector.extract_strided_slice %max3A_47 {offsets = [0, 128], sizes = [256, 128], strides = [1, 1]} : vector<256x512xf32> to vector<256x128xf32>
    %swap3A_52 = arith.constant 0 : index
    %swap3A_53 = arith.constant 0 : index
    %swap3A_54 = vector.load %arg6[%swap3A_52, %swap3A_53] : memref<256x128xf32, #tpu.memory_space<vmem>>, vector<256x128xf32>
    tpu.vector_store %arg6[%swap3A_52, %swap3A_53], %slice3A_51 {strides = array<i32>} : memref<256x128xf32, #tpu.memory_space<vmem>>, vector<256x128xf32>,
    %slice3A_55 = vector.extract_strided_slice %max3A_47 {offsets = [0, 256], sizes = [256, 128], strides = [1, 1]} : vector<256x512xf32> to vector<256x128xf32>
    %swap3A_56 = arith.constant 0 : index
    %swap3A_57 = arith.constant 0 : index
    %swap3A_58 = vector.load %arg7[%swap3A_56, %swap3A_57] : memref<256x128xf32, #tpu.memory_space<vmem>>, vector<256x128xf32>
    tpu.vector_store %arg7[%swap3A_56, %swap3A_57], %slice3A_55 {strides = array<i32>} : memref<256x128xf32, #tpu.memory_space<vmem>>, vector<256x128xf32>,
    %slice3A_59 = vector.extract_strided_slice %max3A_47 {offsets = [0, 384], sizes = [256, 128], strides = [1, 1]} : vector<256x512xf32> to vector<256x128xf32>
    %swap3A_60 = arith.constant 0 : index
    %swap3A_61 = arith.constant 0 : index
    %swap3A_62 = vector.load %arg8[%swap3A_60, %swap3A_61] : memref<256x128xf32, #tpu.memory_space<vmem>>, vector<256x128xf32>
    tpu.vector_store %arg8[%swap3A_60, %swap3A_61], %slice3A_59 {strides = array<i32>} : memref<256x128xf32, #tpu.memory_space<vmem>>, vector<256x128xf32>,
    return
  }
  func.func @transform_0(%arg0: i32) -> (i32, i32, i32, i32) {
    %c0_i32 = arith.constant 0 : i32
    %c0_i32_0 = arith.constant 0 : i32
    %c0_i32_1 = arith.constant 0 : i32
    %c0_i32_2 = arith.constant 0 : i32
    return %c0_i32, %c0_i32_0, %arg0, %c0_i32_1 : i32, i32, i32, i32
  }
  func.func @transform_1(%arg0: i32) -> (i32, i32) {
    %c0_i32 = arith.constant 0 : i32
    %c0_i32_0 = arith.constant 0 : i32
    return %arg0, %c0_i32 : i32, i32
  }
  func.func @transform_2(%arg0: i32) -> (i32, i32) {
    %c0_i32 = arith.constant 0 : i32
    %c0_i32_0 = arith.constant 0 : i32
    %c0_i32_1 = arith.constant 0 : i32
    return %c0_i32, %c0_i32_0 : i32, i32
  }
  func.func @transform_3(%arg0: i32) -> (i32, i32) {
    %c0_i32 = arith.constant 0 : i32
    %c0_i32_0 = arith.constant 0 : i32
    %c0_i32_1 = arith.constant 0 : i32
    return %c0_i32, %c0_i32_0 : i32, i32
  }
  func.func @transform_4(%arg0: i32) -> (i32, i32) {
    %c0_i32 = arith.constant 0 : i32
    %c0_i32_0 = arith.constant 0 : i32
    return %arg0, %c0_i32 : i32, i32
  }
  func.func @transform_5(%arg0: i32) -> (i32, i32) {
    %c0_i32 = arith.constant 0 : i32
    %c0_i32_0 = arith.constant 0 : i32
    return %arg0, %c0_i32 : i32, i32
  }
  func.func @transform_6(%arg0: i32) -> (i32, i32) {
    %c0_i32 = arith.constant 0 : i32
    %c0_i32_0 = arith.constant 0 : i32
    return %arg0, %c0_i32 : i32, i32
  }
  func.func @transform_7(%arg0: i32) -> (i32, i32) {
    %c0_i32 = arith.constant 0 : i32
    %c0_i32_0 = arith.constant 0 : i32
    return %arg0, %c0_i32 : i32, i32
  }
}

module attributes {stable_mosaic.version = 14 : i64} {
  func.func @_mm2_body(%arg0: i32, %arg1: memref<2x4x256x128xf32, #tpu.memory_space<vmem>>, %arg2: memref<2x1x256x128xf32, #tpu.memory_space<vmem>>, %arg3: memref<256x128xf32, #tpu.memory_space<vmem>>, %arg4: memref<256x128xf32, #tpu.memory_space<vmem>>, %arg5: memref<256x128xf32, #tpu.memory_space<vmem>>, %arg6: memref<256x128xf32, #tpu.memory_space<vmem>>, %arg7: memref<1024x512xf32, #tpu.memory_space<vmem>>, %arg8: memref<1x512xf32, #tpu.memory_space<vmem>>, %arg9: memref<512x256xf32, #tpu.memory_space<vmem>>, %arg10: memref<1x256xf32, #tpu.memory_space<vmem>>, %arg11: memref<256x128xf32, #tpu.memory_space<vmem>>, %arg12: memref<1x1xf32, #tpu.memory_space<vmem>>, %arg13: memref<1x1xf32, #tpu.memory_space<vmem>>, %arg14: memref<1x512xf32, #tpu.memory_space<vmem>>) attributes {dimension_semantics = [#tpu.dimension_semantics<arbitrary>], iteration_bounds = array<i64: 40>, scalar_prefetch = 0 : i64, scratch_operands = 1 : i64, tpu.core_type = #tpu.core_type<tc>, window_params = [{transform_indices = @transform_0, window_bounds = array<i64: 2, 4, 256, 128>}, {transform_indices = @transform_1, window_bounds = array<i64: 2, 1, 256, 128>}, {transform_indices = @transform_2, window_bounds = array<i64: 256, 128>}, {transform_indices = @transform_3, window_bounds = array<i64: 256, 128>}, {transform_indices = @transform_4, window_bounds = array<i64: 256, 128>}, {transform_indices = @transform_5, window_bounds = array<i64: 256, 128>}, {pipeline_mode = #tpu.pipeline_mode<synchronous>, transform_indices = @transform_6, window_bounds = array<i64: 1024, 512>}, {pipeline_mode = #tpu.pipeline_mode<synchronous>, transform_indices = @transform_7, window_bounds = array<i64: 1, 512>}, {pipeline_mode = #tpu.pipeline_mode<synchronous>, transform_indices = @transform_8, window_bounds = array<i64: 512, 256>}, {pipeline_mode = #tpu.pipeline_mode<synchronous>, transform_indices = @transform_9, window_bounds = array<i64: 1, 256>}, {pipeline_mode = #tpu.pipeline_mode<synchronous>, transform_indices = @transform_10, window_bounds = array<i64: 256, 128>}, {pipeline_mode = #tpu.pipeline_mode<synchronous>, transform_indices = @transform_11, window_bounds = array<i64: 1, 1>}, {pipeline_mode = #tpu.pipeline_mode<synchronous>, transform_indices = @transform_12, window_bounds = array<i64: 1, 1>}]} {
    %get3A = arith.constant 0 : index
    %get3A_0 = arith.constant 0 : index
    %get3A_1 = arith.constant 0 : index
    %get3A_2 = arith.constant 0 : index
    %get3A_3 = vector.load %arg1[%get3A, %get3A_0, %get3A_1, %get3A_2] : memref<2x4x256x128xf32, #tpu.memory_space<vmem>>, vector<2x4x256x128xf32>
    %get3A_4 = arith.constant 0 : index
    %get3A_5 = arith.constant 0 : index
    %get3A_6 = arith.constant 0 : index
    %get3A_7 = arith.constant 0 : index
    %get3A_8 = vector.load %arg2[%get3A_4, %get3A_5, %get3A_6, %get3A_7] : memref<2x1x256x128xf32, #tpu.memory_space<vmem>>, vector<2x1x256x128xf32>
    %slice3A = vector.extract_strided_slice %get3A_8 {offsets = [0, 0, 0, 0], sizes = [1, 1, 256, 128], strides = [1, 1, 1, 1]} : vector<2x1x256x128xf32> to vector<1x1x256x128xf32>
    %squeeze3A = vector.shape_cast %slice3A : vector<1x1x256x128xf32> to vector<256x128xf32>
    %slice3A_9 = vector.extract_strided_slice %get3A_8 {offsets = [1, 0, 0, 0], sizes = [1, 1, 256, 128], strides = [1, 1, 1, 1]} : vector<2x1x256x128xf32> to vector<1x1x256x128xf32>
    %squeeze3A_10 = vector.shape_cast %slice3A_9 : vector<1x1x256x128xf32> to vector<256x128xf32>
    %add3A = arith.addf %squeeze3A, %squeeze3A_10 : vector<256x128xf32>
    %max3A = arith.constant 1.000000e+00 : f32
    %max3A_11 = vector.broadcast %max3A : f32 to vector<256x128xf32>
    %max3A_12 = arith.maximumf %add3A, %max3A_11 : vector<256x128xf32>
    %div3A = arith.constant 1.000000e+00 : f32
    %div3A_13 = vector.broadcast %div3A : f32 to vector<256x128xf32>
    %div3A_14 = arith.divf %div3A_13, %max3A_12 : vector<256x128xf32>
    %broadcast_in_dim3A = arith.constant 0.000000e+00 : f32
    %broadcast_in_dim3A_15 = vector.broadcast %broadcast_in_dim3A : f32 to vector<256x512xf32>
    %slice3A_16 = vector.extract_strided_slice %get3A_3 {offsets = [0, 0, 0, 0], sizes = [1, 1, 256, 128], strides = [1, 1, 1, 1]} : vector<2x4x256x128xf32> to vector<1x1x256x128xf32>
    %squeeze3A_17 = vector.shape_cast %slice3A_16 : vector<1x1x256x128xf32> to vector<256x128xf32>
    %slice3A_18 = vector.extract_strided_slice %get3A_3 {offsets = [1, 0, 0, 0], sizes = [1, 1, 256, 128], strides = [1, 1, 1, 1]} : vector<2x4x256x128xf32> to vector<1x1x256x128xf32>
    %squeeze3A_19 = vector.shape_cast %slice3A_18 : vector<1x1x256x128xf32> to vector<256x128xf32>
    %add3A_20 = arith.addf %squeeze3A_17, %squeeze3A_19 : vector<256x128xf32>
    %mul3A = arith.mulf %add3A_20, %div3A_14 : vector<256x128xf32>
    %get3A_21 = arith.constant 0 : index
    %get3A_22 = arith.constant 0 : index
    %get3A_23 = vector.load %arg7[%get3A_21, %get3A_22] : memref<1024x512xf32, #tpu.memory_space<vmem>>, vector<128x512xf32>
    %dot_general3A = arith.constant dense<0.000000e+00> : vector<256x512xf32>
    %dot_general3A_24 = tpu.matmul %mul3A, %get3A_23, %dot_general3A {dimension_numbers = #tpu.dot_dimension_numbers<[1], [0], [0], [1], [0, 0, 1, 1], [], []>, precision = #tpu.contract_precision<fp32>, transpose_lhs_hint = false} : vector<256x128xf32>, vector<128x512xf32>, vector<256x512xf32> -> vector<256x512xf32>
    %add3A_25 = arith.addf %broadcast_in_dim3A_15, %dot_general3A_24 : vector<256x512xf32>
    %get3A_26 = arith.constant 0 : index
    %get3A_27 = arith.constant 0 : index
    %get3A_28 = vector.load %arg3[%get3A_26, %get3A_27] : memref<256x128xf32, #tpu.memory_space<vmem>>, vector<256x128xf32>
    %get3A_29 = arith.constant 512 : index
    %get3A_30 = arith.constant 0 : index
    %get3A_31 = vector.load %arg7[%get3A_29, %get3A_30] : memref<1024x512xf32, #tpu.memory_space<vmem>>, vector<128x512xf32>
    %dot_general3A_32 = arith.constant dense<0.000000e+00> : vector<256x512xf32>
    %dot_general3A_33 = tpu.matmul %get3A_28, %get3A_31, %dot_general3A_32 {dimension_numbers = #tpu.dot_dimension_numbers<[1], [0], [0], [1], [0, 0, 1, 1], [], []>, precision = #tpu.contract_precision<fp32>, transpose_lhs_hint = false} : vector<256x128xf32>, vector<128x512xf32>, vector<256x512xf32> -> vector<256x512xf32>
    %add3A_34 = arith.addf %add3A_25, %dot_general3A_33 : vector<256x512xf32>
    %slice3A_35 = vector.extract_strided_slice %get3A_3 {offsets = [0, 1, 0, 0], sizes = [1, 1, 256, 128], strides = [1, 1, 1, 1]} : vector<2x4x256x128xf32> to vector<1x1x256x128xf32>
    %squeeze3A_36 = vector.shape_cast %slice3A_35 : vector<1x1x256x128xf32> to vector<256x128xf32>
    %slice3A_37 = vector.extract_strided_slice %get3A_3 {offsets = [1, 1, 0, 0], sizes = [1, 1, 256, 128], strides = [1, 1, 1, 1]} : vector<2x4x256x128xf32> to vector<1x1x256x128xf32>
    %squeeze3A_38 = vector.shape_cast %slice3A_37 : vector<1x1x256x128xf32> to vector<256x128xf32>
    %add3A_39 = arith.addf %squeeze3A_36, %squeeze3A_38 : vector<256x128xf32>
    %mul3A_40 = arith.mulf %add3A_39, %div3A_14 : vector<256x128xf32>
    %get3A_41 = arith.constant 128 : index
    %get3A_42 = arith.constant 0 : index
    %get3A_43 = vector.load %arg7[%get3A_41, %get3A_42] : memref<1024x512xf32, #tpu.memory_space<vmem>>, vector<128x512xf32>
    %dot_general3A_44 = arith.constant dense<0.000000e+00> : vector<256x512xf32>
    %dot_general3A_45 = tpu.matmul %mul3A_40, %get3A_43, %dot_general3A_44 {dimension_numbers = #tpu.dot_dimension_numbers<[1], [0], [0], [1], [0, 0, 1, 1], [], []>, precision = #tpu.contract_precision<fp32>, transpose_lhs_hint = false} : vector<256x128xf32>, vector<128x512xf32>, vector<256x512xf32> -> vector<256x512xf32>
    %add3A_46 = arith.addf %add3A_34, %dot_general3A_45 : vector<256x512xf32>
    %get3A_47 = arith.constant 0 : index
    %get3A_48 = arith.constant 0 : index
    %get3A_49 = vector.load %arg4[%get3A_47, %get3A_48] : memref<256x128xf32, #tpu.memory_space<vmem>>, vector<256x128xf32>
    %get3A_50 = arith.constant 640 : index
    %get3A_51 = arith.constant 0 : index
    %get3A_52 = vector.load %arg7[%get3A_50, %get3A_51] : memref<1024x512xf32, #tpu.memory_space<vmem>>, vector<128x512xf32>
    %dot_general3A_53 = arith.constant dense<0.000000e+00> : vector<256x512xf32>
    %dot_general3A_54 = tpu.matmul %get3A_49, %get3A_52, %dot_general3A_53 {dimension_numbers = #tpu.dot_dimension_numbers<[1], [0], [0], [1], [0, 0, 1, 1], [], []>, precision = #tpu.contract_precision<fp32>, transpose_lhs_hint = false} : vector<256x128xf32>, vector<128x512xf32>, vector<256x512xf32> -> vector<256x512xf32>
    %add3A_55 = arith.addf %add3A_46, %dot_general3A_54 : vector<256x512xf32>
    %slice3A_56 = vector.extract_strided_slice %get3A_3 {offsets = [0, 2, 0, 0], sizes = [1, 1, 256, 128], strides = [1, 1, 1, 1]} : vector<2x4x256x128xf32> to vector<1x1x256x128xf32>
    %squeeze3A_57 = vector.shape_cast %slice3A_56 : vector<1x1x256x128xf32> to vector<256x128xf32>
    %slice3A_58 = vector.extract_strided_slice %get3A_3 {offsets = [1, 2, 0, 0], sizes = [1, 1, 256, 128], strides = [1, 1, 1, 1]} : vector<2x4x256x128xf32> to vector<1x1x256x128xf32>
    %squeeze3A_59 = vector.shape_cast %slice3A_58 : vector<1x1x256x128xf32> to vector<256x128xf32>
    %add3A_60 = arith.addf %squeeze3A_57, %squeeze3A_59 : vector<256x128xf32>
    %mul3A_61 = arith.mulf %add3A_60, %div3A_14 : vector<256x128xf32>
    %get3A_62 = arith.constant 256 : index
    %get3A_63 = arith.constant 0 : index
    %get3A_64 = vector.load %arg7[%get3A_62, %get3A_63] : memref<1024x512xf32, #tpu.memory_space<vmem>>, vector<128x512xf32>
    %dot_general3A_65 = arith.constant dense<0.000000e+00> : vector<256x512xf32>
    %dot_general3A_66 = tpu.matmul %mul3A_61, %get3A_64, %dot_general3A_65 {dimension_numbers = #tpu.dot_dimension_numbers<[1], [0], [0], [1], [0, 0, 1, 1], [], []>, precision = #tpu.contract_precision<fp32>, transpose_lhs_hint = false} : vector<256x128xf32>, vector<128x512xf32>, vector<256x512xf32> -> vector<256x512xf32>
    %add3A_67 = arith.addf %add3A_55, %dot_general3A_66 : vector<256x512xf32>
    %get3A_68 = arith.constant 0 : index
    %get3A_69 = arith.constant 0 : index
    %get3A_70 = vector.load %arg5[%get3A_68, %get3A_69] : memref<256x128xf32, #tpu.memory_space<vmem>>, vector<256x128xf32>
    %get3A_71 = arith.constant 768 : index
    %get3A_72 = arith.constant 0 : index
    %get3A_73 = vector.load %arg7[%get3A_71, %get3A_72] : memref<1024x512xf32, #tpu.memory_space<vmem>>, vector<128x512xf32>
    %dot_general3A_74 = arith.constant dense<0.000000e+00> : vector<256x512xf32>
    %dot_general3A_75 = tpu.matmul %get3A_70, %get3A_73, %dot_general3A_74 {dimension_numbers = #tpu.dot_dimension_numbers<[1], [0], [0], [1], [0, 0, 1, 1], [], []>, precision = #tpu.contract_precision<fp32>, transpose_lhs_hint = false} : vector<256x128xf32>, vector<128x512xf32>, vector<256x512xf32> -> vector<256x512xf32>
    %add3A_76 = arith.addf %add3A_67, %dot_general3A_75 : vector<256x512xf32>
    %slice3A_77 = vector.extract_strided_slice %get3A_3 {offsets = [0, 3, 0, 0], sizes = [1, 1, 256, 128], strides = [1, 1, 1, 1]} : vector<2x4x256x128xf32> to vector<1x1x256x128xf32>
    %squeeze3A_78 = vector.shape_cast %slice3A_77 : vector<1x1x256x128xf32> to vector<256x128xf32>
    %slice3A_79 = vector.extract_strided_slice %get3A_3 {offsets = [1, 3, 0, 0], sizes = [1, 1, 256, 128], strides = [1, 1, 1, 1]} : vector<2x4x256x128xf32> to vector<1x1x256x128xf32>
    %squeeze3A_80 = vector.shape_cast %slice3A_79 : vector<1x1x256x128xf32> to vector<256x128xf32>
    %add3A_81 = arith.addf %squeeze3A_78, %squeeze3A_80 : vector<256x128xf32>
    %mul3A_82 = arith.mulf %add3A_81, %div3A_14 : vector<256x128xf32>
    %get3A_83 = arith.constant 384 : index
    %get3A_84 = arith.constant 0 : index
    %get3A_85 = vector.load %arg7[%get3A_83, %get3A_84] : memref<1024x512xf32, #tpu.memory_space<vmem>>, vector<128x512xf32>
    %dot_general3A_86 = arith.constant dense<0.000000e+00> : vector<256x512xf32>
    %dot_general3A_87 = tpu.matmul %mul3A_82, %get3A_85, %dot_general3A_86 {dimension_numbers = #tpu.dot_dimension_numbers<[1], [0], [0], [1], [0, 0, 1, 1], [], []>, precision = #tpu.contract_precision<fp32>, transpose_lhs_hint = false} : vector<256x128xf32>, vector<128x512xf32>, vector<256x512xf32> -> vector<256x512xf32>
    %add3A_88 = arith.addf %add3A_76, %dot_general3A_87 : vector<256x512xf32>
    %get3A_89 = arith.constant 0 : index
    %get3A_90 = arith.constant 0 : index
    %get3A_91 = vector.load %arg6[%get3A_89, %get3A_90] : memref<256x128xf32, #tpu.memory_space<vmem>>, vector<256x128xf32>
    %get3A_92 = arith.constant 896 : index
    %get3A_93 = arith.constant 0 : index
    %get3A_94 = vector.load %arg7[%get3A_92, %get3A_93] : memref<1024x512xf32, #tpu.memory_space<vmem>>, vector<128x512xf32>
    %dot_general3A_95 = arith.constant dense<0.000000e+00> : vector<256x512xf32>
    %dot_general3A_96 = tpu.matmul %get3A_91, %get3A_94, %dot_general3A_95 {dimension_numbers = #tpu.dot_dimension_numbers<[1], [0], [0], [1], [0, 0, 1, 1], [], []>, precision = #tpu.contract_precision<fp32>, transpose_lhs_hint = false} : vector<256x128xf32>, vector<128x512xf32>, vector<256x512xf32> -> vector<256x512xf32>
    %add3A_97 = arith.addf %add3A_88, %dot_general3A_96 : vector<256x512xf32>
    %get3A_98 = arith.constant 0 : index
    %get3A_99 = arith.constant 0 : index
    %get3A_100 = vector.load %arg8[%get3A_98, %get3A_99] : memref<1x512xf32, #tpu.memory_space<vmem>>, vector<1x512xf32>
    %add3A_101 = vector.broadcast %get3A_100 : vector<1x512xf32> to vector<256x512xf32>
    %add3A_102 = arith.addf %add3A_97, %add3A_101 : vector<256x512xf32>
    %max3A_103 = arith.constant 0.000000e+00 : f32
    %max3A_104 = vector.broadcast %max3A_103 : f32 to vector<256x512xf32>
    %max3A_105 = arith.maximumf %add3A_102, %max3A_104 : vector<256x512xf32>
    %mul3A_106 = arith.constant 256 : i32
    %mul3A_107 = arith.muli %arg0, %mul3A_106 : i32
    %iota3A = tpu.iota {dimensions = array<i32: 0>} : vector<256x1xi32>
    %add3A_108 = vector.broadcast %mul3A_107 : i32 to vector<256x1xi32>
    %add3A_109 = arith.addi %add3A_108, %iota3A : vector<256x1xi32>
    %lt3A = arith.constant 10000 : i32
    %lt3A_110 = vector.broadcast %lt3A : i32 to vector<256x1xi32>
    %lt3A_111 = arith.cmpi slt, %add3A_109, %lt3A_110 : vector<256x1xi32>
    %jit3A = arith.constant 0.000000e+00 : f32
    %broadcast_in_dim3A_112 = vector.shape_cast %lt3A_111 : vector<256x1xi1> to vector<256x1xi1>
    %broadcast_in_dim3A_113 = vector.broadcast %broadcast_in_dim3A_112 : vector<256x1xi1> to vector<256x512xi1>
    %broadcast_in_dim3A_114 = vector.broadcast %jit3A : f32 to vector<256x512xf32>
    %select_n3A = arith.select %broadcast_in_dim3A_113, %max3A_105, %broadcast_in_dim3A_114 : vector<256x512xi1>, vector<256x512xf32>
    %reduce_sum3A = arith.constant dense<0.000000e+00> : vector<512xf32>
    %reduce_sum3A_115 = vector.multi_reduction <add>, %select_n3A, %reduce_sum3A [0] : vector<256x512xf32> to vector<512xf32>
    %broadcast_in_dim3A_116 = vector.shape_cast %reduce_sum3A_115 : vector<512xf32> to vector<1x512xf32>
    %eq3A = arith.constant 0 : i32
    %eq3A_117 = arith.cmpi eq, %arg0, %eq3A : i32
    %convert_element_type3A = arith.extui %eq3A_117 : i1 to i32
    %cond3A = arith.constant 0 : i32
    %cond3A_118 = arith.cmpi ne, %convert_element_type3A, %cond3A : i32
    scf.if %cond3A_118 {
      %swap3A = arith.constant 0 : index
      %swap3A_128 = arith.constant 0 : index
      %swap3A_129 = vector.load %arg14[%swap3A, %swap3A_128] : memref<1x512xf32, #tpu.memory_space<vmem>>, vector<1x512xf32>
      tpu.vector_store %arg14[%swap3A, %swap3A_128], %broadcast_in_dim3A_116 {strides = array<i32>} : memref<1x512xf32, #tpu.memory_space<vmem>>, vector<1x512xf32>,
    } else {
    }
    %gt3A = arith.constant 0 : i32
    %gt3A_119 = arith.cmpi sgt, %arg0, %gt3A : i32
    %convert_element_type3A_120 = arith.extui %gt3A_119 : i1 to i32
    %cond3A_121 = arith.constant 0 : i32
    %cond3A_122 = arith.cmpi ne, %convert_element_type3A_120, %cond3A_121 : i32
    scf.if %cond3A_122 {
      %get3A_128 = arith.constant 0 : index
      %get3A_129 = arith.constant 0 : index
      %get3A_130 = vector.load %arg14[%get3A_128, %get3A_129] : memref<1x512xf32, #tpu.memory_space<vmem>>, vector<1x512xf32>
      %add3A_131 = arith.addf %get3A_130, %broadcast_in_dim3A_116 : vector<1x512xf32>
      %swap3A = arith.constant 0 : index
      %swap3A_132 = arith.constant 0 : index
      %swap3A_133 = vector.load %arg14[%swap3A, %swap3A_132] : memref<1x512xf32, #tpu.memory_space<vmem>>, vector<1x512xf32>
      tpu.vector_store %arg14[%swap3A, %swap3A_132], %add3A_131 {strides = array<i32>} : memref<1x512xf32, #tpu.memory_space<vmem>>, vector<1x512xf32>,
    } else {
    }
    %eq3A_123 = arith.constant 39 : i32
    %eq3A_124 = arith.cmpi eq, %arg0, %eq3A_123 : i32
    %convert_element_type3A_125 = arith.extui %eq3A_124 : i1 to i32
    %cond3A_126 = arith.constant 0 : i32
    %cond3A_127 = arith.cmpi ne, %convert_element_type3A_125, %cond3A_126 : i32
    scf.if %cond3A_127 {
      %get3A_128 = arith.constant 0 : index
      %get3A_129 = arith.constant 0 : index
      %get3A_130 = vector.load %arg14[%get3A_128, %get3A_129] : memref<1x512xf32, #tpu.memory_space<vmem>>, vector<1x512xf32>
      %mul3A_131 = arith.constant 9.99999974E-5 : f32
      %mul3A_132 = vector.broadcast %mul3A_131 : f32 to vector<1x512xf32>
      %mul3A_133 = arith.mulf %get3A_130, %mul3A_132 : vector<1x512xf32>
      %get3A_134 = arith.constant 0 : index
      %get3A_135 = arith.constant 0 : index
      %get3A_136 = vector.load %arg9[%get3A_134, %get3A_135] : memref<512x256xf32, #tpu.memory_space<vmem>>, vector<512x256xf32>
      %dot_general3A_137 = arith.constant dense<0.000000e+00> : vector<1x256xf32>
      %dot_general3A_138 = tpu.matmul %mul3A_133, %get3A_136, %dot_general3A_137 {dimension_numbers = #tpu.dot_dimension_numbers<[1], [0], [0], [1], [0, 0, 1, 1], [], []>, precision = #tpu.contract_precision<fp32>, transpose_lhs_hint = false} : vector<1x512xf32>, vector<512x256xf32>, vector<1x256xf32> -> vector<1x256xf32>
      %get3A_139 = arith.constant 0 : index
      %get3A_140 = arith.constant 0 : index
      %get3A_141 = vector.load %arg10[%get3A_139, %get3A_140] : memref<1x256xf32, #tpu.memory_space<vmem>>, vector<1x256xf32>
      %add3A_142 = arith.addf %dot_general3A_138, %get3A_141 : vector<1x256xf32>
      %max3A_143 = arith.constant 0.000000e+00 : f32
      %max3A_144 = vector.broadcast %max3A_143 : f32 to vector<1x256xf32>
      %max3A_145 = arith.maximumf %add3A_142, %max3A_144 : vector<1x256xf32>
      %get3A_146 = arith.constant 0 : index
      %get3A_147 = arith.constant 0 : index
      %get3A_148 = vector.load %arg11[%get3A_146, %get3A_147] : memref<256x128xf32, #tpu.memory_space<vmem>>, vector<256x128xf32>
      %dot_general3A_149 = arith.constant dense<0.000000e+00> : vector<1x128xf32>
      %dot_general3A_150 = tpu.matmul %max3A_145, %get3A_148, %dot_general3A_149 {dimension_numbers = #tpu.dot_dimension_numbers<[1], [0], [0], [1], [0, 0, 1, 1], [], []>, precision = #tpu.contract_precision<fp32>, transpose_lhs_hint = false} : vector<1x256xf32>, vector<256x128xf32>, vector<1x128xf32> -> vector<1x128xf32>
      %reduce_sum3A_151 = arith.constant dense<0.000000e+00> : vector<1xf32>
      %reduce_sum3A_152 = vector.multi_reduction <add>, %dot_general3A_150, %reduce_sum3A_151 [1] : vector<1x128xf32> to vector<1xf32>
      %broadcast_in_dim3A_153 = vector.shape_cast %reduce_sum3A_152 : vector<1xf32> to vector<1x1xf32>
      %get3A_154 = arith.constant 0 : index
      %get3A_155 = arith.constant 0 : index
      %get3A_156 = vector.load %arg12[%get3A_154, %get3A_155] : memref<1x1xf32, #tpu.memory_space<vmem>>, vector<1x1xf32>
      %add3A_157 = arith.addf %broadcast_in_dim3A_153, %get3A_156 : vector<1x1xf32>
      %neg3A = arith.constant 0.000000e+00 : f32
      %neg3A_158 = vector.broadcast %neg3A : f32 to vector<1x1xf32>
      %neg3A_159 = arith.subf %neg3A_158, %add3A_157 : vector<1x1xf32>
      %exp3A = math.exp %neg3A_159 : vector<1x1xf32>
      %add3A_160 = arith.constant 1.000000e+00 : f32
      %add3A_161 = vector.broadcast %add3A_160 : f32 to vector<1x1xf32>
      %add3A_162 = arith.addf %add3A_161, %exp3A : vector<1x1xf32>
      %div3A_163 = arith.constant 1.000000e+00 : f32
      %div3A_164 = vector.broadcast %div3A_163 : f32 to vector<1x1xf32>
      %div3A_165 = arith.divf %div3A_164, %add3A_162 : vector<1x1xf32>
      %swap3A = arith.constant 0 : index
      %swap3A_166 = arith.constant 0 : index
      %swap3A_167 = vector.load %arg13[%swap3A, %swap3A_166] : memref<1x1xf32, #tpu.memory_space<vmem>>, vector<1x1xf32>
      tpu.vector_store %arg13[%swap3A, %swap3A_166], %div3A_165 {strides = array<i32>} : memref<1x1xf32, #tpu.memory_space<vmem>>, vector<1x1xf32>,
    } else {
    }
    return
  }
  func.func @transform_0(%arg0: i32) -> (i32, i32, i32, i32) {
    %c0_i32 = arith.constant 0 : i32
    %c0_i32_0 = arith.constant 0 : i32
    %c0_i32_1 = arith.constant 0 : i32
    %c0_i32_2 = arith.constant 0 : i32
    return %c0_i32, %c0_i32_0, %arg0, %c0_i32_1 : i32, i32, i32, i32
  }
  func.func @transform_1(%arg0: i32) -> (i32, i32, i32, i32) {
    %c0_i32 = arith.constant 0 : i32
    %c0_i32_0 = arith.constant 0 : i32
    %c0_i32_1 = arith.constant 0 : i32
    %c0_i32_2 = arith.constant 0 : i32
    return %c0_i32, %c0_i32_0, %arg0, %c0_i32_1 : i32, i32, i32, i32
  }
  func.func @transform_2(%arg0: i32) -> (i32, i32) {
    %c0_i32 = arith.constant 0 : i32
    %c0_i32_0 = arith.constant 0 : i32
    return %arg0, %c0_i32 : i32, i32
  }
  func.func @transform_3(%arg0: i32) -> (i32, i32) {
    %c0_i32 = arith.constant 0 : i32
    %c0_i32_0 = arith.constant 0 : i32
    return %arg0, %c0_i32 : i32, i32
  }
  func.func @transform_4(%arg0: i32) -> (i32, i32) {
    %c0_i32 = arith.constant 0 : i32
    %c0_i32_0 = arith.constant 0 : i32
    return %arg0, %c0_i32 : i32, i32
  }
  func.func @transform_5(%arg0: i32) -> (i32, i32) {
    %c0_i32 = arith.constant 0 : i32
    %c0_i32_0 = arith.constant 0 : i32
    return %arg0, %c0_i32 : i32, i32
  }
  func.func @transform_6(%arg0: i32) -> (i32, i32) {
    %c0_i32 = arith.constant 0 : i32
    %c0_i32_0 = arith.constant 0 : i32
    %c0_i32_1 = arith.constant 0 : i32
    return %c0_i32, %c0_i32_0 : i32, i32
  }
  func.func @transform_7(%arg0: i32) -> (i32, i32) {
    %c0_i32 = arith.constant 0 : i32
    %c0_i32_0 = arith.constant 0 : i32
    %c0_i32_1 = arith.constant 0 : i32
    return %c0_i32, %c0_i32_0 : i32, i32
  }
  func.func @transform_8(%arg0: i32) -> (i32, i32) {
    %c0_i32 = arith.constant 0 : i32
    %c0_i32_0 = arith.constant 0 : i32
    %c0_i32_1 = arith.constant 0 : i32
    return %c0_i32, %c0_i32_0 : i32, i32
  }
  func.func @transform_9(%arg0: i32) -> (i32, i32) {
    %c0_i32 = arith.constant 0 : i32
    %c0_i32_0 = arith.constant 0 : i32
    %c0_i32_1 = arith.constant 0 : i32
    return %c0_i32, %c0_i32_0 : i32, i32
  }
  func.func @transform_10(%arg0: i32) -> (i32, i32) {
    %c0_i32 = arith.constant 0 : i32
    %c0_i32_0 = arith.constant 0 : i32
    %c0_i32_1 = arith.constant 0 : i32
    return %c0_i32, %c0_i32_0 : i32, i32
  }
  func.func @transform_11(%arg0: i32) -> (i32, i32) {
    %c0_i32 = arith.constant 0 : i32
    %c0_i32_0 = arith.constant 0 : i32
    %c0_i32_1 = arith.constant 0 : i32
    return %c0_i32, %c0_i32_0 : i32, i32
  }
  func.func @transform_12(%arg0: i32) -> (i32, i32) {
    %c0_i32 = arith.constant 0 : i32
    %c0_i32_0 = arith.constant 0 : i32
    %c0_i32_1 = arith.constant 0 : i32
    return %c0_i32, %c0_i32_0 : i32, i32
  }
}

</mosaic_0001>

<sc_bundles>
// kernel: kernel.6.cloned.1.call-start
scs
__scs_entry_jumppad:
0x0: {  	(pc) =	sbr.rel $0x88, $3  }
0x1: {  	(tag) =	ssettag $0x0;
	lr =	simm.s32 $0x1  }
0x2: {  	[smem:$0x3F95] =	sst lr;
	_ =	strace $0xD0000000  }
0x3: {  	_ = 	snop  }
0x4: {  	_ = 	snop  }
0x5: {  	_ = 	snop  }
0x6: {  	_ = 	snop  }
0x7: {  	_ = 	snop  }
__scs_overlays_trampoline_lowered:
0x8: {  	[smem:$0x3FA4] =	sst s0  }
0x9: {  	[smem:$0x3FA5] =	sst s1  }
0xa: {  	[smem:$0x3FA6] =	sst s2  }
0xb: {  	[smem:$0x3FA7] =	sst s3  }
0xc: {  	[smem:$0x3FA8] =	sst s4  }
0xd: {  	[smem:$0x3FA9] =	sst s5  }
0xe: {  	[smem:$0x3FAA] =	sst s6  }
0xf: {  	[smem:$0x3FAB] =	sst s7  }
0x10: {  	[smem:$0x3FAC] =	sst s8  }
0x11: {  	[smem:$0x3FAD] =	sst s9;
	s0 =	simm.s32 @!p0 $0x0  }
0x12: {  	s1 =	sld [smem:$0x3F93];
	s0 =	simm.s32 @p0 $0x1  }
0x13: {  	[smem:$0x3FAE] =	sst s0;
	s0 =	simm.s32 @!p1 $0x0  }
0x14: {  	s2 =	sld [smem:$0x3F92];
	s0 =	simm.s32 @p1 $0x1  }
0x15: {  	[smem:$0x3FAF] =	sst s0;
	s0 =	simm.s32 @!p2 $0x0  }
0x16: {  	s3 =	sld [smem:$0x3FDB];
	s0 =	simm.s32 @p2 $0x1  }
0x17: {  	s4 =	simm.s32 $0x1BF5;
	[smem:$0x3FB1] =	sst s0  }
0x18: {  	s0 =	sld [smem:$0x3F94];
	_ =	swait.ge [sflag:s4], $0x0  }
0x19: {  	s7 =	sld [smem:$0x3F95]  }
0x1a: {  	s8 =	sadd.s32 $0xFFFFE003, lr  }
0x1b: {  	s9 =	sadd.s32 $0xFFFFFEF7, lr;
	s5 =	simm.s32 $0xFFFFFFFF;
	p2 =	slt.u32 s8, $0xFFFFF086  }
0x1c: {  	p1 =	slt.u32 s9, $0xF7A;
	s5 =	simm.s32 @!p2 $0x0  }
0x1d: {  	s5 =	simm.s32 @p1 $0x1;
	p0 =	seq.s32 s7, s2  }
0x1e: {  	s7 =	smul.u32 @!p0 $0xF7A, s2;
	p2 =	seq.s32 @!p0 s5, $0x0  }
0x1f: {  	s9 =	smul.u32 $0xF7A, s1;
	s8 =	simm.s32 @!p0 $0x1BF5;
	p2 =	por !p2, p0  }
0x20: {  	[sflag:s8] =	ssyncset.s32 @!p0 $0xFFFFF086;
	s6 =	sadd.s32 @!p0 s3, s7;
	s7 =	simm.s32 @!p0 $0x108  }
0x21: {  	s3 =	sadd.s32 s3, s9;
	s6 =	sadd.s32 @!p0 $0x88, s6;
	s7 =	simm.s32 @p2 $0x1082  }
0x22: {  	[simem:s7], [sflag:s8] =	dma.local @!p0 [hbm:s6], $0xF7A  }
0x23: {  	s9 =	sor.u32 $0xD0000000, s2;
	s6 =	simm.s32 $0x108;
	_ =	swait.ge @!p0 [sflag:s8], $0x0  }
0x24: {  	s3 =	sadd.s32 $0x88, s3;
	s6 =	simm.s32 @!p1 $0x1082;
	[sflag:s4] =	ssyncset.s32 $0xFFFFF086  }
0x25: {  	[simem:s6], [sflag:s4] =	dma.local [hbm:s3], $0xF7A  }
0x26: {  	[smem:$0x3F95] =	sst s1;
	(tag) =	ssettag s2;
	_ =	strace s9  }
0x27: {  	s1 =	sld [smem:$0x3FA5]  }
0x28: {  	s2 =	sld [smem:$0x3FA6]  }
0x29: {  	s4 =	sld [smem:$0x3FA8]  }
0x2a: {  	p0 =	seq.s32 s5, $0x0;
	s5 =	sld [smem:$0x3FA9]  }
0x2b: {  	s6 =	sld [smem:$0x3FAA]  }
0x2c: {  	s7 =	sld [smem:$0x3FAB]  }
0x2d: {  	s3 =	simm.s32 $0x108;
	s8 =	sld [smem:$0x3FAC]  }
0x2e: {  	s3 =	simm.s32 @!p0 $0x1082;
	s9 =	sld [smem:$0x3FAD]  }
0x2f: {  	lr =	sadd.s32 s0, s3;
	s0 =	sld [smem:$0x3FA4]  }
0x30: {  	s3 =	sld [smem:$0x3FA7]  }
0x31: {  	[smem:$0x3FB0] =	sst s10  }
0x32: {  	s10 =	sld [smem:$0x3FAE];
	_ =	sdelay $0x3  }
0x33: {  	p0 =	seq.s32 s10, $0x1;
	s10 =	sld [smem:$0x3FB0];
	_ =	sdelay $0x3  }
0x34: {  	[smem:$0x3FB0] =	sst s10  }
0x35: {  	s10 =	sld [smem:$0x3FAF];
	_ =	sdelay $0x3  }
0x36: {  	p1 =	seq.s32 s10, $0x1;
	s10 =	sld [smem:$0x3FB0];
	_ =	sdelay $0x3  }
0x37: {  	[smem:$0x3FB0] =	sst s10  }
0x38: {  	s10 =	sld [smem:$0x3FB1]  }
0x39: {  	_ = 	snop;
	(pc) =	sbr.ind lr, $3  }
0x3a: {  	_ = 	snop  }
0x3b: {  	_ = 	snop  }
0x3c: {  	p2 =	seq.s32 s10, $0x1;
	s10 =	sld [smem:$0x3FB0]  }
0x3d: {  	_ =	shalt  }
0x3e: {  	_ =	shalt  }
0x3f: {  	_ =	shalt  }
0x40: {  	_ =	shalt  }
0x41: {  	_ =	shalt  }
0x42: {  	_ =	shalt  }
0x43: {  	_ =	shalt  }
0x44: {  	_ =	shalt  }
0x45: {  	_ =	shalt  }
0x46: {  	_ =	shalt  }
0x47: {  	_ =	shalt  }
0x48: {  	_ =	shalt  }
0x49: {  	_ =	shalt  }
0x4a: {  	_ =	shalt  }
0x4b: {  	_ =	shalt  }
0x4c: {  	_ =	shalt  }
0x4d: {  	_ =	shalt  }
0x4e: {  	_ =	shalt  }
0x4f: {  	_ =	shalt  }
0x50: {  	_ =	shalt  }
0x51: {  	_ =	shalt  }
0x52: {  	_ =	shalt  }
0x53: {  	_ =	shalt  }
0x54: {  	_ =	shalt  }
0x55: {  	_ =	shalt  }
0x56: {  	_ =	shalt  }
0x57: {  	_ =	shalt  }
0x58: {  	_ =	shalt  }
0x59: {  	_ =	shalt  }
0x5a: {  	_ =	shalt  }
0x5b: {  	_ =	shalt  }
0x5c: {  	_ =	shalt  }
0x5d: {  	_ =	shalt  }
0x5e: {  	_ =	shalt  }
0x5f: {  	_ =	shalt  }
0x60: {  	_ =	shalt  }
0x61: {  	_ =	shalt  }
0x62: {  	_ =	shalt  }
0x63: {  	_ =	shalt  }
0x64: {  	_ =	shalt  }
0x65: {  	_ =	shalt  }
0x66: {  	_ =	shalt  }
0x67: {  	_ =	shalt  }
0x68: {  	_ =	shalt  }
0x69: {  	_ =	shalt  }
0x6a: {  	_ =	shalt  }
0x6b: {  	_ =	shalt  }
0x6c: {  	_ =	shalt  }
0x6d: {  	_ =	shalt  }
0x6e: {  	_ =	shalt  }
0x6f: {  	_ =	shalt  }
0x70: {  	_ =	shalt  }
0x71: {  	_ =	shalt  }
0x72: {  	_ =	shalt  }
0x73: {  	_ =	shalt  }
0x74: {  	_ =	shalt  }
0x75: {  	_ =	shalt  }
0x76: {  	_ =	shalt  }
0x77: {  	_ =	shalt  }
0x78: {  	_ =	shalt  }
0x79: {  	_ =	shalt  }
0x7a: {  	_ =	shalt  }
0x7b: {  	_ =	shalt  }
0x7c: {  	_ =	shalt  }
0x7d: {  	_ =	shalt  }
0x7e: {  	_ =	shalt  }
0x7f: {  	_ =	shalt  }
0x80: {  	_ =	shalt  }
0x81: {  	_ =	shalt  }
0x82: {  	_ =	shalt  }
0x83: {  	_ =	shalt  }
0x84: {  	_ =	shalt  }
0x85: {  	_ =	shalt  }
0x86: {  	_ =	shalt  }
0x87: {  	_ =	shalt  }
.Lfunc_end0:
.L_simem_size_0:
called_computation_lowered:
.L_overlay_start_0:
0x88: {  	s2 =	sld [smem:$0x3FD9]  }
0x89: {  	s3 =	sld [smem:$0x3FFE];
	_ =	sdelay $0x1  }
0x8a: {  	s1 =	srdreg.scid  }
0x8b: {  	s0 =	sand.u32 $0x1, s1  }
0x8c: {  	s16 =	sshll.u32 s0, $0xA;
	s2 =	sadd.s32 s3, s2  }
0x8d: {  	s2 =	sadd.s32 s2, s16  }
0x8e: {  	[smem:$0x3FBC] =	sst s2  }
0x8f: {  	_ = 	snop  }
0x90: {  	(tm) =	ssettm $0x1  }
0x91: {  	s17 =	sld [smem:$0x3FFB];
	_ =	sdelay $0x3  }
0x92: {  	_ =	strace s17  }
0x93: {  	s2 =	sld [smem:$0x3FFC];
	_ =	sdelay $0x3  }
0x94: {  	_ =	strace s2  }
0x95: {  	s2 =	sld [smem:$0x3FFD];
	_ =	sdelay $0x3  }
0x96: {  	_ =	strace s2  }
0x97: {  	_ =	strace $0x8FFFFFFF  }
0x98: {  	s18 =	sld [smem:$0x3FDB];
	_ =	sdelay $0x1  }
0x99: {  	s19 =	simm.s32 $_scs_section_size  }
0x9a: {  	s4 =	simm.s32 $_size__tile_overlayer_lowered;
	s5 =	simm.s32 $_tile_overlayer_lowered  }
0x9b: {  	s22 =	simm.s32 $0x1BFF;
	s21 =	sshll.u32 s5, $0x1;
	s2 =	sadd.s32 s19, s18  }
0x9c: {  	s6 =	simm.s32 $0x0;
	s20 =	sshll.u32 s4, $0x1;
	s4 =	sadd.s32 s21, s2  }
0x9d: {  	[timem:s6], [sflag:s22] =	dma.local [hbm:s4], s20  }
0x9e: {  	_ =	swait.ge [sflag:s22], s20  }
0x9f: {  	s3 =	ssub.s32 $0x0, s20;
	[sflag:s22] =	ssyncset.done $0x0  }
0xa0: {  	[sflag:s22] =	ssyncadd.s32 s3;
	_ =	sdelay $0x1  }
0xa1: {  	s23 =	simm.s32 $0x1B8B  }
0xa2: {  	_ =	swait.ge [sflag:s23], $0x1  }
0xa3: {  	[sflag:s23] =	ssyncset.done $0x0  }
0xa4: {  	s25 =	simm.s32 $0x1B8E;
	s24 =	sld [smem:$0x3FFE];
	[sflag:s23] =	ssyncadd.s32 $0xFFFFFFFF  }
0xa5: {  	s26 =	simm.s32 $execute0_lowered;
	[smem:$0x3FD2] =	sst s25  }
0xa6: {  	s4 =	sshll.u32 s26, $0x1;
	_ =	strace $0x80000046;
	[dreg:$0x1] =	wrdreg $0xFFFFFFFF  }
0xa7: {  	s28 =	simm.s32 $_size_execute0_lowered;
	s2 =	sadd.s32 s2, s4;
	[dreg:$0x0] =	wrdreg $0x0  }
0xa8: {  	s4 =	sshll.u32 s28, $0x1;
	[dreg:$0x2] =	wrdreg s2  }
0xa9: {  	[dreg:$0x3] =	wrdreg s4  }
0xaa: {  	[dreg:$0x4] =	wrdreg $0xC0  }
0xab: {  	_ =	task [dreg:s6], $0x5FFFF  }
0xac: {  	[dreg:$0x1] =	wrdreg $0xFFFFFFFF  }
0xad: {  	[dreg:$0x0] =	wrdreg $0x60  }
0xae: {  	[dreg:$0x2] =	wrdreg s24  }
0xaf: {  	[dreg:$0x3] =	wrdreg $0xA8000  }
0xb0: {  	[dreg:$0x4] =	wrdreg $0x9  }
0xb1: {  	_ =	task.clear_ibuf [dreg:s6], $0x5FFFF;
	_ =	strace $0x90000046  }
0xb2: {  	s29 =	simm.s32 $0x9;
	_ =	strace $0x80000048  }
0xb3: {  	_ =	swait.ge [sflag:s29], $0x1  }
0xb4: {  	[sflag:s29] =	ssyncadd.s32 $0xFFFFFFFF  }
0xb5: {  	_ =	strace $0x90000048  }
0xb6: {  	_ =	sfence  }
0xb7: {  	s30 =	sld [smem:$0x0];
	_ =	sdelay $0x2  }
0xb8: {  	s31 =	sshll.u32 s1, $0xD;
	s1 =	sshrl.u32 s1, $0x2  }
0xb9: {  	s3 =	sand.u32 $0x4000, s31;
	s1 =	sadd.s32 s1, s30  }
0xba: {  	s0 =	sor.u32 s3, s0;
	s1 =	sshll.u32 s1, $0x11  }
0xbb: {  	s0 =	sor.u32 s1, s0  }
0xbc: {  	s0 =	sadd.s32 $0x8F2B, s0  }
0xbd: {  	[sflag:s0] =	ssyncadd.remote.s32 $0x1  }
0xbe: {  	_ =	sfence.sel $0xFFFF  }
0xbf: {  	[dreg:$0x0] =	wrdreg $0xFFFFFFFF;
	(pc) =	sbr.abs _section_cstart, $3  }
0xc0: {  	[dreg:$0x1] =	wrdreg $0xFFFFFFFF  }
0xc1: {  	_ =	task.clear_ibuf [dreg:s6], $0x2FFFF;
	_ =	strace $0x9FFFFFFF  }
0xc2: {  	(tm) =	ssettm $0x7FFFFFFF  }
0xc3: {  	_ =	shalt  }
tec
execute0_lowered:
.L_overlay_start_1:
0x0: {  	(tag) =	ssettag $0x1  }
0x1: {  	s7 =	rddreg [dreg:$0x0]  }
0x2: {  	s0 =	srdreg.scid;
	s2 =	rddreg [dreg:$0x1];
	s3 =	simm.s32 $0x0  }
0x3: {  	s17 =	simm.s32 $0x80;
	s18 =	simm.s32 $0x2800;
	s19 =	simm.s32 $0x1480  }
0x4: {  	s20 =	simm.s32 $0x1;
	s21 =	simm.s32 $0x6800;
	s22 =	simm.s32 $0x2  }
0x5: {  	s23 =	simm.s32 $0x1380;
	s24 =	simm.s32 $0x2700;
	s25 =	simm.s32 $0x2780  }
0x6: {  	s26 =	simm.s32 $0x0;
	s6 =	sand.u32 $0x1, s0;
	s0 =	stileid.u32  }
0x7: {  	[smem:$0x7FF] =	sst s3;
	s5 =	sadd.s32 $0x4200, s7;
	s9 =	smul.u32 $0x14000, s0  }
0x8: {  	s1 =	sshll.u32 s6, $0x4;
	_ =	strace $0x80000047;
	s10 =	smul.u32 $0x3C0000, s6  }
0x9: {  	s6 =	ssub.s32 $0x2, s6;
	s12 =	smul.u32 $0x50000, s0;
	s15 =	sshll.u32 s0, $0x6  }
0xa: {  	s4 =	sor.u32 s0, s1;
	s30 =	sshrl.u32 s6, $0x1;
	s15 =	sor.u32 $0x1C03, s15  }
0xb: {  	s8 =	smul.u32 $0x280, s4;
	s4 =	sadd.s32 $0x2C200, s7;
	s11 =	sshrl.u32 s9, $0x3  }
0xc: {  	s9 =	sadd.s32 s9, s10;
	s14 =	ssub.s32 s6, s30;
	s31 =	sshrl.u32 s12, $0x2  }
0xd: {  	s9 =	sshrl.u32 s9, $0x3;
	s11 =	sadd.s32 s11, s7;
	s16 =	sadd.s32 s31, s2  }
0xe: {  	s12 =	smax.u32 s14, $0x1;
	s14 =	simm.s32 $0x1400;
	s8 =	sadd.s32 s8, s7  }
0xf: {  	s13 =	sadd.s32 s9, s7;
	s16 =	sshrl.u32 s16, $0x3;
	s6 =	sadd.s32 $0x59200, s8  }
0x10: {  	s7 =	sadd.s32 $0x54200, s8;
	s8 =	sadd.s32 $0x5E200, s11;
	s9 =	sadd.s32 $0x86200, s13  }
0x11: {  	v0 =	vimm.f32 $1.000000000e+00;
	s10 =	sadd.s32 $0xAE200, s13;
	s11 =	sadd.s32 $0xD6200, s13;
	s13 =	simm.s32 $0x3  }
.LBB2_1:
0x12: {  	[tilespmem:s3], [sflag:$0x3] =	stream.linear.gather [hbm4b:s6+s3], $0x1400, $0x38;
	[tilespmem:$0x1E800] =	vst v63  }
0x13: {  	_ =	swait.ge [sflag:s13], $0x1400  }
0x14: {  	[sflag:s13] =	ssyncset.done $0x0  }
0x15: {  	[sflag:s13] =	ssyncadd.s32 $0xFFFFEC00  }
0x16: {  	[tilespmem:s14], [sflag:$0x3] =	stream.linear.gather [hbm4b:s7+s3], $0x1400, $0x38;
	[tilespmem:$0x1E800] =	vst v63  }
0x17: {  	_ =	swait.ge [sflag:s13], $0x1400  }
0x18: {  	[sflag:s13] =	ssyncset.done $0x0  }
0x19: {  	s28 =	simm.s32 $0x0;
	s29 =	simm.s32 $0x200;
	[sflag:s13] =	ssyncadd.s32 $0xFFFFEC00  }
.LBB2_2:
0x1a: {  	p0 =	sne.s32 s29, $0xFE00;
	[tilespmem:s28+$0x2870] =	vst v0  }
0x1b: {  	[tilespmem:s28+$0x2800] =	vst v0  }
0x1c: {  	[tilespmem:s28+$0x2810] =	vst v0  }
.Ltmp0:
0x1d: {  	[tilespmem:s28+$0x2820] =	vst v0;
	(pc) =	sbr.rel @p0 .LBB2_2-.Ltmp0, $4  }
0x1e: {  	[tilespmem:s28+$0x2830] =	vst v0  }
0x1f: {  	[tilespmem:s28+$0x2840] =	vst v0  }
0x20: {  	[tilespmem:s28+$0x2850] =	vst v0  }
0x21: {  	[tilespmem:s28+$0x2860] =	vst v0;
	s28 =	sshra.s32 s29, $0x2;
	s29 =	sadd.s32 $0x200, s29  }
0x22: {  	[tilespmem:s28+$0x2870] =	vst v0  }
0x23: {  	[tilespmem:s28+$0x2800] =	vst v0  }
0x24: {  	[tilespmem:s28+$0x2810] =	vst v0  }
0x25: {  	[tilespmem:s28+$0x2820] =	vst v0  }
0x26: {  	[tilespmem:s28+$0x2830] =	vst v0  }
0x27: {  	[tilespmem:s28+$0x2840] =	vst v0  }
0x28: {  	[tilespmem:s28+$0x2850] =	vst v0  }
0x29: {  	[tilespmem:s28+$0x2860] =	vst v0  }
0x2a: {  	[spmem:s16], [sflag:s15] =	dma.local [hbm:s8], $0x2800  }
0x2b: {  	_ =	swait.ge [sflag:s13], $0x2800  }
0x2c: {  	[sflag:s13] =	ssyncset.done $0x0  }
0x2d: {  	[sflag:s13] =	ssyncadd.s32 $0xFFFFD800  }
0x2e: {  	[bflag:$0x0] =	sbarrier.arrive $0xFFFF  }
0x2f: {  	[spmem:s2] =	stream.indirect.scatter.add.f32 [tilespmem:s18], [sflag:$0x1], $0x80, s14, s17, $0xb8;
	[tilespmem:$0x1E800] =	vst v63  }
0x30: {  	_ = 	snop  }
0x31: {  	[spmem:s2] =	stream.indirect.scatter.add.f32 [tilespmem:s18], [sflag:$0x1], $0x80, s19, s17, $0xb8;
	[tilespmem:$0x1E800] =	vst v63  }
0x32: {  	s28 =	simm.s32 $0x1500  }
0x33: {  	[spmem:s2] =	stream.indirect.scatter.add.f32 [tilespmem:s18], [sflag:$0x1], $0x80, s28, s17, $0xb8;
	[tilespmem:$0x1E800] =	vst v63  }
0x34: {  	s28 =	simm.s32 $0x600;
	_ =	swait.ge [sflag:s20], $0x4000  }
.LBB2_4:
0x35: {  	s29 =	sshra.s32 s28, $0x2;
	[sflag:s20] =	ssyncset.done $0x0;
	p0 =	sne.s32 s28, $0x4E00  }
.Ltmp1:
0x36: {  	s29 =	sadd.s32 $0x1400, s29;
	[sflag:s20] =	ssyncadd.s32 $0xFFFFC000;
	(pc) =	sbr.rel @p0 .LBB2_4-.Ltmp1, $3  }
0x37: {  	[spmem:s2] =	stream.indirect.scatter.add.f32 [tilespmem:s18], [sflag:$0x1], $0x80, s29, s17, $0xb8;
	[tilespmem:$0x1E800] =	vst v63  }
0x38: {  	s28 =	sadd.s32 $0x200, s28;
	_ =	sdelay $0x1  }
0x39: {  	_ =	swait.ge [sflag:s20], $0x4000  }
0x3a: {  	[sflag:s20] =	ssyncset.done $0x0  }
0x3b: {  	[sflag:s20] =	ssyncadd.s32 $0xFFFFC000  }
0x3c: {  	_ =	swait.ge [sflag:s20], $0x4000  }
0x3d: {  	[sflag:s20] =	ssyncset.done $0x0  }
0x3e: {  	[sflag:s20] =	ssyncadd.s32 $0xFFFFC000  }
0x3f: {  	_ =	swait.ge [sflag:s20], $0x4000  }
0x40: {  	[sflag:s20] =	ssyncset.done $0x0  }
0x41: {  	[sflag:s20] =	ssyncadd.s32 $0xFFFFC000  }
0x42: {  	[bflag:$0x0] =	sbarrier.arrive $0xFFFF  }
0x43: {  	[hbm:s9], [sflag:s15] =	dma.local [spmem:s16], $0x2800  }
0x44: {  	_ =	swait.ge [sflag:s13], $0x2800  }
0x45: {  	[sflag:s13] =	ssyncset.done $0x0  }
0x46: {  	[sflag:s13] =	ssyncadd.s32 $0xFFFFD800  }
0x47: {  	[spmem:s16], [sflag:s15] =	dma.local [hbm:s8], $0x2800  }
0x48: {  	_ =	swait.ge [sflag:s13], $0x2800  }
0x49: {  	[sflag:s13] =	ssyncset.done $0x0  }
0x4a: {  	[sflag:s13] =	ssyncadd.s32 $0xFFFFD800  }
0x4b: {  	s28 =	simm.s32 $0x0;
	[bflag:$0x0] =	sbarrier.arrive $0xFFFF  }
0x4c: {  	[tilespmem:s18], [sflag:$0x1] =	stream.indirect.gather [hbm4b:s4+s17], $0x80, s28, s17, $0xb8;
	[tilespmem:$0x1E800] =	vst v63  }
0x4d: {  	s28 =	simm.s32 $0x80  }
0x4e: {  	[tilespmem:s21], [sflag:$0x2] =	stream.indirect.gather [hbm4b:s4+s17], $0x80, s28, s17, $0xb8;
	[tilespmem:$0x1E800] =	vst v63  }
0x4f: {  	_ =	swait.ge [sflag:s20], $0x4000  }
0x50: {  	[sflag:s20] =	ssyncset.done $0x0  }
0x51: {  	s28 =	simm.s32 $0x1400;
	[sflag:s20] =	ssyncadd.s32 $0xFFFFC000  }
0x52: {  	[spmem:s2] =	stream.indirect.scatter.add.f32 [tilespmem:s18], [sflag:$0x3], $0x80, s28, s17, $0xb8;
	[tilespmem:$0x1E800] =	vst v63  }
0x53: {  	_ =	swait.ge [sflag:s13], $0x4000  }
0x54: {  	[sflag:s13] =	ssyncset.done $0x0  }
0x55: {  	s28 =	simm.s32 $0x100;
	[sflag:s13] =	ssyncadd.s32 $0xFFFFC000  }
0x56: {  	[tilespmem:s18], [sflag:$0x1] =	stream.indirect.gather [hbm4b:s4+s17], $0x80, s28, s17, $0xb8;
	[tilespmem:$0x1E800] =	vst v63  }
0x57: {  	_ =	swait.ge [sflag:s22], $0x4000  }
0x58: {  	[sflag:s22] =	ssyncset.done $0x0  }
0x59: {  	s28 =	simm.s32 $0x1480;
	[sflag:s22] =	ssyncadd.s32 $0xFFFFC000  }
0x5a: {  	[spmem:s2] =	stream.indirect.scatter.add.f32 [tilespmem:s21], [sflag:$0x3], $0x80, s28, s17, $0xb8;
	[tilespmem:$0x1E800] =	vst v63  }
0x5b: {  	_ =	swait.ge [sflag:s13], $0x4000  }
0x5c: {  	s29 =	simm.s32 $0x800;
	s28 =	simm.s32 $0x100;
	[sflag:s13] =	ssyncset.done $0x0  }
.LBB2_6:
0x5d: {  	s30 =	sadd.s32 $0x80, s28  }
0x5e: {  	[sflag:s13] =	ssyncadd.s32 $0xFFFFC000;
	s31 =	smov.u32 s29;
	s1 =	sadd.s32 $0x400, s29  }
0x5f: {  	[tilespmem:s21], [sflag:$0x2] =	stream.indirect.gather [hbm4b:s4+s17], $0x80, s30, s17, $0xb8;
	[tilespmem:$0x1E800] =	vst v63  }
0x60: {  	p0 =	sne.s32 s29, $0x4800;
	_ =	swait.ge [sflag:s20], $0x4000  }
0x61: {  	[sflag:s20] =	ssyncset.done $0x0  }
0x62: {  	s29 =	sadd.s32 $0x1400, s28;
	[sflag:s20] =	ssyncadd.s32 $0xFFFFC000  }
0x63: {  	[spmem:s2] =	stream.indirect.scatter.add.f32 [tilespmem:s18], [sflag:$0x3], $0x80, s29, s17, $0xb8;
	[tilespmem:$0x1E800] =	vst v63  }
0x64: {  	_ =	swait.ge [sflag:s13], $0x4000  }
0x65: {  	[sflag:s13] =	ssyncset.done $0x0  }
0x66: {  	s29 =	sadd.s32 $0x100, s28;
	[sflag:s13] =	ssyncadd.s32 $0xFFFFC000  }
0x67: {  	[tilespmem:s18], [sflag:$0x1] =	stream.indirect.gather [hbm4b:s4+s17], $0x80, s29, s17, $0xb8;
	[tilespmem:$0x1E800] =	vst v63  }
0x68: {  	_ =	swait.ge [sflag:s22], $0x4000  }
.Ltmp2:
0x69: {  	[sflag:s22] =	ssyncset.done $0x0;
	(pc) =	sbr.rel @p0 .LBB2_6-.Ltmp2, $4  }
0x6a: {  	s28 =	sadd.s32 $0x1480, s28;
	[sflag:s22] =	ssyncadd.s32 $0xFFFFC000  }
0x6b: {  	[spmem:s2] =	stream.indirect.scatter.add.f32 [tilespmem:s21], [sflag:$0x3], $0x80, s28, s17, $0xb8;
	[tilespmem:$0x1E800] =	vst v63  }
0x6c: {  	_ =	swait.ge [sflag:s13], $0x4000  }
0x6d: {  	s29 =	smov.u32 s1;
	s28 =	sshra.s32 s31, $0x2;
	[sflag:s13] =	ssyncset.done $0x0  }
0x6e: {  	s1 =	sadd.s32 $0x80, s28;
	[sflag:s13] =	ssyncadd.s32 $0xFFFFC000  }
0x6f: {  	[tilespmem:s21], [sflag:$0x2] =	stream.indirect.gather [hbm4b:s4+s17], $0x80, s1, s17, $0xb8;
	[tilespmem:$0x1E800] =	vst v63  }
0x70: {  	_ =	swait.ge [sflag:s20], $0x4000  }
0x71: {  	[sflag:s20] =	ssyncset.done $0x0  }
0x72: {  	s30 =	sadd.s32 $0x1400, s28;
	[sflag:s20] =	ssyncadd.s32 $0xFFFFC000  }
0x73: {  	[spmem:s2] =	stream.indirect.scatter.add.f32 [tilespmem:s18], [sflag:$0x3], $0x80, s30, s17, $0xb8;
	[tilespmem:$0x1E800] =	vst v63  }
0x74: {  	_ =	swait.ge [sflag:s13], $0x4000  }
0x75: {  	[sflag:s13] =	ssyncset.done $0x0  }
0x76: {  	s31 =	sadd.s32 $0x100, s28;
	[sflag:s13] =	ssyncadd.s32 $0xFFFFC000  }
0x77: {  	[tilespmem:s18], [sflag:$0x1] =	stream.indirect.gather [hbm4b:s4+s17], $0x80, s31, s17, $0xb8;
	[tilespmem:$0x1E800] =	vst v63  }
0x78: {  	_ =	swait.ge [sflag:s22], $0x4000  }
0x79: {  	[sflag:s22] =	ssyncset.done $0x0  }
0x7a: {  	s30 =	sadd.s32 $0x1480, s28;
	[sflag:s22] =	ssyncadd.s32 $0xFFFFC000  }
0x7b: {  	[spmem:s2] =	stream.indirect.scatter.add.f32 [tilespmem:s21], [sflag:$0x3], $0x80, s30, s17, $0xb8;
	[tilespmem:$0x1E800] =	vst v63  }
0x7c: {  	_ =	swait.ge [sflag:s13], $0x4000  }
0x7d: {  	[sflag:s13] =	ssyncset.done $0x0  }
0x7e: {  	[sflag:s13] =	ssyncadd.s32 $0xFFFFC000  }
0x7f: {  	[tilespmem:s21], [sflag:$0x2] =	stream.indirect.gather [hbm4b:s4+s17], $0x80, s23, s17, $0xb8;
	[tilespmem:$0x1E800] =	vst v63  }
0x80: {  	_ =	swait.ge [sflag:s20], $0x4000  }
0x81: {  	[sflag:s20] =	ssyncset.done $0x0  }
0x82: {  	[sflag:s20] =	ssyncadd.s32 $0xFFFFC000  }
0x83: {  	[spmem:s2] =	stream.indirect.scatter.add.f32 [tilespmem:s18], [sflag:$0x3], $0x80, s24, s17, $0xb8;
	[tilespmem:$0x1E800] =	vst v63  }
0x84: {  	_ =	swait.ge [sflag:s13], $0x4000  }
0x85: {  	[sflag:s13] =	ssyncset.done $0x0  }
0x86: {  	[sflag:s13] =	ssyncadd.s32 $0xFFFFC000  }
0x87: {  	_ =	swait.ge [sflag:s22], $0x4000  }
0x88: {  	[sflag:s22] =	ssyncset.done $0x0  }
0x89: {  	[sflag:s22] =	ssyncadd.s32 $0xFFFFC000  }
0x8a: {  	[spmem:s2] =	stream.indirect.scatter.add.f32 [tilespmem:s21], [sflag:$0x3], $0x80, s25, s17, $0xb8;
	[tilespmem:$0x1E800] =	vst v63  }
0x8b: {  	_ =	swait.ge [sflag:s13], $0x4000  }
0x8c: {  	[sflag:s13] =	ssyncset.done $0x0  }
0x8d: {  	[sflag:s13] =	ssyncadd.s32 $0xFFFFC000  }
0x8e: {  	[bflag:$0x0] =	sbarrier.arrive $0xFFFF  }
0x8f: {  	[hbm:s10], [sflag:s15] =	dma.local [spmem:s16], $0x2800  }
0x90: {  	_ =	swait.ge [sflag:s13], $0x2800  }
0x91: {  	[sflag:s13] =	ssyncset.done $0x0  }
0x92: {  	[sflag:s13] =	ssyncadd.s32 $0xFFFFD800  }
0x93: {  	[spmem:s16], [sflag:s15] =	dma.local [hbm:s8], $0x2800  }
0x94: {  	_ =	swait.ge [sflag:s13], $0x2800  }
0x95: {  	[sflag:s13] =	ssyncset.done $0x0  }
0x96: {  	[sflag:s13] =	ssyncadd.s32 $0xFFFFD800  }
0x97: {  	s31 =	simm.s32 $0x0;
	[bflag:$0x0] =	sbarrier.arrive $0xFFFF  }
0x98: {  	[tilespmem:s18], [sflag:$0x1] =	stream.indirect.gather [hbm4b:s5+s17], $0x80, s31, s17, $0xb8;
	[tilespmem:$0x1E800] =	vst v63  }
0x99: {  	s30 =	simm.s32 $0x80  }
0x9a: {  	[tilespmem:s21], [sflag:$0x2] =	stream.indirect.gather [hbm4b:s5+s17], $0x80, s30, s17, $0xb8;
	[tilespmem:$0x1E800] =	vst v63  }
0x9b: {  	_ =	swait.ge [sflag:s20], $0x4000  }
0x9c: {  	[sflag:s20] =	ssyncset.done $0x0  }
0x9d: {  	s31 =	simm.s32 $0x1400;
	[sflag:s20] =	ssyncadd.s32 $0xFFFFC000  }
0x9e: {  	[spmem:s2] =	stream.indirect.scatter.add.f32 [tilespmem:s18], [sflag:$0x3], $0x80, s31, s17, $0xb8;
	[tilespmem:$0x1E800] =	vst v63  }
0x9f: {  	_ =	swait.ge [sflag:s13], $0x4000  }
0xa0: {  	[sflag:s13] =	ssyncset.done $0x0  }
0xa1: {  	s30 =	simm.s32 $0x100;
	[sflag:s13] =	ssyncadd.s32 $0xFFFFC000  }
0xa2: {  	[tilespmem:s18], [sflag:$0x1] =	stream.indirect.gather [hbm4b:s5+s17], $0x80, s30, s17, $0xb8;
	[tilespmem:$0x1E800] =	vst v63  }
0xa3: {  	_ =	swait.ge [sflag:s22], $0x4000  }
0xa4: {  	[sflag:s22] =	ssyncset.done $0x0  }
0xa5: {  	s31 =	simm.s32 $0x1480;
	[sflag:s22] =	ssyncadd.s32 $0xFFFFC000  }
0xa6: {  	[spmem:s2] =	stream.indirect.scatter.add.f32 [tilespmem:s21], [sflag:$0x3], $0x80, s31, s17, $0xb8;
	[tilespmem:$0x1E800] =	vst v63  }
0xa7: {  	_ =	swait.ge [sflag:s13], $0x4000  }
0xa8: {  	s29 =	simm.s32 $0x800;
	s28 =	simm.s32 $0x100;
	[sflag:s13] =	ssyncset.done $0x0  }
.LBB2_8:
0xa9: {  	s1 =	sadd.s32 $0x80, s28  }
0xaa: {  	[sflag:s13] =	ssyncadd.s32 $0xFFFFC000;
	s30 =	smov.u32 s29;
	s31 =	sadd.s32 $0x400, s29  }
0xab: {  	[tilespmem:s21], [sflag:$0x2] =	stream.indirect.gather [hbm4b:s5+s17], $0x80, s1, s17, $0xb8;
	[tilespmem:$0x1E800] =	vst v63  }
0xac: {  	p0 =	sne.s32 s29, $0x4800;
	_ =	swait.ge [sflag:s20], $0x4000  }
0xad: {  	[sflag:s20] =	ssyncset.done $0x0  }
0xae: {  	s1 =	sadd.s32 $0x1400, s28;
	[sflag:s20] =	ssyncadd.s32 $0xFFFFC000  }
0xaf: {  	[spmem:s2] =	stream.indirect.scatter.add.f32 [tilespmem:s18], [sflag:$0x3], $0x80, s1, s17, $0xb8;
	[tilespmem:$0x1E800] =	vst v63  }
0xb0: {  	_ =	swait.ge [sflag:s13], $0x4000  }
0xb1: {  	[sflag:s13] =	ssyncset.done $0x0  }
0xb2: {  	s1 =	sadd.s32 $0x100, s28;
	[sflag:s13] =	ssyncadd.s32 $0xFFFFC000  }
0xb3: {  	[tilespmem:s18], [sflag:$0x1] =	stream.indirect.gather [hbm4b:s5+s17], $0x80, s1, s17, $0xb8;
	[tilespmem:$0x1E800] =	vst v63  }
0xb4: {  	_ =	swait.ge [sflag:s22], $0x4000  }
.Ltmp3:
0xb5: {  	[sflag:s22] =	ssyncset.done $0x0;
	(pc) =	sbr.rel @p0 .LBB2_8-.Ltmp3, $4  }
0xb6: {  	s1 =	sadd.s32 $0x1480, s28;
	[sflag:s22] =	ssyncadd.s32 $0xFFFFC000  }
0xb7: {  	[spmem:s2] =	stream.indirect.scatter.add.f32 [tilespmem:s21], [sflag:$0x3], $0x80, s1, s17, $0xb8;
	[tilespmem:$0x1E800] =	vst v63  }
0xb8: {  	_ =	swait.ge [sflag:s13], $0x4000  }
0xb9: {  	s29 =	smov.u32 s31;
	s28 =	sshra.s32 s30, $0x2;
	[sflag:s13] =	ssyncset.done $0x0  }
0xba: {  	s1 =	sadd.s32 $0x80, s28;
	[sflag:s13] =	ssyncadd.s32 $0xFFFFC000  }
0xbb: {  	[tilespmem:s21], [sflag:$0x2] =	stream.indirect.gather [hbm4b:s5+s17], $0x80, s1, s17, $0xb8;
	[tilespmem:$0x1E800] =	vst v63  }
0xbc: {  	_ =	swait.ge [sflag:s20], $0x4000  }
0xbd: {  	[sflag:s20] =	ssyncset.done $0x0  }
0xbe: {  	s29 =	sadd.s32 $0x1400, s28;
	[sflag:s20] =	ssyncadd.s32 $0xFFFFC000  }
0xbf: {  	[spmem:s2] =	stream.indirect.scatter.add.f32 [tilespmem:s18], [sflag:$0x3], $0x80, s29, s17, $0xb8;
	[tilespmem:$0x1E800] =	vst v63  }
0xc0: {  	_ =	swait.ge [sflag:s13], $0x4000  }
0xc1: {  	[sflag:s13] =	ssyncset.done $0x0  }
0xc2: {  	s30 =	sadd.s32 $0x100, s28;
	[sflag:s13] =	ssyncadd.s32 $0xFFFFC000  }
0xc3: {  	[tilespmem:s18], [sflag:$0x1] =	stream.indirect.gather [hbm4b:s5+s17], $0x80, s30, s17, $0xb8;
	[tilespmem:$0x1E800] =	vst v63  }
0xc4: {  	_ =	swait.ge [sflag:s22], $0x4000  }
0xc5: {  	[sflag:s22] =	ssyncset.done $0x0  }
0xc6: {  	s31 =	sadd.s32 $0x1480, s28;
	[sflag:s22] =	ssyncadd.s32 $0xFFFFC000  }
0xc7: {  	[spmem:s2] =	stream.indirect.scatter.add.f32 [tilespmem:s21], [sflag:$0x3], $0x80, s31, s17, $0xb8;
	[tilespmem:$0x1E800] =	vst v63  }
0xc8: {  	_ =	swait.ge [sflag:s13], $0x4000  }
0xc9: {  	[sflag:s13] =	ssyncset.done $0x0  }
0xca: {  	[sflag:s13] =	ssyncadd.s32 $0xFFFFC000  }
0xcb: {  	[tilespmem:s21], [sflag:$0x2] =	stream.indirect.gather [hbm4b:s5+s17], $0x80, s23, s17, $0xb8;
	[tilespmem:$0x1E800] =	vst v63  }
0xcc: {  	_ =	swait.ge [sflag:s20], $0x4000  }
0xcd: {  	[sflag:s20] =	ssyncset.done $0x0  }
0xce: {  	[sflag:s20] =	ssyncadd.s32 $0xFFFFC000  }
0xcf: {  	[spmem:s2] =	stream.indirect.scatter.add.f32 [tilespmem:s18], [sflag:$0x3], $0x80, s24, s17, $0xb8;
	[tilespmem:$0x1E800] =	vst v63  }
0xd0: {  	_ =	swait.ge [sflag:s13], $0x4000  }
0xd1: {  	[sflag:s13] =	ssyncset.done $0x0  }
0xd2: {  	[sflag:s13] =	ssyncadd.s32 $0xFFFFC000  }
0xd3: {  	_ =	swait.ge [sflag:s22], $0x4000  }
0xd4: {  	[sflag:s22] =	ssyncset.done $0x0  }
0xd5: {  	[sflag:s22] =	ssyncadd.s32 $0xFFFFC000  }
0xd6: {  	[spmem:s2] =	stream.indirect.scatter.add.f32 [tilespmem:s21], [sflag:$0x3], $0x80, s25, s17, $0xb8;
	[tilespmem:$0x1E800] =	vst v63  }
0xd7: {  	_ =	swait.ge [sflag:s13], $0x4000  }
0xd8: {  	s26 =	sadd.s32 $0x1, s26;
	[sflag:s13] =	ssyncset.done $0x0  }
0xd9: {  	p0 =	sne.s32 s26, s12;
	[sflag:s13] =	ssyncadd.s32 $0xFFFFC000  }
.Ltmp4:
0xda: {  	[bflag:$0x0] =	sbarrier.arrive $0xFFFF;
	(pc) =	sbr.rel @p0 .LBB2_1-.Ltmp4, $4  }
0xdb: {  	[hbm:s11], [sflag:s15] =	dma.local [spmem:s16], $0x2800  }
0xdc: {  	_ =	swait.ge [sflag:s13], $0x2800  }
0xdd: {  	[sflag:s13] =	ssyncset.done $0x0  }
0xde: {  	[sflag:s13] =	ssyncadd.s32 $0xFFFFD800  }
0xdf: {  	_ =	sfence.sel $0x180000  }
0xe0: {  	[bflag:$0x0] =	sbarrier.arrive $0xFFFF  }
0xe1: {  	_ =	strace $0x90000047  }
0xe2: {  	[bflag:$0x2] =	sbarrier.arrive $0xFFFF  }
0xe3: {  	p0 =	sne.s32 s0, $0x0;
	s0 =	rddreg [dreg:$0x2]  }
0xe4: {  	s0 =	sadd.s32 @!p0 $0x100000, s0  }
0xe5: {  	[sflag:s0] =	ssyncadd.tile.s32 @!p0 $0x1;
	_ =	shalt  }
.Lfunc_end2:
_tile_overlayer_lowered:
.L_overlay_start_2:
0xe6: {  	(tag) =	ssettag $0x2  }
0xe7: {  	s0 =	rddreg [dreg:$0x0];
	s2 =	stileid.u32  }
0xe8: {  	s1 =	rddreg [dreg:$0x1];
	p0 =	sne.s32 s2, $0x0  }
0xe9: {  	s3 =	rddreg [dreg:$0x2];
	[bflag:$0x3] =	sbarrier.arrive $0xFFFF;
	s2 =	simm.s32 @!p0 $0x1C03  }
0xea: {  	[timem:s3], [sflag:s2] =	dma.local @!p0 [hbm:s0], s1  }
0xeb: {  	s0 =	simm.s32 @!p0 $0x3  }
0xec: {  	_ =	swait.ge @!p0 [sflag:s0], s1  }
0xed: {  	s1 =	ssub.s32 @!p0 $0x0, s1;
	[sflag:s0] =	ssyncset.done @!p0 $0x0  }
0xee: {  	[sflag:s0] =	ssyncadd.s32 @!p0 s1  }
0xef: {  	[bflag:$0x3] =	sbarrier.arrive $0xFFFF  }
0xf0: {  	_ =	shalt  }

// kernel: kernel.9.cloned.1.call-start
scs
__scs_entry_jumppad:
0x0: {  	(pc) =	sbr.rel $0x88, $3  }
0x1: {  	(tag) =	ssettag $0x0;
	lr =	simm.s32 $0x1  }
0x2: {  	[smem:$0x3F95] =	sst lr;
	_ =	strace $0xD0000000  }
0x3: {  	_ = 	snop  }
0x4: {  	_ = 	snop  }
0x5: {  	_ = 	snop  }
0x6: {  	_ = 	snop  }
0x7: {  	_ = 	snop  }
__scs_overlays_trampoline_lowered:
0x8: {  	[smem:$0x3FA4] =	sst s0  }
0x9: {  	[smem:$0x3FA5] =	sst s1  }
0xa: {  	[smem:$0x3FA6] =	sst s2  }
0xb: {  	[smem:$0x3FA7] =	sst s3  }
0xc: {  	[smem:$0x3FA8] =	sst s4  }
0xd: {  	[smem:$0x3FA9] =	sst s5  }
0xe: {  	[smem:$0x3FAA] =	sst s6  }
0xf: {  	[smem:$0x3FAB] =	sst s7  }
0x10: {  	[smem:$0x3FAC] =	sst s8  }
0x11: {  	[smem:$0x3FAD] =	sst s9;
	s0 =	simm.s32 @!p0 $0x0  }
0x12: {  	s1 =	sld [smem:$0x3F93];
	s0 =	simm.s32 @p0 $0x1  }
0x13: {  	[smem:$0x3FAE] =	sst s0;
	s0 =	simm.s32 @!p1 $0x0  }
0x14: {  	s2 =	sld [smem:$0x3F92];
	s0 =	simm.s32 @p1 $0x1  }
0x15: {  	[smem:$0x3FAF] =	sst s0;
	s0 =	simm.s32 @!p2 $0x0  }
0x16: {  	s3 =	sld [smem:$0x3FDB];
	s0 =	simm.s32 @p2 $0x1  }
0x17: {  	s4 =	simm.s32 $0x1BF5;
	[smem:$0x3FB1] =	sst s0  }
0x18: {  	s0 =	sld [smem:$0x3F94];
	_ =	swait.ge [sflag:s4], $0x0  }
0x19: {  	s7 =	sld [smem:$0x3F95]  }
0x1a: {  	s8 =	sadd.s32 $0xFFFFE003, lr  }
0x1b: {  	s9 =	sadd.s32 $0xFFFFFEF7, lr;
	s5 =	simm.s32 $0xFFFFFFFF;
	p2 =	slt.u32 s8, $0xFFFFF086  }
0x1c: {  	p1 =	slt.u32 s9, $0xF7A;
	s5 =	simm.s32 @!p2 $0x0  }
0x1d: {  	s5 =	simm.s32 @p1 $0x1;
	p0 =	seq.s32 s7, s2  }
0x1e: {  	s7 =	smul.u32 @!p0 $0xF7A, s2;
	p2 =	seq.s32 @!p0 s5, $0x0  }
0x1f: {  	s9 =	smul.u32 $0xF7A, s1;
	s8 =	simm.s32 @!p0 $0x1BF5;
	p2 =	por !p2, p0  }
0x20: {  	[sflag:s8] =	ssyncset.s32 @!p0 $0xFFFFF086;
	s6 =	sadd.s32 @!p0 s3, s7;
	s7 =	simm.s32 @!p0 $0x108  }
0x21: {  	s3 =	sadd.s32 s3, s9;
	s6 =	sadd.s32 @!p0 $0x88, s6;
	s7 =	simm.s32 @p2 $0x1082  }
0x22: {  	[simem:s7], [sflag:s8] =	dma.local @!p0 [hbm:s6], $0xF7A  }
0x23: {  	s9 =	sor.u32 $0xD0000000, s2;
	s6 =	simm.s32 $0x108;
	_ =	swait.ge @!p0 [sflag:s8], $0x0  }
0x24: {  	s3 =	sadd.s32 $0x88, s3;
	s6 =	simm.s32 @!p1 $0x1082;
	[sflag:s4] =	ssyncset.s32 $0xFFFFF086  }
0x25: {  	[simem:s6], [sflag:s4] =	dma.local [hbm:s3], $0xF7A  }
0x26: {  	[smem:$0x3F95] =	sst s1;
	(tag) =	ssettag s2;
	_ =	strace s9  }
0x27: {  	s1 =	sld [smem:$0x3FA5]  }
0x28: {  	s2 =	sld [smem:$0x3FA6]  }
0x29: {  	s4 =	sld [smem:$0x3FA8]  }
0x2a: {  	p0 =	seq.s32 s5, $0x0;
	s5 =	sld [smem:$0x3FA9]  }
0x2b: {  	s6 =	sld [smem:$0x3FAA]  }
0x2c: {  	s7 =	sld [smem:$0x3FAB]  }
0x2d: {  	s3 =	simm.s32 $0x108;
	s8 =	sld [smem:$0x3FAC]  }
0x2e: {  	s3 =	simm.s32 @!p0 $0x1082;
	s9 =	sld [smem:$0x3FAD]  }
0x2f: {  	lr =	sadd.s32 s0, s3;
	s0 =	sld [smem:$0x3FA4]  }
0x30: {  	s3 =	sld [smem:$0x3FA7]  }
0x31: {  	[smem:$0x3FB0] =	sst s10  }
0x32: {  	s10 =	sld [smem:$0x3FAE];
	_ =	sdelay $0x3  }
0x33: {  	p0 =	seq.s32 s10, $0x1;
	s10 =	sld [smem:$0x3FB0];
	_ =	sdelay $0x3  }
0x34: {  	[smem:$0x3FB0] =	sst s10  }
0x35: {  	s10 =	sld [smem:$0x3FAF];
	_ =	sdelay $0x3  }
0x36: {  	p1 =	seq.s32 s10, $0x1;
	s10 =	sld [smem:$0x3FB0];
	_ =	sdelay $0x3  }
0x37: {  	[smem:$0x3FB0] =	sst s10  }
0x38: {  	s10 =	sld [smem:$0x3FB1]  }
0x39: {  	_ = 	snop;
	(pc) =	sbr.ind lr, $3  }
0x3a: {  	_ = 	snop  }
0x3b: {  	_ = 	snop  }
0x3c: {  	p2 =	seq.s32 s10, $0x1;
	s10 =	sld [smem:$0x3FB0]  }
0x3d: {  	_ =	shalt  }
0x3e: {  	_ =	shalt  }
0x3f: {  	_ =	shalt  }
0x40: {  	_ =	shalt  }
0x41: {  	_ =	shalt  }
0x42: {  	_ =	shalt  }
0x43: {  	_ =	shalt  }
0x44: {  	_ =	shalt  }
0x45: {  	_ =	shalt  }
0x46: {  	_ =	shalt  }
0x47: {  	_ =	shalt  }
0x48: {  	_ =	shalt  }
0x49: {  	_ =	shalt  }
0x4a: {  	_ =	shalt  }
0x4b: {  	_ =	shalt  }
0x4c: {  	_ =	shalt  }
0x4d: {  	_ =	shalt  }
0x4e: {  	_ =	shalt  }
0x4f: {  	_ =	shalt  }
0x50: {  	_ =	shalt  }
0x51: {  	_ =	shalt  }
0x52: {  	_ =	shalt  }
0x53: {  	_ =	shalt  }
0x54: {  	_ =	shalt  }
0x55: {  	_ =	shalt  }
0x56: {  	_ =	shalt  }
0x57: {  	_ =	shalt  }
0x58: {  	_ =	shalt  }
0x59: {  	_ =	shalt  }
0x5a: {  	_ =	shalt  }
0x5b: {  	_ =	shalt  }
0x5c: {  	_ =	shalt  }
0x5d: {  	_ =	shalt  }
0x5e: {  	_ =	shalt  }
0x5f: {  	_ =	shalt  }
0x60: {  	_ =	shalt  }
0x61: {  	_ =	shalt  }
0x62: {  	_ =	shalt  }
0x63: {  	_ =	shalt  }
0x64: {  	_ =	shalt  }
0x65: {  	_ =	shalt  }
0x66: {  	_ =	shalt  }
0x67: {  	_ =	shalt  }
0x68: {  	_ =	shalt  }
0x69: {  	_ =	shalt  }
0x6a: {  	_ =	shalt  }
0x6b: {  	_ =	shalt  }
0x6c: {  	_ =	shalt  }
0x6d: {  	_ =	shalt  }
0x6e: {  	_ =	shalt  }
0x6f: {  	_ =	shalt  }
0x70: {  	_ =	shalt  }
0x71: {  	_ =	shalt  }
0x72: {  	_ =	shalt  }
0x73: {  	_ =	shalt  }
0x74: {  	_ =	shalt  }
0x75: {  	_ =	shalt  }
0x76: {  	_ =	shalt  }
0x77: {  	_ =	shalt  }
0x78: {  	_ =	shalt  }
0x79: {  	_ =	shalt  }
0x7a: {  	_ =	shalt  }
0x7b: {  	_ =	shalt  }
0x7c: {  	_ =	shalt  }
0x7d: {  	_ =	shalt  }
0x7e: {  	_ =	shalt  }
0x7f: {  	_ =	shalt  }
0x80: {  	_ =	shalt  }
0x81: {  	_ =	shalt  }
0x82: {  	_ =	shalt  }
0x83: {  	_ =	shalt  }
0x84: {  	_ =	shalt  }
0x85: {  	_ =	shalt  }
0x86: {  	_ =	shalt  }
0x87: {  	_ =	shalt  }
.Lfunc_end0:
.L_simem_size_0:
called_computation.1_lowered:
.L_overlay_start_0:
0x88: {  	s2 =	sld [smem:$0x3FD9]  }
0x89: {  	s3 =	sld [smem:$0x3FFE];
	_ =	sdelay $0x1  }
0x8a: {  	s1 =	srdreg.scid  }
0x8b: {  	s0 =	sand.u32 $0x1, s1  }
0x8c: {  	s16 =	sshll.u32 s0, $0xA;
	s2 =	sadd.s32 s3, s2  }
0x8d: {  	s2 =	sadd.s32 s2, s16  }
0x8e: {  	[smem:$0x3FBC] =	sst s2  }
0x8f: {  	_ = 	snop  }
0x90: {  	(tm) =	ssettm $0x1  }
0x91: {  	s17 =	sld [smem:$0x3FFB];
	_ =	sdelay $0x3  }
0x92: {  	_ =	strace s17  }
0x93: {  	s2 =	sld [smem:$0x3FFC];
	_ =	sdelay $0x3  }
0x94: {  	_ =	strace s2  }
0x95: {  	s2 =	sld [smem:$0x3FFD];
	_ =	sdelay $0x3  }
0x96: {  	_ =	strace s2  }
0x97: {  	_ =	strace $0x8FFFFFFF  }
0x98: {  	s18 =	sld [smem:$0x3FDB];
	_ =	sdelay $0x1  }
0x99: {  	s19 =	simm.s32 $_scs_section_size  }
0x9a: {  	s4 =	simm.s32 $_size__tile_overlayer_lowered;
	s5 =	simm.s32 $_tile_overlayer_lowered  }
0x9b: {  	s22 =	simm.s32 $0x1BFF;
	s21 =	sshll.u32 s5, $0x1;
	s2 =	sadd.s32 s19, s18  }
0x9c: {  	s6 =	simm.s32 $0x0;
	s20 =	sshll.u32 s4, $0x1;
	s4 =	sadd.s32 s21, s2  }
0x9d: {  	[timem:s6], [sflag:s22] =	dma.local [hbm:s4], s20  }
0x9e: {  	_ =	swait.ge [sflag:s22], s20  }
0x9f: {  	s3 =	ssub.s32 $0x0, s20;
	[sflag:s22] =	ssyncset.done $0x0  }
0xa0: {  	[sflag:s22] =	ssyncadd.s32 s3;
	_ =	sdelay $0x1  }
0xa1: {  	s23 =	simm.s32 $0x1B8B  }
0xa2: {  	_ =	swait.ge [sflag:s23], $0x1  }
0xa3: {  	[sflag:s23] =	ssyncset.done $0x0  }
0xa4: {  	s25 =	simm.s32 $0x1B8E;
	s24 =	sld [smem:$0x3FFE];
	[sflag:s23] =	ssyncadd.s32 $0xFFFFFFFF  }
0xa5: {  	s26 =	simm.s32 $execute0_lowered;
	[smem:$0x3FD2] =	sst s25  }
0xa6: {  	s4 =	sshll.u32 s26, $0x1;
	_ =	strace $0x80000049;
	[dreg:$0x1] =	wrdreg $0xFFFFFFFF  }
0xa7: {  	s28 =	simm.s32 $_size_execute0_lowered;
	s2 =	sadd.s32 s2, s4;
	[dreg:$0x0] =	wrdreg $0x0  }
0xa8: {  	s4 =	sshll.u32 s28, $0x1;
	[dreg:$0x2] =	wrdreg s2  }
0xa9: {  	[dreg:$0x3] =	wrdreg s4  }
0xaa: {  	[dreg:$0x4] =	wrdreg $0xC0  }
0xab: {  	_ =	task [dreg:s6], $0x5FFFF  }
0xac: {  	[dreg:$0x1] =	wrdreg $0xFFFFFFFF  }
0xad: {  	[dreg:$0x0] =	wrdreg $0x60  }
0xae: {  	[dreg:$0x2] =	wrdreg s24  }
0xaf: {  	[dreg:$0x3] =	wrdreg $0xA8000  }
0xb0: {  	[dreg:$0x4] =	wrdreg $0x9  }
0xb1: {  	_ =	task.clear_ibuf [dreg:s6], $0x5FFFF;
	_ =	strace $0x90000049  }
0xb2: {  	s29 =	simm.s32 $0x9;
	_ =	strace $0x8000004B  }
0xb3: {  	_ =	swait.ge [sflag:s29], $0x1  }
0xb4: {  	[sflag:s29] =	ssyncadd.s32 $0xFFFFFFFF  }
0xb5: {  	_ =	strace $0x9000004B  }
0xb6: {  	_ =	sfence  }
0xb7: {  	s30 =	sld [smem:$0x0];
	_ =	sdelay $0x2  }
0xb8: {  	s31 =	sshll.u32 s1, $0xD;
	s1 =	sshrl.u32 s1, $0x2  }
0xb9: {  	s3 =	sand.u32 $0x4000, s31;
	s1 =	sadd.s32 s1, s30  }
0xba: {  	s0 =	sor.u32 s3, s0;
	s1 =	sshll.u32 s1, $0x11  }
0xbb: {  	s0 =	sor.u32 s1, s0  }
0xbc: {  	s0 =	sadd.s32 $0x8F2B, s0  }
0xbd: {  	[sflag:s0] =	ssyncadd.remote.s32 $0x1  }
0xbe: {  	_ =	sfence.sel $0xFFFF  }
0xbf: {  	[dreg:$0x0] =	wrdreg $0xFFFFFFFF;
	(pc) =	sbr.abs _section_cstart, $3  }
0xc0: {  	[dreg:$0x1] =	wrdreg $0xFFFFFFFF  }
0xc1: {  	_ =	task.clear_ibuf [dreg:s6], $0x2FFFF;
	_ =	strace $0x9FFFFFFF  }
0xc2: {  	(tm) =	ssettm $0x7FFFFFFF  }
0xc3: {  	_ =	shalt  }
tec
execute0_lowered:
.L_overlay_start_1:
0x0: {  	(tag) =	ssettag $0x1  }
0x1: {  	s0 =	srdreg.scid;
	s8 =	rddreg [dreg:$0x0]  }
0x2: {  	s2 =	rddreg [dreg:$0x1];
	s24 =	stileid.u32;
	s3 =	simm.s32 $0x0  }
0x3: {  	s16 =	simm.s32 $0x3;
	s20 =	simm.s32 $0x80;
	s21 =	simm.s32 $0x2800  }
0x4: {  	s22 =	simm.s32 $0x6800;
	s23 =	simm.s32 $0x1;
	s28 =	simm.s32 $0x2780  }
0x5: {  	s29 =	simm.s32 $0x0;
	s9 =	sand.u32 $0x1, s0;
	[smem:$0x7FF] =	sst s3  }
0x6: {  	s11 =	smul.u32 $0x14000, s24;
	s5 =	sadd.s32 $0x2C200, s8;
	s6 =	sadd.s32 $0x176200, s8  }
0x7: {  	s7 =	sadd.s32 $0x19E200, s8;
	s30 =	smul.u32 $0x50000, s24;
	s18 =	sshll.u32 s24, $0x6  }
0x8: {  	s4 =	sshll.u32 s9, $0x4;
	_ =	strace $0x8000004A;
	s12 =	smul.u32 $0x500000, s9  }
0x9: {  	s9 =	ssub.s32 $0x2, s9;
	s18 =	sor.u32 $0x1C03, s18;
	s4 =	sor.u32 s24, s4  }
0xa: {  	s13 =	sshrl.u32 s11, $0x3;
	s26 =	sshrl.u32 s9, $0x1;
	s31 =	sshrl.u32 s30, $0x2  }
0xb: {  	s24 =	simm.s32 $0x2;
	s10 =	smul.u32 $0x280, s4;
	s4 =	sadd.s32 $0x4200, s8  }
0xc: {  	s11 =	sadd.s32 s11, s12;
	s25 =	sadd.s32 s13, s8;
	s15 =	ssub.s32 s9, s26  }
0xd: {  	s19 =	sadd.s32 s31, s2;
	s26 =	simm.s32 $0x2700;
	s11 =	sshrl.u32 s11, $0x3  }
0xe: {  	s15 =	smax.u32 s15, $0x1;
	s10 =	sadd.s32 s10, s8;
	s14 =	sadd.s32 s11, s8  }
0xf: {  	s8 =	sadd.s32 $0x59200, s10;
	s9 =	sadd.s32 $0x54200, s10;
	s11 =	sadd.s32 $0x1C6200, s14  }
0x10: {  	s19 =	sshrl.u32 s19, $0x3;
	s12 =	sadd.s32 $0x1EE200, s14;
	s13 =	sadd.s32 $0x216200, s14  }
0x11: {  	s10 =	sadd.s32 $0x5E200, s25;
	s14 =	sadd.s32 $0x23E200, s14;
	s25 =	simm.s32 $0x1380  }
.LBB2_1:
0x12: {  	[tilespmem:s3], [sflag:$0x3] =	stream.linear.gather [hbm4b:s8+s3], $0x1400, $0x38;
	[tilespmem:$0x1E800] =	vst v63  }
0x13: {  	_ =	swait.ge [sflag:s16], $0x1400  }
0x14: {  	[sflag:s16] =	ssyncset.done $0x0  }
0x15: {  	s0 =	simm.s32 $0x1400;
	[sflag:s16] =	ssyncadd.s32 $0xFFFFEC00  }
0x16: {  	[tilespmem:s0], [sflag:$0x3] =	stream.linear.gather [hbm4b:s9+s3], $0x1400, $0x38;
	[tilespmem:$0x1E800] =	vst v63  }
0x17: {  	_ =	swait.ge [sflag:s16], $0x1400  }
0x18: {  	[sflag:s16] =	ssyncset.done $0x0  }
0x19: {  	[sflag:s16] =	ssyncadd.s32 $0xFFFFEC00  }
0x1a: {  	[spmem:s19], [sflag:s18] =	dma.local [hbm:s10], $0x2800  }
0x1b: {  	_ =	swait.ge [sflag:s16], $0x2800  }
0x1c: {  	[sflag:s16] =	ssyncset.done $0x0  }
0x1d: {  	[sflag:s16] =	ssyncadd.s32 $0xFFFFD800  }
0x1e: {  	[bflag:$0x0] =	sbarrier.arrive $0xFFFF  }
0x1f: {  	[tilespmem:s21], [sflag:$0x1] =	stream.indirect.gather [hbm4b:s4+s20], $0x80, s3, s20, $0xb8;
	[tilespmem:$0x1E800] =	vst v63  }
0x20: {  	s30 =	simm.s32 $0x80  }
0x21: {  	[tilespmem:s22], [sflag:$0x2] =	stream.indirect.gather [hbm4b:s4+s20], $0x80, s30, s20, $0xb8;
	[tilespmem:$0x1E800] =	vst v63  }
0x22: {  	_ =	swait.ge [sflag:s23], $0x4000  }
0x23: {  	[sflag:s23] =	ssyncset.done $0x0  }
0x24: {  	s30 =	simm.s32 $0x1400;
	[sflag:s23] =	ssyncadd.s32 $0xFFFFC000  }
0x25: {  	[spmem:s2] =	stream.indirect.scatter.add.f32 [tilespmem:s21], [sflag:$0x3], $0x80, s30, s20, $0xb8;
	[tilespmem:$0x1E800] =	vst v63  }
0x26: {  	_ =	swait.ge [sflag:s16], $0x4000  }
0x27: {  	[sflag:s16] =	ssyncset.done $0x0  }
0x28: {  	s30 =	simm.s32 $0x100;
	[sflag:s16] =	ssyncadd.s32 $0xFFFFC000  }
0x29: {  	[tilespmem:s21], [sflag:$0x1] =	stream.indirect.gather [hbm4b:s4+s20], $0x80, s30, s20, $0xb8;
	[tilespmem:$0x1E800] =	vst v63  }
0x2a: {  	_ =	swait.ge [sflag:s24], $0x4000  }
0x2b: {  	[sflag:s24] =	ssyncset.done $0x0  }
0x2c: {  	s30 =	simm.s32 $0x1480;
	[sflag:s24] =	ssyncadd.s32 $0xFFFFC000  }
0x2d: {  	[spmem:s2] =	stream.indirect.scatter.add.f32 [tilespmem:s22], [sflag:$0x3], $0x80, s30, s20, $0xb8;
	[tilespmem:$0x1E800] =	vst v63  }
0x2e: {  	_ =	swait.ge [sflag:s16], $0x4000  }
0x2f: {  	s31 =	simm.s32 $0x800;
	s30 =	simm.s32 $0x100;
	[sflag:s16] =	ssyncset.done $0x0  }
.LBB2_2:
0x30: {  	s0 =	sadd.s32 $0x80, s30  }
0x31: {  	[sflag:s16] =	ssyncadd.s32 $0xFFFFC000;
	s1 =	smov.u32 s31;
	s17 =	sadd.s32 $0x400, s31  }
0x32: {  	[tilespmem:s22], [sflag:$0x2] =	stream.indirect.gather [hbm4b:s4+s20], $0x80, s0, s20, $0xb8;
	[tilespmem:$0x1E800] =	vst v63  }
0x33: {  	p0 =	sne.s32 s31, $0x4800;
	_ =	swait.ge [sflag:s23], $0x4000  }
0x34: {  	[sflag:s23] =	ssyncset.done $0x0  }
0x35: {  	s0 =	sadd.s32 $0x1400, s30;
	[sflag:s23] =	ssyncadd.s32 $0xFFFFC000  }
0x36: {  	[spmem:s2] =	stream.indirect.scatter.add.f32 [tilespmem:s21], [sflag:$0x3], $0x80, s0, s20, $0xb8;
	[tilespmem:$0x1E800] =	vst v63  }
0x37: {  	_ =	swait.ge [sflag:s16], $0x4000  }
0x38: {  	[sflag:s16] =	ssyncset.done $0x0  }
0x39: {  	s0 =	sadd.s32 $0x100, s30;
	[sflag:s16] =	ssyncadd.s32 $0xFFFFC000  }
0x3a: {  	[tilespmem:s21], [sflag:$0x1] =	stream.indirect.gather [hbm4b:s4+s20], $0x80, s0, s20, $0xb8;
	[tilespmem:$0x1E800] =	vst v63  }
0x3b: {  	_ =	swait.ge [sflag:s24], $0x4000  }
.Ltmp0:
0x3c: {  	[sflag:s24] =	ssyncset.done $0x0;
	(pc) =	sbr.rel @p0 .LBB2_2-.Ltmp0, $4  }
0x3d: {  	s0 =	sadd.s32 $0x1480, s30;
	[sflag:s24] =	ssyncadd.s32 $0xFFFFC000  }
0x3e: {  	[spmem:s2] =	stream.indirect.scatter.add.f32 [tilespmem:s22], [sflag:$0x3], $0x80, s0, s20, $0xb8;
	[tilespmem:$0x1E800] =	vst v63  }
0x3f: {  	_ =	swait.ge [sflag:s16], $0x4000  }
0x40: {  	s31 =	smov.u32 s17;
	s30 =	sshra.s32 s1, $0x2;
	[sflag:s16] =	ssyncset.done $0x0  }
0x41: {  	s0 =	sadd.s32 $0x80, s30;
	[sflag:s16] =	ssyncadd.s32 $0xFFFFC000  }
0x42: {  	[tilespmem:s22], [sflag:$0x2] =	stream.indirect.gather [hbm4b:s4+s20], $0x80, s0, s20, $0xb8;
	[tilespmem:$0x1E800] =	vst v63  }
0x43: {  	_ =	swait.ge [sflag:s23], $0x4000  }
0x44: {  	[sflag:s23] =	ssyncset.done $0x0  }
0x45: {  	s1 =	sadd.s32 $0x1400, s30;
	[sflag:s23] =	ssyncadd.s32 $0xFFFFC000  }
0x46: {  	[spmem:s2] =	stream.indirect.scatter.add.f32 [tilespmem:s21], [sflag:$0x3], $0x80, s1, s20, $0xb8;
	[tilespmem:$0x1E800] =	vst v63  }
0x47: {  	_ =	swait.ge [sflag:s16], $0x4000  }
0x48: {  	[sflag:s16] =	ssyncset.done $0x0  }
0x49: {  	s17 =	sadd.s32 $0x100, s30;
	[sflag:s16] =	ssyncadd.s32 $0xFFFFC000  }
0x4a: {  	[tilespmem:s21], [sflag:$0x1] =	stream.indirect.gather [hbm4b:s4+s20], $0x80, s17, s20, $0xb8;
	[tilespmem:$0x1E800] =	vst v63  }
0x4b: {  	_ =	swait.ge [sflag:s24], $0x4000  }
0x4c: {  	[sflag:s24] =	ssyncset.done $0x0  }
0x4d: {  	s1 =	sadd.s32 $0x1480, s30;
	[sflag:s24] =	ssyncadd.s32 $0xFFFFC000  }
0x4e: {  	[spmem:s2] =	stream.indirect.scatter.add.f32 [tilespmem:s22], [sflag:$0x3], $0x80, s1, s20, $0xb8;
	[tilespmem:$0x1E800] =	vst v63  }
0x4f: {  	_ =	swait.ge [sflag:s16], $0x4000  }
0x50: {  	[sflag:s16] =	ssyncset.done $0x0  }
0x51: {  	[sflag:s16] =	ssyncadd.s32 $0xFFFFC000  }
0x52: {  	[tilespmem:s22], [sflag:$0x2] =	stream.indirect.gather [hbm4b:s4+s20], $0x80, s25, s20, $0xb8;
	[tilespmem:$0x1E800] =	vst v63  }
0x53: {  	_ =	swait.ge [sflag:s23], $0x4000  }
0x54: {  	[sflag:s23] =	ssyncset.done $0x0  }
0x55: {  	[sflag:s23] =	ssyncadd.s32 $0xFFFFC000  }
0x56: {  	[spmem:s2] =	stream.indirect.scatter.add.f32 [tilespmem:s21], [sflag:$0x3], $0x80, s26, s20, $0xb8;
	[tilespmem:$0x1E800] =	vst v63  }
0x57: {  	_ =	swait.ge [sflag:s16], $0x4000  }
0x58: {  	[sflag:s16] =	ssyncset.done $0x0  }
0x59: {  	[sflag:s16] =	ssyncadd.s32 $0xFFFFC000  }
0x5a: {  	_ =	swait.ge [sflag:s24], $0x4000  }
0x5b: {  	[sflag:s24] =	ssyncset.done $0x0  }
0x5c: {  	[sflag:s24] =	ssyncadd.s32 $0xFFFFC000  }
0x5d: {  	[spmem:s2] =	stream.indirect.scatter.add.f32 [tilespmem:s22], [sflag:$0x3], $0x80, s28, s20, $0xb8;
	[tilespmem:$0x1E800] =	vst v63  }
0x5e: {  	_ =	swait.ge [sflag:s16], $0x4000  }
0x5f: {  	[sflag:s16] =	ssyncset.done $0x0  }
0x60: {  	[sflag:s16] =	ssyncadd.s32 $0xFFFFC000  }
0x61: {  	[bflag:$0x0] =	sbarrier.arrive $0xFFFF  }
0x62: {  	[hbm:s11], [sflag:s18] =	dma.local [spmem:s19], $0x2800  }
0x63: {  	_ =	swait.ge [sflag:s16], $0x2800  }
0x64: {  	[sflag:s16] =	ssyncset.done $0x0  }
0x65: {  	[sflag:s16] =	ssyncadd.s32 $0xFFFFD800  }
0x66: {  	[spmem:s19], [sflag:s18] =	dma.local [hbm:s10], $0x2800  }
0x67: {  	_ =	swait.ge [sflag:s16], $0x2800  }
0x68: {  	[sflag:s16] =	ssyncset.done $0x0  }
0x69: {  	[sflag:s16] =	ssyncadd.s32 $0xFFFFD800  }
0x6a: {  	s17 =	simm.s32 $0x0;
	[bflag:$0x0] =	sbarrier.arrive $0xFFFF  }
0x6b: {  	[tilespmem:s21], [sflag:$0x1] =	stream.indirect.gather [hbm4b:s5+s20], $0x80, s17, s20, $0xb8;
	[tilespmem:$0x1E800] =	vst v63  }
0x6c: {  	s1 =	simm.s32 $0x80  }
0x6d: {  	[tilespmem:s22], [sflag:$0x2] =	stream.indirect.gather [hbm4b:s5+s20], $0x80, s1, s20, $0xb8;
	[tilespmem:$0x1E800] =	vst v63  }
0x6e: {  	_ =	swait.ge [sflag:s23], $0x4000  }
0x6f: {  	[sflag:s23] =	ssyncset.done $0x0  }
0x70: {  	s17 =	simm.s32 $0x1400;
	[sflag:s23] =	ssyncadd.s32 $0xFFFFC000  }
0x71: {  	[spmem:s2] =	stream.indirect.scatter.add.f32 [tilespmem:s21], [sflag:$0x3], $0x80, s17, s20, $0xb8;
	[tilespmem:$0x1E800] =	vst v63  }
0x72: {  	_ =	swait.ge [sflag:s16], $0x4000  }
0x73: {  	[sflag:s16] =	ssyncset.done $0x0  }
0x74: {  	s1 =	simm.s32 $0x100;
	[sflag:s16] =	ssyncadd.s32 $0xFFFFC000  }
0x75: {  	[tilespmem:s21], [sflag:$0x1] =	stream.indirect.gather [hbm4b:s5+s20], $0x80, s1, s20, $0xb8;
	[tilespmem:$0x1E800] =	vst v63  }
0x76: {  	_ =	swait.ge [sflag:s24], $0x4000  }
0x77: {  	[sflag:s24] =	ssyncset.done $0x0  }
0x78: {  	s17 =	simm.s32 $0x1480;
	[sflag:s24] =	ssyncadd.s32 $0xFFFFC000  }
0x79: {  	[spmem:s2] =	stream.indirect.scatter.add.f32 [tilespmem:s22], [sflag:$0x3], $0x80, s17, s20, $0xb8;
	[tilespmem:$0x1E800] =	vst v63  }
0x7a: {  	_ =	swait.ge [sflag:s16], $0x4000  }
0x7b: {  	s31 =	simm.s32 $0x800;
	s30 =	simm.s32 $0x100;
	[sflag:s16] =	ssyncset.done $0x0  }
.LBB2_4:
0x7c: {  	s0 =	sadd.s32 $0x80, s30  }
0x7d: {  	[sflag:s16] =	ssyncadd.s32 $0xFFFFC000;
	s1 =	smov.u32 s31;
	s17 =	sadd.s32 $0x400, s31  }
0x7e: {  	[tilespmem:s22], [sflag:$0x2] =	stream.indirect.gather [hbm4b:s5+s20], $0x80, s0, s20, $0xb8;
	[tilespmem:$0x1E800] =	vst v63  }
0x7f: {  	p0 =	sne.s32 s31, $0x4800;
	_ =	swait.ge [sflag:s23], $0x4000  }
0x80: {  	[sflag:s23] =	ssyncset.done $0x0  }
0x81: {  	s0 =	sadd.s32 $0x1400, s30;
	[sflag:s23] =	ssyncadd.s32 $0xFFFFC000  }
0x82: {  	[spmem:s2] =	stream.indirect.scatter.add.f32 [tilespmem:s21], [sflag:$0x3], $0x80, s0, s20, $0xb8;
	[tilespmem:$0x1E800] =	vst v63  }
0x83: {  	_ =	swait.ge [sflag:s16], $0x4000  }
0x84: {  	[sflag:s16] =	ssyncset.done $0x0  }
0x85: {  	s0 =	sadd.s32 $0x100, s30;
	[sflag:s16] =	ssyncadd.s32 $0xFFFFC000  }
0x86: {  	[tilespmem:s21], [sflag:$0x1] =	stream.indirect.gather [hbm4b:s5+s20], $0x80, s0, s20, $0xb8;
	[tilespmem:$0x1E800] =	vst v63  }
0x87: {  	_ =	swait.ge [sflag:s24], $0x4000  }
.Ltmp1:
0x88: {  	[sflag:s24] =	ssyncset.done $0x0;
	(pc) =	sbr.rel @p0 .LBB2_4-.Ltmp1, $4  }
0x89: {  	s0 =	sadd.s32 $0x1480, s30;
	[sflag:s24] =	ssyncadd.s32 $0xFFFFC000  }
0x8a: {  	[spmem:s2] =	stream.indirect.scatter.add.f32 [tilespmem:s22], [sflag:$0x3], $0x80, s0, s20, $0xb8;
	[tilespmem:$0x1E800] =	vst v63  }
0x8b: {  	_ =	swait.ge [sflag:s16], $0x4000  }
0x8c: {  	s31 =	smov.u32 s17;
	s30 =	sshra.s32 s1, $0x2;
	[sflag:s16] =	ssyncset.done $0x0  }
0x8d: {  	s0 =	sadd.s32 $0x80, s30;
	[sflag:s16] =	ssyncadd.s32 $0xFFFFC000  }
0x8e: {  	[tilespmem:s22], [sflag:$0x2] =	stream.indirect.gather [hbm4b:s5+s20], $0x80, s0, s20, $0xb8;
	[tilespmem:$0x1E800] =	vst v63  }
0x8f: {  	_ =	swait.ge [sflag:s23], $0x4000  }
0x90: {  	[sflag:s23] =	ssyncset.done $0x0  }
0x91: {  	s1 =	sadd.s32 $0x1400, s30;
	[sflag:s23] =	ssyncadd.s32 $0xFFFFC000  }
0x92: {  	[spmem:s2] =	stream.indirect.scatter.add.f32 [tilespmem:s21], [sflag:$0x3], $0x80, s1, s20, $0xb8;
	[tilespmem:$0x1E800] =	vst v63  }
0x93: {  	_ =	swait.ge [sflag:s16], $0x4000  }
0x94: {  	[sflag:s16] =	ssyncset.done $0x0  }
0x95: {  	s17 =	sadd.s32 $0x100, s30;
	[sflag:s16] =	ssyncadd.s32 $0xFFFFC000  }
0x96: {  	[tilespmem:s21], [sflag:$0x1] =	stream.indirect.gather [hbm4b:s5+s20], $0x80, s17, s20, $0xb8;
	[tilespmem:$0x1E800] =	vst v63  }
0x97: {  	_ =	swait.ge [sflag:s24], $0x4000  }
0x98: {  	[sflag:s24] =	ssyncset.done $0x0  }
0x99: {  	s1 =	sadd.s32 $0x1480, s30;
	[sflag:s24] =	ssyncadd.s32 $0xFFFFC000  }
0x9a: {  	[spmem:s2] =	stream.indirect.scatter.add.f32 [tilespmem:s22], [sflag:$0x3], $0x80, s1, s20, $0xb8;
	[tilespmem:$0x1E800] =	vst v63  }
0x9b: {  	_ =	swait.ge [sflag:s16], $0x4000  }
0x9c: {  	[sflag:s16] =	ssyncset.done $0x0  }
0x9d: {  	[sflag:s16] =	ssyncadd.s32 $0xFFFFC000  }
0x9e: {  	[tilespmem:s22], [sflag:$0x2] =	stream.indirect.gather [hbm4b:s5+s20], $0x80, s25, s20, $0xb8;
	[tilespmem:$0x1E800] =	vst v63  }
0x9f: {  	_ =	swait.ge [sflag:s23], $0x4000  }
0xa0: {  	[sflag:s23] =	ssyncset.done $0x0  }
0xa1: {  	[sflag:s23] =	ssyncadd.s32 $0xFFFFC000  }
0xa2: {  	[spmem:s2] =	stream.indirect.scatter.add.f32 [tilespmem:s21], [sflag:$0x3], $0x80, s26, s20, $0xb8;
	[tilespmem:$0x1E800] =	vst v63  }
0xa3: {  	_ =	swait.ge [sflag:s16], $0x4000  }
0xa4: {  	[sflag:s16] =	ssyncset.done $0x0  }
0xa5: {  	[sflag:s16] =	ssyncadd.s32 $0xFFFFC000  }
0xa6: {  	_ =	swait.ge [sflag:s24], $0x4000  }
0xa7: {  	[sflag:s24] =	ssyncset.done $0x0  }
0xa8: {  	[sflag:s24] =	ssyncadd.s32 $0xFFFFC000  }
0xa9: {  	[spmem:s2] =	stream.indirect.scatter.add.f32 [tilespmem:s22], [sflag:$0x3], $0x80, s28, s20, $0xb8;
	[tilespmem:$0x1E800] =	vst v63  }
0xaa: {  	_ =	swait.ge [sflag:s16], $0x4000  }
0xab: {  	[sflag:s16] =	ssyncset.done $0x0  }
0xac: {  	[sflag:s16] =	ssyncadd.s32 $0xFFFFC000  }
0xad: {  	[bflag:$0x0] =	sbarrier.arrive $0xFFFF  }
0xae: {  	[hbm:s12], [sflag:s18] =	dma.local [spmem:s19], $0x2800  }
0xaf: {  	_ =	swait.ge [sflag:s16], $0x2800  }
0xb0: {  	[sflag:s16] =	ssyncset.done $0x0  }
0xb1: {  	[sflag:s16] =	ssyncadd.s32 $0xFFFFD800  }
0xb2: {  	[spmem:s19], [sflag:s18] =	dma.local [hbm:s10], $0x2800  }
0xb3: {  	_ =	swait.ge [sflag:s16], $0x2800  }
0xb4: {  	[sflag:s16] =	ssyncset.done $0x0  }
0xb5: {  	[sflag:s16] =	ssyncadd.s32 $0xFFFFD800  }
0xb6: {  	s17 =	simm.s32 $0x0;
	[bflag:$0x0] =	sbarrier.arrive $0xFFFF  }
0xb7: {  	[tilespmem:s21], [sflag:$0x1] =	stream.indirect.gather [hbm4b:s6+s20], $0x80, s17, s20, $0xb8;
	[tilespmem:$0x1E800] =	vst v63  }
0xb8: {  	s1 =	simm.s32 $0x80  }
0xb9: {  	[tilespmem:s22], [sflag:$0x2] =	stream.indirect.gather [hbm4b:s6+s20], $0x80, s1, s20, $0xb8;
	[tilespmem:$0x1E800] =	vst v63  }
0xba: {  	_ =	swait.ge [sflag:s23], $0x4000  }
0xbb: {  	[sflag:s23] =	ssyncset.done $0x0  }
0xbc: {  	s17 =	simm.s32 $0x1400;
	[sflag:s23] =	ssyncadd.s32 $0xFFFFC000  }
0xbd: {  	[spmem:s2] =	stream.indirect.scatter.add.f32 [tilespmem:s21], [sflag:$0x3], $0x80, s17, s20, $0xb8;
	[tilespmem:$0x1E800] =	vst v63  }
0xbe: {  	_ =	swait.ge [sflag:s16], $0x4000  }
0xbf: {  	[sflag:s16] =	ssyncset.done $0x0  }
0xc0: {  	s1 =	simm.s32 $0x100;
	[sflag:s16] =	ssyncadd.s32 $0xFFFFC000  }
0xc1: {  	[tilespmem:s21], [sflag:$0x1] =	stream.indirect.gather [hbm4b:s6+s20], $0x80, s1, s20, $0xb8;
	[tilespmem:$0x1E800] =	vst v63  }
0xc2: {  	_ =	swait.ge [sflag:s24], $0x4000  }
0xc3: {  	[sflag:s24] =	ssyncset.done $0x0  }
0xc4: {  	s17 =	simm.s32 $0x1480;
	[sflag:s24] =	ssyncadd.s32 $0xFFFFC000  }
0xc5: {  	[spmem:s2] =	stream.indirect.scatter.add.f32 [tilespmem:s22], [sflag:$0x3], $0x80, s17, s20, $0xb8;
	[tilespmem:$0x1E800] =	vst v63  }
0xc6: {  	_ =	swait.ge [sflag:s16], $0x4000  }
0xc7: {  	s31 =	simm.s32 $0x800;
	s30 =	simm.s32 $0x100;
	[sflag:s16] =	ssyncset.done $0x0  }
.LBB2_6:
0xc8: {  	s0 =	sadd.s32 $0x80, s30  }
0xc9: {  	[sflag:s16] =	ssyncadd.s32 $0xFFFFC000;
	s1 =	smov.u32 s31;
	s17 =	sadd.s32 $0x400, s31  }
0xca: {  	[tilespmem:s22], [sflag:$0x2] =	stream.indirect.gather [hbm4b:s6+s20], $0x80, s0, s20, $0xb8;
	[tilespmem:$0x1E800] =	vst v63  }
0xcb: {  	p0 =	sne.s32 s31, $0x4800;
	_ =	swait.ge [sflag:s23], $0x4000  }
0xcc: {  	[sflag:s23] =	ssyncset.done $0x0  }
0xcd: {  	s0 =	sadd.s32 $0x1400, s30;
	[sflag:s23] =	ssyncadd.s32 $0xFFFFC000  }
0xce: {  	[spmem:s2] =	stream.indirect.scatter.add.f32 [tilespmem:s21], [sflag:$0x3], $0x80, s0, s20, $0xb8;
	[tilespmem:$0x1E800] =	vst v63  }
0xcf: {  	_ =	swait.ge [sflag:s16], $0x4000  }
0xd0: {  	[sflag:s16] =	ssyncset.done $0x0  }
0xd1: {  	s0 =	sadd.s32 $0x100, s30;
	[sflag:s16] =	ssyncadd.s32 $0xFFFFC000  }
0xd2: {  	[tilespmem:s21], [sflag:$0x1] =	stream.indirect.gather [hbm4b:s6+s20], $0x80, s0, s20, $0xb8;
	[tilespmem:$0x1E800] =	vst v63  }
0xd3: {  	_ =	swait.ge [sflag:s24], $0x4000  }
.Ltmp2:
0xd4: {  	[sflag:s24] =	ssyncset.done $0x0;
	(pc) =	sbr.rel @p0 .LBB2_6-.Ltmp2, $4  }
0xd5: {  	s0 =	sadd.s32 $0x1480, s30;
	[sflag:s24] =	ssyncadd.s32 $0xFFFFC000  }
0xd6: {  	[spmem:s2] =	stream.indirect.scatter.add.f32 [tilespmem:s22], [sflag:$0x3], $0x80, s0, s20, $0xb8;
	[tilespmem:$0x1E800] =	vst v63  }
0xd7: {  	_ =	swait.ge [sflag:s16], $0x4000  }
0xd8: {  	s31 =	smov.u32 s17;
	s30 =	sshra.s32 s1, $0x2;
	[sflag:s16] =	ssyncset.done $0x0  }
0xd9: {  	s0 =	sadd.s32 $0x80, s30;
	[sflag:s16] =	ssyncadd.s32 $0xFFFFC000  }
0xda: {  	[tilespmem:s22], [sflag:$0x2] =	stream.indirect.gather [hbm4b:s6+s20], $0x80, s0, s20, $0xb8;
	[tilespmem:$0x1E800] =	vst v63  }
0xdb: {  	_ =	swait.ge [sflag:s23], $0x4000  }
0xdc: {  	[sflag:s23] =	ssyncset.done $0x0  }
0xdd: {  	s1 =	sadd.s32 $0x1400, s30;
	[sflag:s23] =	ssyncadd.s32 $0xFFFFC000  }
0xde: {  	[spmem:s2] =	stream.indirect.scatter.add.f32 [tilespmem:s21], [sflag:$0x3], $0x80, s1, s20, $0xb8;
	[tilespmem:$0x1E800] =	vst v63  }
0xdf: {  	_ =	swait.ge [sflag:s16], $0x4000  }
0xe0: {  	[sflag:s16] =	ssyncset.done $0x0  }
0xe1: {  	s17 =	sadd.s32 $0x100, s30;
	[sflag:s16] =	ssyncadd.s32 $0xFFFFC000  }
0xe2: {  	[tilespmem:s21], [sflag:$0x1] =	stream.indirect.gather [hbm4b:s6+s20], $0x80, s17, s20, $0xb8;
	[tilespmem:$0x1E800] =	vst v63  }
0xe3: {  	_ =	swait.ge [sflag:s24], $0x4000  }
0xe4: {  	[sflag:s24] =	ssyncset.done $0x0  }
0xe5: {  	s1 =	sadd.s32 $0x1480, s30;
	[sflag:s24] =	ssyncadd.s32 $0xFFFFC000  }
0xe6: {  	[spmem:s2] =	stream.indirect.scatter.add.f32 [tilespmem:s22], [sflag:$0x3], $0x80, s1, s20, $0xb8;
	[tilespmem:$0x1E800] =	vst v63  }
0xe7: {  	_ =	swait.ge [sflag:s16], $0x4000  }
0xe8: {  	[sflag:s16] =	ssyncset.done $0x0  }
0xe9: {  	[sflag:s16] =	ssyncadd.s32 $0xFFFFC000  }
0xea: {  	[tilespmem:s22], [sflag:$0x2] =	stream.indirect.gather [hbm4b:s6+s20], $0x80, s25, s20, $0xb8;
	[tilespmem:$0x1E800] =	vst v63  }
0xeb: {  	_ =	swait.ge [sflag:s23], $0x4000  }
0xec: {  	[sflag:s23] =	ssyncset.done $0x0  }
0xed: {  	[sflag:s23] =	ssyncadd.s32 $0xFFFFC000  }
0xee: {  	[spmem:s2] =	stream.indirect.scatter.add.f32 [tilespmem:s21], [sflag:$0x3], $0x80, s26, s20, $0xb8;
	[tilespmem:$0x1E800] =	vst v63  }
0xef: {  	_ =	swait.ge [sflag:s16], $0x4000  }
0xf0: {  	[sflag:s16] =	ssyncset.done $0x0  }
0xf1: {  	[sflag:s16] =	ssyncadd.s32 $0xFFFFC000  }
0xf2: {  	_ =	swait.ge [sflag:s24], $0x4000  }
0xf3: {  	[sflag:s24] =	ssyncset.done $0x0  }
0xf4: {  	[sflag:s24] =	ssyncadd.s32 $0xFFFFC000  }
0xf5: {  	[spmem:s2] =	stream.indirect.scatter.add.f32 [tilespmem:s22], [sflag:$0x3], $0x80, s28, s20, $0xb8;
	[tilespmem:$0x1E800] =	vst v63  }
0xf6: {  	_ =	swait.ge [sflag:s16], $0x4000  }
0xf7: {  	[sflag:s16] =	ssyncset.done $0x0  }
0xf8: {  	[sflag:s16] =	ssyncadd.s32 $0xFFFFC000  }
0xf9: {  	[bflag:$0x0] =	sbarrier.arrive $0xFFFF  }
0xfa: {  	[hbm:s13], [sflag:s18] =	dma.local [spmem:s19], $0x2800  }
0xfb: {  	_ =	swait.ge [sflag:s16], $0x2800  }
0xfc: {  	[sflag:s16] =	ssyncset.done $0x0  }
0xfd: {  	[sflag:s16] =	ssyncadd.s32 $0xFFFFD800  }
0xfe: {  	[spmem:s19], [sflag:s18] =	dma.local [hbm:s10], $0x2800  }
0xff: {  	_ =	swait.ge [sflag:s16], $0x2800  }
0x100: {  	[sflag:s16] =	ssyncset.done $0x0  }
0x101: {  	[sflag:s16] =	ssyncadd.s32 $0xFFFFD800  }
0x102: {  	s17 =	simm.s32 $0x0;
	[bflag:$0x0] =	sbarrier.arrive $0xFFFF  }
0x103: {  	[tilespmem:s21], [sflag:$0x1] =	stream.indirect.gather [hbm4b:s7+s20], $0x80, s17, s20, $0xb8;
	[tilespmem:$0x1E800] =	vst v63  }
0x104: {  	s1 =	simm.s32 $0x80  }
0x105: {  	[tilespmem:s22], [sflag:$0x2] =	stream.indirect.gather [hbm4b:s7+s20], $0x80, s1, s20, $0xb8;
	[tilespmem:$0x1E800] =	vst v63  }
0x106: {  	_ =	swait.ge [sflag:s23], $0x4000  }
0x107: {  	[sflag:s23] =	ssyncset.done $0x0  }
0x108: {  	s17 =	simm.s32 $0x1400;
	[sflag:s23] =	ssyncadd.s32 $0xFFFFC000  }
0x109: {  	[spmem:s2] =	stream.indirect.scatter.add.f32 [tilespmem:s21], [sflag:$0x3], $0x80, s17, s20, $0xb8;
	[tilespmem:$0x1E800] =	vst v63  }
0x10a: {  	_ =	swait.ge [sflag:s16], $0x4000  }
0x10b: {  	[sflag:s16] =	ssyncset.done $0x0  }
0x10c: {  	s1 =	simm.s32 $0x100;
	[sflag:s16] =	ssyncadd.s32 $0xFFFFC000  }
0x10d: {  	[tilespmem:s21], [sflag:$0x1] =	stream.indirect.gather [hbm4b:s7+s20], $0x80, s1, s20, $0xb8;
	[tilespmem:$0x1E800] =	vst v63  }
0x10e: {  	_ =	swait.ge [sflag:s24], $0x4000  }
0x10f: {  	[sflag:s24] =	ssyncset.done $0x0  }
0x110: {  	s17 =	simm.s32 $0x1480;
	[sflag:s24] =	ssyncadd.s32 $0xFFFFC000  }
0x111: {  	[spmem:s2] =	stream.indirect.scatter.add.f32 [tilespmem:s22], [sflag:$0x3], $0x80, s17, s20, $0xb8;
	[tilespmem:$0x1E800] =	vst v63  }
0x112: {  	_ =	swait.ge [sflag:s16], $0x4000  }
0x113: {  	s31 =	simm.s32 $0x800;
	s30 =	simm.s32 $0x100;
	[sflag:s16] =	ssyncset.done $0x0  }
.LBB2_8:
0x114: {  	s0 =	sadd.s32 $0x80, s30  }
0x115: {  	[sflag:s16] =	ssyncadd.s32 $0xFFFFC000;
	s1 =	smov.u32 s31;
	s17 =	sadd.s32 $0x400, s31  }
0x116: {  	[tilespmem:s22], [sflag:$0x2] =	stream.indirect.gather [hbm4b:s7+s20], $0x80, s0, s20, $0xb8;
	[tilespmem:$0x1E800] =	vst v63  }
0x117: {  	p0 =	sne.s32 s31, $0x4800;
	_ =	swait.ge [sflag:s23], $0x4000  }
0x118: {  	[sflag:s23] =	ssyncset.done $0x0  }
0x119: {  	s0 =	sadd.s32 $0x1400, s30;
	[sflag:s23] =	ssyncadd.s32 $0xFFFFC000  }
0x11a: {  	[spmem:s2] =	stream.indirect.scatter.add.f32 [tilespmem:s21], [sflag:$0x3], $0x80, s0, s20, $0xb8;
	[tilespmem:$0x1E800] =	vst v63  }
0x11b: {  	_ =	swait.ge [sflag:s16], $0x4000  }
0x11c: {  	[sflag:s16] =	ssyncset.done $0x0  }
0x11d: {  	s0 =	sadd.s32 $0x100, s30;
	[sflag:s16] =	ssyncadd.s32 $0xFFFFC000  }
0x11e: {  	[tilespmem:s21], [sflag:$0x1] =	stream.indirect.gather [hbm4b:s7+s20], $0x80, s0, s20, $0xb8;
	[tilespmem:$0x1E800] =	vst v63  }
0x11f: {  	_ =	swait.ge [sflag:s24], $0x4000  }
.Ltmp3:
0x120: {  	[sflag:s24] =	ssyncset.done $0x0;
	(pc) =	sbr.rel @p0 .LBB2_8-.Ltmp3, $4  }
0x121: {  	s0 =	sadd.s32 $0x1480, s30;
	[sflag:s24] =	ssyncadd.s32 $0xFFFFC000  }
0x122: {  	[spmem:s2] =	stream.indirect.scatter.add.f32 [tilespmem:s22], [sflag:$0x3], $0x80, s0, s20, $0xb8;
	[tilespmem:$0x1E800] =	vst v63  }
0x123: {  	_ =	swait.ge [sflag:s16], $0x4000  }
0x124: {  	s31 =	smov.u32 s17;
	s30 =	sshra.s32 s1, $0x2;
	[sflag:s16] =	ssyncset.done $0x0  }
0x125: {  	s0 =	sadd.s32 $0x80, s30;
	[sflag:s16] =	ssyncadd.s32 $0xFFFFC000  }
0x126: {  	[tilespmem:s22], [sflag:$0x2] =	stream.indirect.gather [hbm4b:s7+s20], $0x80, s0, s20, $0xb8;
	[tilespmem:$0x1E800] =	vst v63  }
0x127: {  	_ =	swait.ge [sflag:s23], $0x4000  }
0x128: {  	[sflag:s23] =	ssyncset.done $0x0  }
0x129: {  	s1 =	sadd.s32 $0x1400, s30;
	[sflag:s23] =	ssyncadd.s32 $0xFFFFC000  }
0x12a: {  	[spmem:s2] =	stream.indirect.scatter.add.f32 [tilespmem:s21], [sflag:$0x3], $0x80, s1, s20, $0xb8;
	[tilespmem:$0x1E800] =	vst v63  }
0x12b: {  	_ =	swait.ge [sflag:s16], $0x4000  }
0x12c: {  	[sflag:s16] =	ssyncset.done $0x0  }
0x12d: {  	s17 =	sadd.s32 $0x100, s30;
	[sflag:s16] =	ssyncadd.s32 $0xFFFFC000  }
0x12e: {  	[tilespmem:s21], [sflag:$0x1] =	stream.indirect.gather [hbm4b:s7+s20], $0x80, s17, s20, $0xb8;
	[tilespmem:$0x1E800] =	vst v63  }
0x12f: {  	_ =	swait.ge [sflag:s24], $0x4000  }
0x130: {  	[sflag:s24] =	ssyncset.done $0x0  }
0x131: {  	s31 =	sadd.s32 $0x1480, s30;
	[sflag:s24] =	ssyncadd.s32 $0xFFFFC000  }
0x132: {  	[spmem:s2] =	stream.indirect.scatter.add.f32 [tilespmem:s22], [sflag:$0x3], $0x80, s31, s20, $0xb8;
	[tilespmem:$0x1E800] =	vst v63  }
0x133: {  	_ =	swait.ge [sflag:s16], $0x4000  }
0x134: {  	[sflag:s16] =	ssyncset.done $0x0  }
0x135: {  	[sflag:s16] =	ssyncadd.s32 $0xFFFFC000  }
0x136: {  	[tilespmem:s22], [sflag:$0x2] =	stream.indirect.gather [hbm4b:s7+s20], $0x80, s25, s20, $0xb8;
	[tilespmem:$0x1E800] =	vst v63  }
0x137: {  	_ =	swait.ge [sflag:s23], $0x4000  }
0x138: {  	[sflag:s23] =	ssyncset.done $0x0  }
0x139: {  	[sflag:s23] =	ssyncadd.s32 $0xFFFFC000  }
0x13a: {  	[spmem:s2] =	stream.indirect.scatter.add.f32 [tilespmem:s21], [sflag:$0x3], $0x80, s26, s20, $0xb8;
	[tilespmem:$0x1E800] =	vst v63  }
0x13b: {  	_ =	swait.ge [sflag:s16], $0x4000  }
0x13c: {  	[sflag:s16] =	ssyncset.done $0x0  }
0x13d: {  	[sflag:s16] =	ssyncadd.s32 $0xFFFFC000  }
0x13e: {  	_ =	swait.ge [sflag:s24], $0x4000  }
0x13f: {  	[sflag:s24] =	ssyncset.done $0x0  }
0x140: {  	[sflag:s24] =	ssyncadd.s32 $0xFFFFC000  }
0x141: {  	[spmem:s2] =	stream.indirect.scatter.add.f32 [tilespmem:s22], [sflag:$0x3], $0x80, s28, s20, $0xb8;
	[tilespmem:$0x1E800] =	vst v63  }
0x142: {  	_ =	swait.ge [sflag:s16], $0x4000  }
0x143: {  	s29 =	sadd.s32 $0x1, s29;
	[sflag:s16] =	ssyncset.done $0x0  }
0x144: {  	p0 =	sne.s32 s29, s15;
	[sflag:s16] =	ssyncadd.s32 $0xFFFFC000  }
.Ltmp4:
0x145: {  	[bflag:$0x0] =	sbarrier.arrive $0xFFFF;
	(pc) =	sbr.rel @p0 .LBB2_1-.Ltmp4, $4  }
0x146: {  	[hbm:s14], [sflag:s18] =	dma.local [spmem:s19], $0x2800  }
0x147: {  	_ =	swait.ge [sflag:s16], $0x2800  }
0x148: {  	[sflag:s16] =	ssyncset.done $0x0  }
0x149: {  	[sflag:s16] =	ssyncadd.s32 $0xFFFFD800  }
0x14a: {  	_ =	sfence.sel $0x180000  }
0x14b: {  	[bflag:$0x0] =	sbarrier.arrive $0xFFFF  }
0x14c: {  	_ =	strace $0x9000004A  }
0x14d: {  	s0 =	stileid.u32;
	[bflag:$0x2] =	sbarrier.arrive $0xFFFF  }
0x14e: {  	p0 =	sne.s32 s0, $0x0;
	s0 =	rddreg [dreg:$0x2]  }
0x14f: {  	s0 =	sadd.s32 @!p0 $0x100000, s0  }
0x150: {  	[sflag:s0] =	ssyncadd.tile.s32 @!p0 $0x1;
	_ =	shalt  }
.Lfunc_end2:
_tile_overlayer_lowered:
.L_overlay_start_2:
0x151: {  	(tag) =	ssettag $0x2  }
0x152: {  	s0 =	rddreg [dreg:$0x0];
	s2 =	stileid.u32  }
0x153: {  	s1 =	rddreg [dreg:$0x1];
	p0 =	sne.s32 s2, $0x0  }
0x154: {  	s3 =	rddreg [dreg:$0x2];
	[bflag:$0x3] =	sbarrier.arrive $0xFFFF;
	s2 =	simm.s32 @!p0 $0x1C03  }
0x155: {  	[timem:s3], [sflag:s2] =	dma.local @!p0 [hbm:s0], s1  }
0x156: {  	s0 =	simm.s32 @!p0 $0x3  }
0x157: {  	_ =	swait.ge @!p0 [sflag:s0], s1  }
0x158: {  	s1 =	ssub.s32 @!p0 $0x0, s1;
	[sflag:s0] =	ssyncset.done @!p0 $0x0  }
0x159: {  	[sflag:s0] =	ssyncadd.s32 @!p0 s1  }
0x15a: {  	[bflag:$0x3] =	sbarrier.arrive $0xFFFF  }
0x15b: {  	_ =	shalt  }

</sc_bundles>
